<compile_context>
chip_gen: v7x
topology: tpu7x:2x2x1
jax: 0.10.2.dev20260603
libtpu: 0.0.44.dev20260713+nightly
codegen_flags: <defaults>
</compile_context>

<pallas_src>
import functools

import jax
import jax.numpy as jnp
from jax import lax
from jax.experimental import pallas as pl
from jax.experimental.pallas import tpu as pltpu
from jax.experimental.pallas import tpu_sc as plsc

CENTER_VAR = 0.1
SIZE_VAR = 0.2
SCORE_THR = 0.01
IOU_THR = 0.45
K = 200
MAX_DET = 100
B, N, C = 8, 20000, 81
NCLS = C - 1
NROWS = B * NCLS
L = 16
NWORKERS = 32


def _iota16():
    return lax.broadcasted_iota(jnp.int32, (L,), 0)


def _splat_to_scalar(v):
    return v[0]


def _radix_select_topk(row_val, row_idx, hist, scnt, out_val, out_idx, m_total, k_sel):
    lanes = _iota16()
    ones = jnp.ones((L,), jnp.int32)
    lane_base = lanes * 256

    m_cur = m_total
    k_rem = k_sel
    out_off = jnp.int32(0)

    for level, shift in enumerate((24, 16, 8, 0)):
        def zero_body(j, _):
            hist[pl.ds(j * L, L)] = jnp.zeros((L,), jnp.int32)
            return 0
        lax.fori_loop(0, 256, zero_body, 0)

        def hist_body(j, _, shift=shift):
            v = row_val[pl.ds(j * L, L)]
            key = lax.bitcast_convert_type(v, jnp.int32)
            digit = lax.shift_right_logical(key, shift) & 255
            valid = (j * L + lanes) < m_cur
            plsc.addupdate_scatter(hist, [digit + lane_base], ones, mask=valid)
            return 0
        n_chunks = (m_cur + (L - 1)) // L
        lax.fori_loop(0, n_chunks, hist_body, 0)

        def suffix_body(i, carry_and_count):
            carry, count_ge = carry_and_count
            d = 15 - i
            tot = hist[pl.ds(d * L, L)]
            for l in range(1, L):
                tot = tot + hist[pl.ds(l * 256 + d * L, L)]
            sfx = lax.rev(plsc.cumsum(lax.rev(tot, (0,))), (0,)) + carry
            scnt[pl.ds(d * L, L)] = sfx
            carry = jnp.broadcast_to(sfx[0], (L,))
            ge = sfx >= jnp.broadcast_to(k_rem, (L,))
            count_ge = count_ge + _splat_to_scalar(plsc.all_reduce_population_count(ge))
            return carry, count_ge
        _, count_ge = lax.fori_loop(
            0, 16, suffix_body, (jnp.zeros((L,), jnp.int32), jnp.int32(0)))
        t = count_ge - 1
        nxt = scnt[pl.ds(t + 1, L)]
        cnt_gt = jnp.max(nxt)
        m_next_sel = k_rem - cnt_gt

        t_splat = jnp.broadcast_to(t, (L,))

        def compact_body(j, offs, shift=shift, level=level):
            ooff, eoff = offs
            v = row_val[pl.ds(j * L, L)]
            key = lax.bitcast_convert_type(v, jnp.int32)
            digit = lax.shift_right_logical(key, shift) & 255
            if level == 0:
                idx = j * L + lanes
            else:
                idx = row_idx[pl.ds(j * L, L)]
            valid = (j * L + lanes) < m_cur
            sel = (digit > t_splat) & valid
            eq = (digit == t_splat) & valid
            plsc.store_compressed(out_val.at[pl.ds(ooff, L)], v, mask=sel)
            plsc.store_compressed(out_idx.at[pl.ds(ooff, L)], idx, mask=sel)
            plsc.store_compressed(row_val.at[pl.ds(eoff, L)], v, mask=eq)
            plsc.store_compressed(row_idx.at[pl.ds(eoff, L)], idx, mask=eq)
            ooff = ooff + _splat_to_scalar(plsc.all_reduce_population_count(sel))
            eoff = eoff + _splat_to_scalar(plsc.all_reduce_population_count(eq))
            return ooff, eoff
        out_off, e_off = lax.fori_loop(
            0, n_chunks, compact_body, (out_off, jnp.int32(0)))
        m_cur = e_off
        k_rem = m_next_sel

    def tie_body(j, ooff):
        v = row_val[pl.ds(j * L, L)]
        idx = row_idx[pl.ds(j * L, L)]
        take = (j * L + lanes) < k_rem
        plsc.store_compressed(out_val.at[pl.ds(ooff, L)], v, mask=take)
        plsc.store_compressed(out_idx.at[pl.ds(ooff, L)], idx, mask=take)
        return ooff + _splat_to_scalar(plsc.all_reduce_population_count(take))
    lax.fori_loop(0, (k_rem + (L - 1)) // L, tie_body, out_off)


def _k2_body(scores_hbm, boxes_hbm, cand_val_hbm, cand_boxes_hbm,
             row_val, row_idx, hist, scnt, out_val, out_idx,
             idx_a, idx_b, boxbuf_a, boxbuf_b, sem):
    wid = lax.axis_index("s") * 2 + lax.axis_index("c")
    rows_per = NROWS // NWORKERS
    b = (wid * rows_per) // NCLS

    def z_body(j, _):
        scnt[pl.ds(256 + j * L, L)] = jnp.zeros((L,), jnp.int32)
        out_idx[pl.ds(K + j * L, L)] = jnp.zeros((L,), jnp.int32)
        return 0
    lax.fori_loop(0, 1, z_body, 0)

    def row_body(i, _):
        r = wid * rows_per + i
        cls = r % NCLS + 1
        pltpu.sync_copy(scores_hbm.at[b, cls], row_val)
        _radix_select_topk(row_val, row_idx, hist, scnt, out_val, out_idx,
                           jnp.int32(N), jnp.int32(K))
        def i_body(j, _):
            idx_a[pl.ds(j * L, L)] = out_idx[pl.ds(j * L, L)]
            idx_b[pl.ds(j * L, L)] = out_idx[pl.ds(112 + j * L, L)]
            return 0
        lax.fori_loop(0, 112 // L, i_body, 0)
        ca = pltpu.make_async_copy(boxes_hbm.at[b].at[idx_a], boxbuf_a, sem)
        cb_ = pltpu.make_async_copy(boxes_hbm.at[b].at[idx_b], boxbuf_b, sem)
        ca.start()
        cb_.start()
        ca.wait()
        cb_.wait()
        pltpu.sync_copy(out_val.at[pl.ds(0, K)], cand_val_hbm.at[r])
        pltpu.sync_copy(boxbuf_a.at[:, pl.ds(0, 4)],
                        cand_boxes_hbm.at[r, pl.ds(0, 112)])
        pltpu.sync_copy(boxbuf_b.at[pl.ds(0, K - 112), pl.ds(0, 4)],
                        cand_boxes_hbm.at[r, pl.ds(112, K - 112)])
        return 0
    lax.fori_loop(0, rows_per, row_body, 0)


@jax.jit
def _k2_select(scores_t, boxes):
    mesh = plsc.VectorSubcoreMesh(core_axis_name="c", subcore_axis_name="s",
                                  num_cores=2, num_subcores=16)
    f = pl.kernel(
        _k2_body,
        out_type=[jax.ShapeDtypeStruct((NROWS, K), jnp.float32),
                  jax.ShapeDtypeStruct((NROWS, K, 4), jnp.float32)],
        mesh=mesh,
        scratch_types=[
            pltpu.VMEM((N,), jnp.float32),
            pltpu.VMEM((N,), jnp.int32),
            pltpu.VMEM((16 * 256,), jnp.int32),
            pltpu.VMEM((272,), jnp.int32),
            pltpu.VMEM((224,), jnp.float32),
            pltpu.VMEM((224,), jnp.int32),
            pltpu.VMEM((112,), jnp.int32),
            pltpu.VMEM((112,), jnp.int32),
            pltpu.VMEM((112, 16), jnp.float32),
            pltpu.VMEM((112, 16), jnp.float32),
            pltpu.SemaphoreType.DMA,
        ],
        compiler_params=pltpu.CompilerParams(needs_layout_passes=False,
                                             use_tc_tiling_on_sc=False),
    )
    return f(scores_t, boxes)


def kernel(cls_logits, bbox_pred, priors):
    cxcy = bbox_pred[..., :2] * CENTER_VAR * priors[..., 2:] + priors[..., :2]
    wh = jnp.exp(bbox_pred[..., 2:] * SIZE_VAR) * priors[..., 2:]
    boxes = jnp.concatenate([cxcy - wh / 2.0, cxcy + wh / 2.0], axis=-1)
    boxes16 = jnp.pad(boxes, ((0, 0), (0, 0), (0, 12)))
    scores_t = jnp.transpose(jax.nn.softmax(cls_logits, axis=2), (0, 2, 1))

    topv, cand_boxes = _k2_select(scores_t, boxes16)
    topv = topv.reshape(B, NCLS, K)
    cand_boxes = cand_boxes.reshape(B, NCLS, K, 4)

    area = (cand_boxes[..., 2] - cand_boxes[..., 0]) * (cand_boxes[..., 3] - cand_boxes[..., 1])
    lt = jnp.maximum(cand_boxes[..., :, None, :2], cand_boxes[..., None, :, :2])
    rb = jnp.minimum(cand_boxes[..., :, None, 2:], cand_boxes[..., None, :, 2:])
    whp = jnp.clip(rb - lt, 0.0)
    inter = whp[..., 0] * whp[..., 1]
    union = area[..., :, None] + area[..., None, :] - inter
    iou = inter / jnp.maximum(union, 1e-8)
    higher = topv[..., None, :] > topv[..., :, None]
    suppressed = jnp.any((iou > IOU_THR) & higher, axis=-1)
    keep = jnp.logical_and(jnp.logical_not(suppressed), topv > SCORE_THR)
    kept_scores = topv * keep.astype(topv.dtype)

    flat_scores = kept_scores.reshape(B, -1)
    flat_boxes = cand_boxes.reshape(B, -1, 4)
    fs, fi = jax.lax.top_k(flat_scores, MAX_DET)
    fb = jnp.take_along_axis(flat_boxes, fi[..., None], axis=1)
    return jnp.concatenate([fb, fs[..., None]], axis=-1)

# --- scband reference (transcript-rebuilt; emitter-appended) ---
"""Pipeline reference for scband-box-head-5703716569321 (READ-ONLY COPY).

The authoritative reference and input builder live on the scoring server;
editing this copy changes nothing except your own understanding.
"""

import jax, jax.numpy as jnp
import numpy as np

B, N, C = 8, 20000, 81
K = 200          # pre-NMS candidates per class
MAX_DET = 100    # final detections per image
CENTER_VAR = 0.1
SIZE_VAR = 0.2
SCORE_THR = 0.01
IOU_THR = 0.45


def setup_inputs(seed: int = 0) -> dict:
    key = jax.random.key(seed)
    k1, k2, k3, k4 = jax.random.split(key, 4)
    cls_logits = jax.random.normal(k1, (B, N, C), dtype=jnp.float32)
    bbox_pred = jax.random.normal(k2, (B, N, 4), dtype=jnp.float32)
    # priors in center form (cx, cy, w, h), normalized coords -- module state built in __init__
    centers = jax.random.uniform(k3, (N, 2), minval=0.05, maxval=0.95)
    sizes = jax.random.uniform(k4, (N, 2), minval=0.02, maxval=0.3)
    priors = jnp.concatenate([centers, sizes], axis=1).astype(jnp.float32)
    return {"cls_logits": cls_logits, "bbox_pred": bbox_pred, "priors": priors}


def location2box(locations, priors, center_var, size_var):
    cxcy = locations[..., :2] * center_var * priors[..., 2:] + priors[..., :2]
    wh = jnp.exp(locations[..., 2:] * size_var) * priors[..., 2:]
    return jnp.concatenate([cxcy, wh], axis=-1)


def center2corner(boxes):
    return jnp.concatenate([boxes[..., :2] - boxes[..., 2:] / 2.0,
                            boxes[..., :2] + boxes[..., 2:] / 2.0], axis=-1)


def pairwise_iou(boxes):
    # boxes: [..., K, 4] corner form -> iou [..., K, K]
    area = (boxes[..., 2] - boxes[..., 0]) * (boxes[..., 3] - boxes[..., 1])
    lt = jnp.maximum(boxes[..., :, None, :2], boxes[..., None, :, :2])
    rb = jnp.minimum(boxes[..., :, None, 2:], boxes[..., None, :, 2:])
    wh = jnp.clip(rb - lt, 0.0)
    inter = wh[..., 0] * wh[..., 1]
    union = area[..., :, None] + area[..., None, :] - inter
    return inter / jnp.maximum(union, 1e-8)


def reference(cls_logits, bbox_pred, priors):
    # _test path of BoxHead: decode -> softmax -> corner form -> processor (per-class NMS)
    boxes_c = location2box(bbox_pred, priors, CENTER_VAR, SIZE_VAR)      # [B,N,4] center form
    scores = jax.nn.softmax(cls_logits, axis=2)                           # [B,N,C]
    boxes = center2corner(boxes_c)                                        # [B,N,4]
    # drop background class 0, per-class candidate selection
    cls_scores = jnp.transpose(scores[:, :, 1:], (0, 2, 1))               # [B,C-1,N]
    topv, topi = jax.lax.top_k(cls_scores, K)                             # [B,C-1,K]
    cand_boxes = jnp.take_along_axis(boxes[:, None, :, :], topi[..., None], axis=2)  # [B,C-1,K,4]
    # vectorized NMS: suppress box i if a higher-scoring box j overlaps > IOU_THR
    iou = pairwise_iou(cand_boxes)                                        # [B,C-1,K,K]
    higher = topv[..., None, :] > topv[..., :, None]
    suppressed = jnp.any((iou > IOU_THR) & higher, axis=-1)
    keep = jnp.logical_and(jnp.logical_not(suppressed), topv > SCORE_THR)
    kept_scores = topv * keep.astype(topv.dtype)                          # [B,C-1,K]
    # merge across classes: global top MAX_DET per image
    flat_scores = kept_scores.reshape(kept_scores.shape[0], -1)           # [B,(C-1)*K]
    flat_boxes = cand_boxes.reshape(cand_boxes.shape[0], -1, 4)
    fs, fi = jax.lax.top_k(flat_scores, MAX_DET)                          # [B,MAX_DET]
    fb = jnp.take_along_axis(flat_boxes, fi[..., None], axis=1)           # [B,MAX_DET,4]
    return jnp.concatenate([fb, fs[..., None]], axis=-1)                  # [B,MAX_DET,5]

if __name__ == "__main__":
    import jax
    _d = setup_inputs()
    print(jax.jit(kernel)(*tuple(_d.values())))

</pallas_src>

<mosaic_0001>
#map = affine_map<(d0, d1) -> (0, 0, 0)>
#map1 = affine_map<(d0, d1) -> (0, 0)>
module attributes {stable_mosaic.version = 14 : i64} {
  func.func @_k2_body(%arg0: i32, %arg1: i32, %arg2: memref<8x81x20000xf32, #tpu.memory_space<hbm>>, %arg3: memref<8x20000x16xf32, #tpu.memory_space<hbm>>, %arg4: memref<640x200xf32, #tpu.memory_space<hbm>>, %arg5: memref<640x200x4xf32, #tpu.memory_space<hbm>>, %arg6: memref<20000xf32, #tpu.memory_space<vmem>>, %arg7: memref<20000xi32, #tpu.memory_space<vmem>>, %arg8: memref<4096xi32, #tpu.memory_space<vmem>>, %arg9: memref<272xi32, #tpu.memory_space<vmem>>, %arg10: memref<224xf32, #tpu.memory_space<vmem>>, %arg11: memref<224xi32, #tpu.memory_space<vmem>>, %arg12: memref<112xi32, #tpu.memory_space<vmem>>, %arg13: memref<112xi32, #tpu.memory_space<vmem>>, %arg14: memref<112x16xf32, #tpu.memory_space<vmem>>, %arg15: memref<112x16xf32, #tpu.memory_space<vmem>>, %arg16: memref<!tpu.dma_semaphore, #tpu.memory_space<semaphore_mem>>) attributes {dimension_semantics = [#tpu.dimension_semantics<core_parallel>, #tpu.dimension_semantics<subcore_parallel>], iteration_bounds = array<i64: 2, 16>, scalar_prefetch = 0 : i64, scratch_operands = 11 : i64, tpu.core_type = #tpu.core_type<sc_vector_subcore>, window_params = [{transform_indices = #map}, {transform_indices = #map}, {transform_indices = #map1}, {transform_indices = #map}]} {
    %mul3A = arith.constant 2 : i32
    %mul3A_0 = arith.muli %arg1, %mul3A : i32
    %add3A = arith.addi %mul3A_0, %arg0 : i32
    %mul3A_1 = arith.constant 20 : i32
    %mul3A_2 = arith.muli %add3A, %mul3A_1 : i32
    %jit3A = arith.constant 80 : i32
    %div3A = arith.divsi %mul3A_2, %jit3A : i32
    %sign3A = arith.constant 0 : i32
    %sign3A_3 = arith.cmpi sgt, %mul3A_2, %sign3A : i32
    %sign3A_4 = arith.extui %sign3A_3 : i1 to i32
    %sign3A_5 = arith.constant 0 : i32
    %sign3A_6 = arith.cmpi slt, %mul3A_2, %sign3A_5 : i32
    %sign3A_7 = arith.extui %sign3A_6 : i1 to i32
    %sign3A_8 = arith.subi %sign3A_4, %sign3A_7 : i32
    %sign3A_9 = arith.constant 0 : i32
    %sign3A_10 = arith.cmpi sgt, %jit3A, %sign3A_9 : i32
    %sign3A_11 = arith.extui %sign3A_10 : i1 to i32
    %sign3A_12 = arith.constant 0 : i32
    %sign3A_13 = arith.cmpi slt, %jit3A, %sign3A_12 : i32
    %sign3A_14 = arith.extui %sign3A_13 : i1 to i32
    %sign3A_15 = arith.subi %sign3A_11, %sign3A_14 : i32
    %ne3A = arith.cmpi ne, %sign3A_8, %sign3A_15 : i32
    %rem3A = arith.remsi %mul3A_2, %jit3A : i32
    %ne3A_16 = arith.constant 0 : i32
    %ne3A_17 = arith.cmpi ne, %rem3A, %ne3A_16 : i32
    %and3A = arith.andi %ne3A, %ne3A_17 : i1
    %sub3A = arith.constant 1 : i32
    %sub3A_18 = arith.subi %div3A, %sub3A : i32
    %select_n3A = arith.select %and3A, %sub3A_18, %div3A : i32
    %scan3A = arith.constant 0 : i32
    %scan3A_19 = arith.constant 0 : i32
    %broadcast_in_dim3A = arith.constant 0 : i32
    %broadcast_in_dim3A_20 = vector.broadcast %broadcast_in_dim3A : i32 to vector<16xi32>
    %mul3A_21 = arith.constant 16 : i32
    %mul3A_22 = arith.muli %scan3A_19, %mul3A_21 : i32
    %add3A_23 = arith.constant 256 : i32
    %add3A_24 = arith.addi %add3A_23, %mul3A_22 : i32
    %swap3A = arith.index_cast %add3A_24 : i32 to index
    %swap3A_25 = tpu.vector_load %arg9[%swap3A] {strides = array<i32>} : memref<272xi32, #tpu.memory_space<vmem>>, vector<16xi32>,
    tpu.vector_store %arg9[%swap3A], %broadcast_in_dim3A_20 {strides = array<i32>} : memref<272xi32, #tpu.memory_space<vmem>>, vector<16xi32>,
    %broadcast_in_dim3A_26 = arith.constant 0 : i32
    %broadcast_in_dim3A_27 = vector.broadcast %broadcast_in_dim3A_26 : i32 to vector<16xi32>
    %mul3A_28 = arith.constant 16 : i32
    %mul3A_29 = arith.muli %scan3A_19, %mul3A_28 : i32
    %add3A_30 = arith.constant 200 : i32
    %add3A_31 = arith.addi %add3A_30, %mul3A_29 : i32
    %swap3A_32 = arith.index_cast %add3A_31 : i32 to index
    %swap3A_33 = tpu.vector_load %arg11[%swap3A_32] {strides = array<i32>} : memref<224xi32, #tpu.memory_space<vmem>>, vector<16xi32>,
    tpu.vector_store %arg11[%swap3A_32], %broadcast_in_dim3A_27 {strides = array<i32>} : memref<224xi32, #tpu.memory_space<vmem>>, vector<16xi32>,
    %scan3A_34 = arith.constant 0 : i32
    %scan3A_35 = arith.constant 1 : i32
    %scan3A_36 = arith.constant 0 : i32
    %scan3A_37 = arith.constant 0 : i32
    %scan3A_38 = arith.constant 20 : i32
    %scan3A_39 = arith.addi %scan3A_37, %scan3A_38 : i32
    %scan3A_40 = arith.constant 1 : i32
    %scan3A_41 = scf.for %scan3A_43 = %scan3A_37 to %scan3A_39 step %scan3A_40 iter_args(%scan3A_44 = %scan3A_36) -> (i32)  : i32 {
      %mul3A_45 = arith.constant 20 : i32
      %mul3A_46 = arith.muli %add3A, %mul3A_45 : i32
      %add3A_47 = arith.addi %mul3A_46, %scan3A_43 : i32
      %jit3A_48 = arith.constant 80 : i32
      %eq3A = arith.constant 0 : i32
      %eq3A_49 = arith.cmpi eq, %jit3A_48, %eq3A : i32
      %jit3A_50 = arith.constant 1 : i32
      %select_n3A_51 = arith.select %eq3A_49, %jit3A_50, %jit3A_48 : i32
      %rem3A_52 = arith.remsi %add3A_47, %select_n3A_51 : i32
      %ne3A_53 = arith.constant 0 : i32
      %ne3A_54 = arith.cmpi ne, %rem3A_52, %ne3A_53 : i32
      %lt3A = arith.constant 0 : i32
      %lt3A_55 = arith.cmpi slt, %rem3A_52, %lt3A : i32
      %lt3A_56 = arith.constant 0 : i32
      %lt3A_57 = arith.cmpi slt, %select_n3A_51, %lt3A_56 : i32
      %ne3A_58 = arith.xori %lt3A_55, %lt3A_57 : i1
      %and3A_59 = arith.andi %ne3A_58, %ne3A_54 : i1
      %add3A_60 = arith.addi %rem3A_52, %select_n3A_51 : i32
      %select_n3A_61 = arith.select %and3A_59, %add3A_60, %rem3A_52 : i32
      %add3A_62 = arith.constant 1 : i32
      %add3A_63 = arith.addi %select_n3A_61, %add3A_62 : i32
      "tpu.region"() ({
        %run_scoped3A = tpu.sem_alloc : memref<!tpu.dma_semaphore, #tpu.memory_space<semaphore_mem>>
        %dma_start3A_471 = arith.constant 0 : i32
        %dma_start3A_472 = tpu.memref_slice %arg2[%select_n3A, %add3A_63, %dma_start3A_471] : memref<8x81x20000xf32, #tpu.memory_space<hbm>> -> memref<1x1x20000xf32, #tpu.memory_space<hbm>>
        %dma_start3A_473 = tpu.memref_squeeze %dma_start3A_472 : memref<1x1x20000xf32, #tpu.memory_space<hbm>> -> memref<20000xf32, #tpu.memory_space<hbm>>
        %dma_start3A_474 = arith.constant 0 : i32
        %dma_start3A_475 = tpu.memref_slice %arg2[%select_n3A, %add3A_63, %dma_start3A_474] : memref<8x81x20000xf32, #tpu.memory_space<hbm>> -> memref<1x1x20000xf32, #tpu.memory_space<hbm>>
        %dma_start3A_476 = tpu.memref_squeeze %dma_start3A_475 : memref<1x1x20000xf32, #tpu.memory_space<hbm>> -> memref<20000xf32, #tpu.memory_space<hbm>>
        tpu.enqueue_dma source(%dma_start3A_476 : memref<20000xf32, #tpu.memory_space<hbm>>) target(%arg6 : memref<20000xf32, #tpu.memory_space<vmem>>) target_semaphore(%run_scoped3A : memref<!tpu.dma_semaphore, #tpu.memory_space<semaphore_mem>>)
        %dma_wait3A_477 = arith.constant 0 : i32
        %dma_wait3A_478 = tpu.memref_slice %arg2[%select_n3A, %add3A_63, %dma_wait3A_477] : memref<8x81x20000xf32, #tpu.memory_space<hbm>> -> memref<1x1x20000xf32, #tpu.memory_space<hbm>>
        %dma_wait3A_479 = tpu.memref_squeeze %dma_wait3A_478 : memref<1x1x20000xf32, #tpu.memory_space<hbm>> -> memref<20000xf32, #tpu.memory_space<hbm>>
        %dma_wait3A_480 = arith.constant 0 : i32
        %dma_wait3A_481 = tpu.memref_slice %arg2[%select_n3A, %add3A_63, %dma_wait3A_480] : memref<8x81x20000xf32, #tpu.memory_space<hbm>> -> memref<1x1x20000xf32, #tpu.memory_space<hbm>>
        %dma_wait3A_482 = tpu.memref_squeeze %dma_wait3A_481 : memref<1x1x20000xf32, #tpu.memory_space<hbm>> -> memref<20000xf32, #tpu.memory_space<hbm>>
        tpu.wait_dma2 semaphore(%run_scoped3A : memref<!tpu.dma_semaphore, #tpu.memory_space<semaphore_mem>>) src(%dma_wait3A_482 : memref<20000xf32, #tpu.memory_space<hbm>>) dst(%arg6 : memref<20000xf32, #tpu.memory_space<vmem>>)
        tpu.yield
      }) : () -> ()
      %iota3A = tpu.iota {dimensions = array<i32: 0>} : vector<16xi32>
      %broadcast_in_dim3A_64 = arith.constant 1 : i32
      %broadcast_in_dim3A_65 = vector.broadcast %broadcast_in_dim3A_64 : i32 to vector<16xi32>
      %mul3A_66 = arith.constant 256 : i32
      %mul3A_67 = vector.broadcast %mul3A_66 : i32 to vector<16xi32>
      %mul3A_68 = arith.muli %iota3A, %mul3A_67 : vector<16xi32>
      %scan3A_69 = arith.constant 0 : i32
      %scan3A_70 = arith.constant 0 : i32
      %scan3A_71 = arith.constant 256 : i32
      %scan3A_72 = arith.addi %scan3A_70, %scan3A_71 : i32
      %scan3A_73 = arith.constant 1 : i32
      %scan3A_74 = scf.for %scan3A_471 = %scan3A_70 to %scan3A_72 step %scan3A_73 iter_args(%scan3A_472 = %scan3A_69) -> (i32)  : i32 {
        %broadcast_in_dim3A_473 = arith.constant 0 : i32
        %broadcast_in_dim3A_474 = vector.broadcast %broadcast_in_dim3A_473 : i32 to vector<16xi32>
        %mul3A_475 = arith.constant 16 : i32
        %mul3A_476 = arith.muli %scan3A_471, %mul3A_475 : i32
        %swap3A_477 = arith.index_cast %mul3A_476 : i32 to index
        %swap3A_478 = tpu.vector_load %arg8[%swap3A_477] {strides = array<i32>} : memref<4096xi32, #tpu.memory_space<vmem>>, vector<16xi32>,
        tpu.vector_store %arg8[%swap3A_477], %broadcast_in_dim3A_474 {strides = array<i32>} : memref<4096xi32, #tpu.memory_space<vmem>>, vector<16xi32>,
        %scan3A_479 = arith.constant 0 : i32
        scf.yield %scan3A_479 : i32
      }
      %scan3A_75 = arith.constant 256 : i32
      %add3A_76 = arith.constant 20000 : i32
      %add3A_77 = arith.constant 15 : i32
      %add3A_78 = arith.addi %add3A_76, %add3A_77 : i32
      %jit3A_79 = arith.constant 16 : i32
      %div3A_80 = arith.divsi %add3A_78, %jit3A_79 : i32
      %sign3A_81 = arith.constant 0 : i32
      %sign3A_82 = arith.cmpi sgt, %add3A_78, %sign3A_81 : i32
      %sign3A_83 = arith.extui %sign3A_82 : i1 to i32
      %sign3A_84 = arith.constant 0 : i32
      %sign3A_85 = arith.cmpi slt, %add3A_78, %sign3A_84 : i32
      %sign3A_86 = arith.extui %sign3A_85 : i1 to i32
      %sign3A_87 = arith.subi %sign3A_83, %sign3A_86 : i32
      %sign3A_88 = arith.constant 0 : i32
      %sign3A_89 = arith.cmpi sgt, %jit3A_79, %sign3A_88 : i32
      %sign3A_90 = arith.extui %sign3A_89 : i1 to i32
      %sign3A_91 = arith.constant 0 : i32
      %sign3A_92 = arith.cmpi slt, %jit3A_79, %sign3A_91 : i32
      %sign3A_93 = arith.extui %sign3A_92 : i1 to i32
      %sign3A_94 = arith.subi %sign3A_90, %sign3A_93 : i32
      %ne3A_95 = arith.cmpi ne, %sign3A_87, %sign3A_94 : i32
      %rem3A_96 = arith.remsi %add3A_78, %jit3A_79 : i32
      %ne3A_97 = arith.constant 0 : i32
      %ne3A_98 = arith.cmpi ne, %rem3A_96, %ne3A_97 : i32
      %and3A_99 = arith.andi %ne3A_95, %ne3A_98 : i1
      %sub3A_100 = arith.constant 1 : i32
      %sub3A_101 = arith.subi %div3A_80, %sub3A_100 : i32
      %select_n3A_102 = arith.select %and3A_99, %sub3A_101, %div3A_80 : i32
      %while3A = arith.constant 20000 : i32
      %while3A_103 = arith.constant 0 : i32
      %while3A_104 = arith.constant 0 : i32
      %while3A_105 = arith.subi %select_n3A_102, %while3A_103 : i32
      %while3A_106 = arith.addi %while3A_103, %while3A_105 : i32
      %while3A_107 = arith.constant 1 : i32
      %while3A_108 = arith.divsi %while3A_105, %while3A_107 : i32
      %while3A_109 = arith.muli %while3A_108, %while3A_107 : i32
      %while3A_110 = arith.addi %while3A_103, %while3A_109 : i32
      %while3A_111 = arith.constant 1 : i32
      %while3A_112 = scf.for %while3A_471 = %while3A_103 to %while3A_110 step %while3A_111 iter_args(%while3A_472 = %while3A_104) -> (i32)  : i32 {
        %mul3A_473 = arith.constant 16 : i32
        %mul3A_474 = arith.muli %while3A_471, %mul3A_473 : i32
        %get3A_475 = arith.index_cast %mul3A_474 : i32 to index
        %get3A_476 = tpu.vector_load %arg6[%get3A_475] {strides = array<i32>} : memref<20000xf32, #tpu.memory_space<vmem>>, vector<16xf32>,
        %bitcast_convert_type3A = tpu.bitcast %get3A_476 : vector<16xf32> -> vector<16xi32>
        %shift_right_logical3A = arith.constant 24 : i32
        %shift_right_logical3A_477 = vector.broadcast %shift_right_logical3A : i32 to vector<16xi32>
        %shift_right_logical3A_478 = arith.shrui %bitcast_convert_type3A, %shift_right_logical3A_477 : vector<16xi32>
        %and3A_479 = arith.constant 255 : i32
        %and3A_480 = vector.broadcast %and3A_479 : i32 to vector<16xi32>
        %and3A_481 = arith.andi %shift_right_logical3A_478, %and3A_480 : vector<16xi32>
        %mul3A_482 = arith.constant 16 : i32
        %mul3A_483 = arith.muli %while3A_471, %mul3A_482 : i32
        %add3A_484 = vector.broadcast %mul3A_483 : i32 to vector<16xi32>
        %add3A_485 = arith.addi %add3A_484, %iota3A : vector<16xi32>
        %lt3A_486 = vector.broadcast %while3A : i32 to vector<16xi32>
        %lt3A_487 = arith.cmpi slt, %add3A_485, %lt3A_486 : vector<16xi32>
        %add3A_488 = arith.addi %and3A_481, %mul3A_68 : vector<16xi32>
        tpu.vector_store_idx %arg8[%add3A_488], %broadcast_in_dim3A_65 masked %lt3A_487 {add = true} : memref<4096xi32, #tpu.memory_space<vmem>>[vector<16xi32>], vector<16xi32>, vector<16xi1>
        %while3A_489 = arith.constant 0 : i32
        scf.yield %while3A_489 : i32
      }
      %while3A_113 = arith.constant 1 : i32
      %while3A_114 = scf.for %while3A_471 = %while3A_110 to %while3A_106 step %while3A_113 iter_args(%while3A_472 = %while3A_112) -> (i32)  : i32 {
        %mul3A_473 = arith.constant 16 : i32
        %mul3A_474 = arith.muli %while3A_471, %mul3A_473 : i32
        %get3A_475 = arith.index_cast %mul3A_474 : i32 to index
        %get3A_476 = tpu.vector_load %arg6[%get3A_475] {strides = array<i32>} : memref<20000xf32, #tpu.memory_space<vmem>>, vector<16xf32>,
        %bitcast_convert_type3A = tpu.bitcast %get3A_476 : vector<16xf32> -> vector<16xi32>
        %shift_right_logical3A = arith.constant 24 : i32
        %shift_right_logical3A_477 = vector.broadcast %shift_right_logical3A : i32 to vector<16xi32>
        %shift_right_logical3A_478 = arith.shrui %bitcast_convert_type3A, %shift_right_logical3A_477 : vector<16xi32>
        %and3A_479 = arith.constant 255 : i32
        %and3A_480 = vector.broadcast %and3A_479 : i32 to vector<16xi32>
        %and3A_481 = arith.andi %shift_right_logical3A_478, %and3A_480 : vector<16xi32>
        %mul3A_482 = arith.constant 16 : i32
        %mul3A_483 = arith.muli %while3A_471, %mul3A_482 : i32
        %add3A_484 = vector.broadcast %mul3A_483 : i32 to vector<16xi32>
        %add3A_485 = arith.addi %add3A_484, %iota3A : vector<16xi32>
        %lt3A_486 = vector.broadcast %while3A : i32 to vector<16xi32>
        %lt3A_487 = arith.cmpi slt, %add3A_485, %lt3A_486 : vector<16xi32>
        %add3A_488 = arith.addi %and3A_481, %mul3A_68 : vector<16xi32>
        tpu.vector_store_idx %arg8[%add3A_488], %broadcast_in_dim3A_65 masked %lt3A_487 {add = true} : memref<4096xi32, #tpu.memory_space<vmem>>[vector<16xi32>], vector<16xi32>, vector<16xi1>
        %while3A_489 = arith.constant 0 : i32
        scf.yield %while3A_489 : i32
      }
      %broadcast_in_dim3A_115 = arith.constant 0 : i32
      %broadcast_in_dim3A_116 = vector.broadcast %broadcast_in_dim3A_115 : i32 to vector<16xi32>
      %scan3A_117 = arith.constant 200 : i32
      %scan3A_118 = arith.constant 0 : i32
      %scan3A_119 = arith.constant 0 : i32
      %scan3A_120 = arith.constant 16 : i32
      %scan3A_121 = arith.addi %scan3A_119, %scan3A_120 : i32
      %scan3A_122 = arith.constant 1 : i32
      %scan3A_123:2 = scf.for %scan3A_471 = %scan3A_119 to %scan3A_121 step %scan3A_122 iter_args(%scan3A_472 = %broadcast_in_dim3A_116, %scan3A_473 = %scan3A_118) -> (vector<16xi32>, i32)  : i32 {
        %sub3A_474 = arith.constant 15 : i32
        %sub3A_475 = arith.subi %sub3A_474, %scan3A_471 : i32
        %mul3A_476 = arith.constant 16 : i32
        %mul3A_477 = arith.muli %sub3A_475, %mul3A_476 : i32
        %get3A_478 = arith.index_cast %mul3A_477 : i32 to index
        %get3A_479 = tpu.vector_load %arg8[%get3A_478] {strides = array<i32>} : memref<4096xi32, #tpu.memory_space<vmem>>, vector<16xi32>,
        %mul3A_480 = arith.constant 16 : i32
        %mul3A_481 = arith.muli %sub3A_475, %mul3A_480 : i32
        %add3A_482 = arith.constant 256 : i32
        %add3A_483 = arith.addi %add3A_482, %mul3A_481 : i32
        %get3A_484 = arith.index_cast %add3A_483 : i32 to index
        %get3A_485 = tpu.vector_load %arg8[%get3A_484] {strides = array<i32>} : memref<4096xi32, #tpu.memory_space<vmem>>, vector<16xi32>,
        %add3A_486 = arith.addi %get3A_479, %get3A_485 : vector<16xi32>
        %mul3A_487 = arith.constant 16 : i32
        %mul3A_488 = arith.muli %sub3A_475, %mul3A_487 : i32
        %add3A_489 = arith.constant 512 : i32
        %add3A_490 = arith.addi %add3A_489, %mul3A_488 : i32
        %get3A_491 = arith.index_cast %add3A_490 : i32 to index
        %get3A_492 = tpu.vector_load %arg8[%get3A_491] {strides = array<i32>} : memref<4096xi32, #tpu.memory_space<vmem>>, vector<16xi32>,
        %add3A_493 = arith.addi %add3A_486, %get3A_492 : vector<16xi32>
        %mul3A_494 = arith.constant 16 : i32
        %mul3A_495 = arith.muli %sub3A_475, %mul3A_494 : i32
        %add3A_496 = arith.constant 768 : i32
        %add3A_497 = arith.addi %add3A_496, %mul3A_495 : i32
        %get3A_498 = arith.index_cast %add3A_497 : i32 to index
        %get3A_499 = tpu.vector_load %arg8[%get3A_498] {strides = array<i32>} : memref<4096xi32, #tpu.memory_space<vmem>>, vector<16xi32>,
        %add3A_500 = arith.addi %add3A_493, %get3A_499 : vector<16xi32>
        %mul3A_501 = arith.constant 16 : i32
        %mul3A_502 = arith.muli %sub3A_475, %mul3A_501 : i32
        %add3A_503 = arith.constant 1024 : i32
        %add3A_504 = arith.addi %add3A_503, %mul3A_502 : i32
        %get3A_505 = arith.index_cast %add3A_504 : i32 to index
        %get3A_506 = tpu.vector_load %arg8[%get3A_505] {strides = array<i32>} : memref<4096xi32, #tpu.memory_space<vmem>>, vector<16xi32>,
        %add3A_507 = arith.addi %add3A_500, %get3A_506 : vector<16xi32>
        %mul3A_508 = arith.constant 16 : i32
        %mul3A_509 = arith.muli %sub3A_475, %mul3A_508 : i32
        %add3A_510 = arith.constant 1280 : i32
        %add3A_511 = arith.addi %add3A_510, %mul3A_509 : i32
        %get3A_512 = arith.index_cast %add3A_511 : i32 to index
        %get3A_513 = tpu.vector_load %arg8[%get3A_512] {strides = array<i32>} : memref<4096xi32, #tpu.memory_space<vmem>>, vector<16xi32>,
        %add3A_514 = arith.addi %add3A_507, %get3A_513 : vector<16xi32>
        %mul3A_515 = arith.constant 16 : i32
        %mul3A_516 = arith.muli %sub3A_475, %mul3A_515 : i32
        %add3A_517 = arith.constant 1536 : i32
        %add3A_518 = arith.addi %add3A_517, %mul3A_516 : i32
        %get3A_519 = arith.index_cast %add3A_518 : i32 to index
        %get3A_520 = tpu.vector_load %arg8[%get3A_519] {strides = array<i32>} : memref<4096xi32, #tpu.memory_space<vmem>>, vector<16xi32>,
        %add3A_521 = arith.addi %add3A_514, %get3A_520 : vector<16xi32>
        %mul3A_522 = arith.constant 16 : i32
        %mul3A_523 = arith.muli %sub3A_475, %mul3A_522 : i32
        %add3A_524 = arith.constant 1792 : i32
        %add3A_525 = arith.addi %add3A_524, %mul3A_523 : i32
        %get3A_526 = arith.index_cast %add3A_525 : i32 to index
        %get3A_527 = tpu.vector_load %arg8[%get3A_526] {strides = array<i32>} : memref<4096xi32, #tpu.memory_space<vmem>>, vector<16xi32>,
        %add3A_528 = arith.addi %add3A_521, %get3A_527 : vector<16xi32>
        %mul3A_529 = arith.constant 16 : i32
        %mul3A_530 = arith.muli %sub3A_475, %mul3A_529 : i32
        %add3A_531 = arith.constant 2048 : i32
        %add3A_532 = arith.addi %add3A_531, %mul3A_530 : i32
        %get3A_533 = arith.index_cast %add3A_532 : i32 to index
        %get3A_534 = tpu.vector_load %arg8[%get3A_533] {strides = array<i32>} : memref<4096xi32, #tpu.memory_space<vmem>>, vector<16xi32>,
        %add3A_535 = arith.addi %add3A_528, %get3A_534 : vector<16xi32>
        %mul3A_536 = arith.constant 16 : i32
        %mul3A_537 = arith.muli %sub3A_475, %mul3A_536 : i32
        %add3A_538 = arith.constant 2304 : i32
        %add3A_539 = arith.addi %add3A_538, %mul3A_537 : i32
        %get3A_540 = arith.index_cast %add3A_539 : i32 to index
        %get3A_541 = tpu.vector_load %arg8[%get3A_540] {strides = array<i32>} : memref<4096xi32, #tpu.memory_space<vmem>>, vector<16xi32>,
        %add3A_542 = arith.addi %add3A_535, %get3A_541 : vector<16xi32>
        %mul3A_543 = arith.constant 16 : i32
        %mul3A_544 = arith.muli %sub3A_475, %mul3A_543 : i32
        %add3A_545 = arith.constant 2560 : i32
        %add3A_546 = arith.addi %add3A_545, %mul3A_544 : i32
        %get3A_547 = arith.index_cast %add3A_546 : i32 to index
        %get3A_548 = tpu.vector_load %arg8[%get3A_547] {strides = array<i32>} : memref<4096xi32, #tpu.memory_space<vmem>>, vector<16xi32>,
        %add3A_549 = arith.addi %add3A_542, %get3A_548 : vector<16xi32>
        %mul3A_550 = arith.constant 16 : i32
        %mul3A_551 = arith.muli %sub3A_475, %mul3A_550 : i32
        %add3A_552 = arith.constant 2816 : i32
        %add3A_553 = arith.addi %add3A_552, %mul3A_551 : i32
        %get3A_554 = arith.index_cast %add3A_553 : i32 to index
        %get3A_555 = tpu.vector_load %arg8[%get3A_554] {strides = array<i32>} : memref<4096xi32, #tpu.memory_space<vmem>>, vector<16xi32>,
        %add3A_556 = arith.addi %add3A_549, %get3A_555 : vector<16xi32>
        %mul3A_557 = arith.constant 16 : i32
        %mul3A_558 = arith.muli %sub3A_475, %mul3A_557 : i32
        %add3A_559 = arith.constant 3072 : i32
        %add3A_560 = arith.addi %add3A_559, %mul3A_558 : i32
        %get3A_561 = arith.index_cast %add3A_560 : i32 to index
        %get3A_562 = tpu.vector_load %arg8[%get3A_561] {strides = array<i32>} : memref<4096xi32, #tpu.memory_space<vmem>>, vector<16xi32>,
        %add3A_563 = arith.addi %add3A_556, %get3A_562 : vector<16xi32>
        %mul3A_564 = arith.constant 16 : i32
        %mul3A_565 = arith.muli %sub3A_475, %mul3A_564 : i32
        %add3A_566 = arith.constant 3328 : i32
        %add3A_567 = arith.addi %add3A_566, %mul3A_565 : i32
        %get3A_568 = arith.index_cast %add3A_567 : i32 to index
        %get3A_569 = tpu.vector_load %arg8[%get3A_568] {strides = array<i32>} : memref<4096xi32, #tpu.memory_space<vmem>>, vector<16xi32>,
        %add3A_570 = arith.addi %add3A_563, %get3A_569 : vector<16xi32>
        %mul3A_571 = arith.constant 16 : i32
        %mul3A_572 = arith.muli %sub3A_475, %mul3A_571 : i32
        %add3A_573 = arith.constant 3584 : i32
        %add3A_574 = arith.addi %add3A_573, %mul3A_572 : i32
        %get3A_575 = arith.index_cast %add3A_574 : i32 to index
        %get3A_576 = tpu.vector_load %arg8[%get3A_575] {strides = array<i32>} : memref<4096xi32, #tpu.memory_space<vmem>>, vector<16xi32>,
        %add3A_577 = arith.addi %add3A_570, %get3A_576 : vector<16xi32>
        %mul3A_578 = arith.constant 16 : i32
        %mul3A_579 = arith.muli %sub3A_475, %mul3A_578 : i32
        %add3A_580 = arith.constant 3840 : i32
        %add3A_581 = arith.addi %add3A_580, %mul3A_579 : i32
        %get3A_582 = arith.index_cast %add3A_581 : i32 to index
        %get3A_583 = tpu.vector_load %arg8[%get3A_582] {strides = array<i32>} : memref<4096xi32, #tpu.memory_space<vmem>>, vector<16xi32>,
        %add3A_584 = arith.addi %add3A_577, %get3A_583 : vector<16xi32>
        %rev3A = arith.constant 15 : i32
        %rev3A_585 = vector.broadcast %rev3A : i32 to vector<16xi32>
        %rev3A_586 = tpu.iota {dimensions = array<i32: 0>} : vector<16xi32>
        %rev3A_587 = arith.subi %rev3A_585, %rev3A_586 : vector<16xi32>
        %rev3A_588 = tpu.dynamic_gather %add3A_584[%rev3A_587] in [0] : vector<16xi32>, vector<16xi32> -> vector<16xi32>
        %broadcast_in_dim3A_589 = arith.constant true
        %broadcast_in_dim3A_590 = vector.broadcast %broadcast_in_dim3A_589 : i1 to vector<16xi1>
        %masked_cumsum3A = tpu.scan <sum>, %rev3A_588 masked %broadcast_in_dim3A_590 : vector<16xi32>, vector<16xi1> -> vector<16xi32>
        %rev3A_591 = arith.constant 15 : i32
        %rev3A_592 = vector.broadcast %rev3A_591 : i32 to vector<16xi32>
        %rev3A_593 = tpu.iota {dimensions = array<i32: 0>} : vector<16xi32>
        %rev3A_594 = arith.subi %rev3A_592, %rev3A_593 : vector<16xi32>
        %rev3A_595 = tpu.dynamic_gather %masked_cumsum3A[%rev3A_594] in [0] : vector<16xi32>, vector<16xi32> -> vector<16xi32>
        %add3A_596 = arith.addi %rev3A_595, %scan3A_472 : vector<16xi32>
        %mul3A_597 = arith.constant 16 : i32
        %mul3A_598 = arith.muli %sub3A_475, %mul3A_597 : i32
        %swap3A_599 = arith.index_cast %mul3A_598 : i32 to index
        %swap3A_600 = tpu.vector_load %arg9[%swap3A_599] {strides = array<i32>} : memref<272xi32, #tpu.memory_space<vmem>>, vector<16xi32>,
        tpu.vector_store %arg9[%swap3A_599], %add3A_596 {strides = array<i32>} : memref<272xi32, #tpu.memory_space<vmem>>, vector<16xi32>,
        %slice3A = vector.extract_strided_slice %add3A_596 {offsets = [0], sizes = [1], strides = [1]} : vector<16xi32> to vector<1xi32>
        %squeeze3A = vector.extract %slice3A[0] : i32 from vector<1xi32>
        %broadcast_in_dim3A_601 = vector.broadcast %squeeze3A : i32 to vector<16xi32>
        %broadcast_in_dim3A_602 = vector.broadcast %scan3A_117 : i32 to vector<16xi32>
        %ge3A = arith.cmpi sge, %add3A_596, %broadcast_in_dim3A_602 : vector<16xi32>
        %all_reduce_population_count3A = tpu.all_reduce %ge3A {dim = 0 : i64, kind = #tpu.reduction_kind<sum>} : vector<16xi1> -> vector<16xi32>
        %slice3A_603 = vector.extract_strided_slice %all_reduce_population_count3A {offsets = [0], sizes = [1], strides = [1]} : vector<16xi32> to vector<1xi32>
        %squeeze3A_604 = vector.extract %slice3A_603[0] : i32 from vector<1xi32>
        %add3A_605 = arith.addi %scan3A_473, %squeeze3A_604 : i32
        scf.yield %broadcast_in_dim3A_601, %add3A_605 : vector<16xi32>, i32
      }
      %scan3A_124 = arith.constant 16 : i32
      %sub3A_125 = arith.constant 1 : i32
      %sub3A_126 = arith.subi %scan3A_123#1, %sub3A_125 : i32
      %add3A_127 = arith.constant 1 : i32
      %add3A_128 = arith.addi %sub3A_126, %add3A_127 : i32
      %get3A = arith.index_cast %add3A_128 : i32 to index
      %get3A_129 = tpu.vector_load %arg9[%get3A] {strides = array<i32>} : memref<272xi32, #tpu.memory_space<vmem>>, vector<16xi32>,
      %reduce_max3A = arith.constant true
      %reduce_max3A_130 = vector.broadcast %reduce_max3A : i1 to vector<16xi1>
      %reduce_max3A_131 = arith.constant -2147483648 : i32
      %reduce_max3A_132 = vector.broadcast %reduce_max3A_131 : i32 to vector<16xi32>
      %reduce_max3A_133 = arith.xori %get3A_129, %reduce_max3A_132 : vector<16xi32>
      %reduce_max3A_134 = tpu.scan <max>, %reduce_max3A_133 masked %reduce_max3A_130 : vector<16xi32>, vector<16xi1> -> vector<16xi32>
      %reduce_max3A_135 = arith.xori %reduce_max3A_134, %reduce_max3A_132 : vector<16xi32>
      %reduce_max3A_136 = vector.extract %reduce_max3A_135[15] : i32 from vector<16xi32>
      %sub3A_137 = arith.constant 200 : i32
      %sub3A_138 = arith.subi %sub3A_137, %reduce_max3A_136 : i32
      %broadcast_in_dim3A_139 = vector.broadcast %sub3A_126 : i32 to vector<16xi32>
      %while3A_140 = arith.constant 20000 : i32
      %while3A_141 = arith.constant 0 : i32
      %while3A_142 = arith.constant 0 : i32
      %while3A_143 = arith.constant 0 : i32
      %while3A_144 = arith.subi %select_n3A_102, %while3A_141 : i32
      %while3A_145 = arith.addi %while3A_141, %while3A_144 : i32
      %while3A_146 = arith.constant 1 : i32
      %while3A_147 = arith.divsi %while3A_144, %while3A_146 : i32
      %while3A_148 = arith.muli %while3A_147, %while3A_146 : i32
      %while3A_149 = arith.addi %while3A_141, %while3A_148 : i32
      %while3A_150 = arith.constant 1 : i32
      %while3A_151:2 = scf.for %while3A_471 = %while3A_141 to %while3A_149 step %while3A_150 iter_args(%while3A_472 = %while3A_142, %while3A_473 = %while3A_143) -> (i32, i32)  : i32 {
        %mul3A_474 = arith.constant 16 : i32
        %mul3A_475 = arith.muli %while3A_471, %mul3A_474 : i32
        %get3A_476 = arith.index_cast %mul3A_475 : i32 to index
        %get3A_477 = tpu.vector_load %arg6[%get3A_476] {strides = array<i32>} : memref<20000xf32, #tpu.memory_space<vmem>>, vector<16xf32>,
        %bitcast_convert_type3A = tpu.bitcast %get3A_477 : vector<16xf32> -> vector<16xi32>
        %shift_right_logical3A = arith.constant 24 : i32
        %shift_right_logical3A_478 = vector.broadcast %shift_right_logical3A : i32 to vector<16xi32>
        %shift_right_logical3A_479 = arith.shrui %bitcast_convert_type3A, %shift_right_logical3A_478 : vector<16xi32>
        %and3A_480 = arith.constant 255 : i32
        %and3A_481 = vector.broadcast %and3A_480 : i32 to vector<16xi32>
        %and3A_482 = arith.andi %shift_right_logical3A_479, %and3A_481 : vector<16xi32>
        %mul3A_483 = arith.constant 16 : i32
        %mul3A_484 = arith.muli %while3A_471, %mul3A_483 : i32
        %add3A_485 = vector.broadcast %mul3A_484 : i32 to vector<16xi32>
        %add3A_486 = arith.addi %add3A_485, %iota3A : vector<16xi32>
        %mul3A_487 = arith.constant 16 : i32
        %mul3A_488 = arith.muli %while3A_471, %mul3A_487 : i32
        %add3A_489 = vector.broadcast %mul3A_488 : i32 to vector<16xi32>
        %add3A_490 = arith.addi %add3A_489, %iota3A : vector<16xi32>
        %lt3A_491 = vector.broadcast %while3A_140 : i32 to vector<16xi32>
        %lt3A_492 = arith.cmpi slt, %add3A_490, %lt3A_491 : vector<16xi32>
        %gt3A = arith.cmpi sgt, %and3A_482, %broadcast_in_dim3A_139 : vector<16xi32>
        %and3A_493 = arith.andi %gt3A, %lt3A_492 : vector<16xi1>
        %eq3A_494 = arith.cmpi eq, %and3A_482, %broadcast_in_dim3A_139 : vector<16xi32>
        %and3A_495 = arith.andi %eq3A_494, %lt3A_492 : vector<16xi1>
        %swap3A_496 = arith.index_cast %while3A_472 : i32 to index
        %swap3A_497 = tpu.vector_load %arg10[%swap3A_496] masked %and3A_493 {strides = array<i32>} : memref<224xf32, #tpu.memory_space<vmem>>, vector<16xf32>, vector<16xi1>
        tpu.vector_store %arg10[%swap3A_496], %get3A_477 masked %and3A_493 {strides = array<i32>} : memref<224xf32, #tpu.memory_space<vmem>>, vector<16xf32>, vector<16xi1>
        %swap3A_498 = arith.index_cast %while3A_472 : i32 to index
        %swap3A_499 = tpu.vector_load %arg11[%swap3A_498] masked %and3A_493 {strides = array<i32>} : memref<224xi32, #tpu.memory_space<vmem>>, vector<16xi32>, vector<16xi1>
        tpu.vector_store %arg11[%swap3A_498], %add3A_486 masked %and3A_493 {strides = array<i32>} : memref<224xi32, #tpu.memory_space<vmem>>, vector<16xi32>, vector<16xi1>
        %swap3A_500 = arith.index_cast %while3A_473 : i32 to index
        %swap3A_501 = tpu.vector_load %arg6[%swap3A_500] masked %and3A_495 {strides = array<i32>} : memref<20000xf32, #tpu.memory_space<vmem>>, vector<16xf32>, vector<16xi1>
        tpu.vector_store %arg6[%swap3A_500], %get3A_477 masked %and3A_495 {strides = array<i32>} : memref<20000xf32, #tpu.memory_space<vmem>>, vector<16xf32>, vector<16xi1>
        %swap3A_502 = arith.index_cast %while3A_473 : i32 to index
        %swap3A_503 = tpu.vector_load %arg7[%swap3A_502] masked %and3A_495 {strides = array<i32>} : memref<20000xi32, #tpu.memory_space<vmem>>, vector<16xi32>, vector<16xi1>
        tpu.vector_store %arg7[%swap3A_502], %add3A_486 masked %and3A_495 {strides = array<i32>} : memref<20000xi32, #tpu.memory_space<vmem>>, vector<16xi32>, vector<16xi1>
        %all_reduce_population_count3A = tpu.all_reduce %and3A_493 {dim = 0 : i64, kind = #tpu.reduction_kind<sum>} : vector<16xi1> -> vector<16xi32>
        %slice3A = vector.extract_strided_slice %all_reduce_population_count3A {offsets = [0], sizes = [1], strides = [1]} : vector<16xi32> to vector<1xi32>
        %squeeze3A = vector.extract %slice3A[0] : i32 from vector<1xi32>
        %add3A_504 = arith.addi %while3A_472, %squeeze3A : i32
        %all_reduce_population_count3A_505 = tpu.all_reduce %and3A_495 {dim = 0 : i64, kind = #tpu.reduction_kind<sum>} : vector<16xi1> -> vector<16xi32>
        %slice3A_506 = vector.extract_strided_slice %all_reduce_population_count3A_505 {offsets = [0], sizes = [1], strides = [1]} : vector<16xi32> to vector<1xi32>
        %squeeze3A_507 = vector.extract %slice3A_506[0] : i32 from vector<1xi32>
        %add3A_508 = arith.addi %while3A_473, %squeeze3A_507 : i32
        scf.yield %add3A_504, %add3A_508 : i32, i32
      }
      %while3A_152 = arith.constant 1 : i32
      %while3A_153:2 = scf.for %while3A_471 = %while3A_149 to %while3A_145 step %while3A_152 iter_args(%while3A_472 = %while3A_151#0, %while3A_473 = %while3A_151#1) -> (i32, i32)  : i32 {
        %mul3A_474 = arith.constant 16 : i32
        %mul3A_475 = arith.muli %while3A_471, %mul3A_474 : i32
        %get3A_476 = arith.index_cast %mul3A_475 : i32 to index
        %get3A_477 = tpu.vector_load %arg6[%get3A_476] {strides = array<i32>} : memref<20000xf32, #tpu.memory_space<vmem>>, vector<16xf32>,
        %bitcast_convert_type3A = tpu.bitcast %get3A_477 : vector<16xf32> -> vector<16xi32>
        %shift_right_logical3A = arith.constant 24 : i32
        %shift_right_logical3A_478 = vector.broadcast %shift_right_logical3A : i32 to vector<16xi32>
        %shift_right_logical3A_479 = arith.shrui %bitcast_convert_type3A, %shift_right_logical3A_478 : vector<16xi32>
        %and3A_480 = arith.constant 255 : i32
        %and3A_481 = vector.broadcast %and3A_480 : i32 to vector<16xi32>
        %and3A_482 = arith.andi %shift_right_logical3A_479, %and3A_481 : vector<16xi32>
        %mul3A_483 = arith.constant 16 : i32
        %mul3A_484 = arith.muli %while3A_471, %mul3A_483 : i32
        %add3A_485 = vector.broadcast %mul3A_484 : i32 to vector<16xi32>
        %add3A_486 = arith.addi %add3A_485, %iota3A : vector<16xi32>
        %mul3A_487 = arith.constant 16 : i32
        %mul3A_488 = arith.muli %while3A_471, %mul3A_487 : i32
        %add3A_489 = vector.broadcast %mul3A_488 : i32 to vector<16xi32>
        %add3A_490 = arith.addi %add3A_489, %iota3A : vector<16xi32>
        %lt3A_491 = vector.broadcast %while3A_140 : i32 to vector<16xi32>
        %lt3A_492 = arith.cmpi slt, %add3A_490, %lt3A_491 : vector<16xi32>
        %gt3A = arith.cmpi sgt, %and3A_482, %broadcast_in_dim3A_139 : vector<16xi32>
        %and3A_493 = arith.andi %gt3A, %lt3A_492 : vector<16xi1>
        %eq3A_494 = arith.cmpi eq, %and3A_482, %broadcast_in_dim3A_139 : vector<16xi32>
        %and3A_495 = arith.andi %eq3A_494, %lt3A_492 : vector<16xi1>
        %swap3A_496 = arith.index_cast %while3A_472 : i32 to index
        %swap3A_497 = tpu.vector_load %arg10[%swap3A_496] masked %and3A_493 {strides = array<i32>} : memref<224xf32, #tpu.memory_space<vmem>>, vector<16xf32>, vector<16xi1>
        tpu.vector_store %arg10[%swap3A_496], %get3A_477 masked %and3A_493 {strides = array<i32>} : memref<224xf32, #tpu.memory_space<vmem>>, vector<16xf32>, vector<16xi1>
        %swap3A_498 = arith.index_cast %while3A_472 : i32 to index
        %swap3A_499 = tpu.vector_load %arg11[%swap3A_498] masked %and3A_493 {strides = array<i32>} : memref<224xi32, #tpu.memory_space<vmem>>, vector<16xi32>, vector<16xi1>
        tpu.vector_store %arg11[%swap3A_498], %add3A_486 masked %and3A_493 {strides = array<i32>} : memref<224xi32, #tpu.memory_space<vmem>>, vector<16xi32>, vector<16xi1>
        %swap3A_500 = arith.index_cast %while3A_473 : i32 to index
        %swap3A_501 = tpu.vector_load %arg6[%swap3A_500] masked %and3A_495 {strides = array<i32>} : memref<20000xf32, #tpu.memory_space<vmem>>, vector<16xf32>, vector<16xi1>
        tpu.vector_store %arg6[%swap3A_500], %get3A_477 masked %and3A_495 {strides = array<i32>} : memref<20000xf32, #tpu.memory_space<vmem>>, vector<16xf32>, vector<16xi1>
        %swap3A_502 = arith.index_cast %while3A_473 : i32 to index
        %swap3A_503 = tpu.vector_load %arg7[%swap3A_502] masked %and3A_495 {strides = array<i32>} : memref<20000xi32, #tpu.memory_space<vmem>>, vector<16xi32>, vector<16xi1>
        tpu.vector_store %arg7[%swap3A_502], %add3A_486 masked %and3A_495 {strides = array<i32>} : memref<20000xi32, #tpu.memory_space<vmem>>, vector<16xi32>, vector<16xi1>
        %all_reduce_population_count3A = tpu.all_reduce %and3A_493 {dim = 0 : i64, kind = #tpu.reduction_kind<sum>} : vector<16xi1> -> vector<16xi32>
        %slice3A = vector.extract_strided_slice %all_reduce_population_count3A {offsets = [0], sizes = [1], strides = [1]} : vector<16xi32> to vector<1xi32>
        %squeeze3A = vector.extract %slice3A[0] : i32 from vector<1xi32>
        %add3A_504 = arith.addi %while3A_472, %squeeze3A : i32
        %all_reduce_population_count3A_505 = tpu.all_reduce %and3A_495 {dim = 0 : i64, kind = #tpu.reduction_kind<sum>} : vector<16xi1> -> vector<16xi32>
        %slice3A_506 = vector.extract_strided_slice %all_reduce_population_count3A_505 {offsets = [0], sizes = [1], strides = [1]} : vector<16xi32> to vector<1xi32>
        %squeeze3A_507 = vector.extract %slice3A_506[0] : i32 from vector<1xi32>
        %add3A_508 = arith.addi %while3A_473, %squeeze3A_507 : i32
        scf.yield %add3A_504, %add3A_508 : i32, i32
      }
      %scan3A_154 = arith.constant 0 : i32
      %scan3A_155 = arith.constant 0 : i32
      %scan3A_156 = arith.constant 256 : i32
      %scan3A_157 = arith.addi %scan3A_155, %scan3A_156 : i32
      %scan3A_158 = arith.constant 1 : i32
      %scan3A_159 = scf.for %scan3A_471 = %scan3A_155 to %scan3A_157 step %scan3A_158 iter_args(%scan3A_472 = %scan3A_154) -> (i32)  : i32 {
        %broadcast_in_dim3A_473 = arith.constant 0 : i32
        %broadcast_in_dim3A_474 = vector.broadcast %broadcast_in_dim3A_473 : i32 to vector<16xi32>
        %mul3A_475 = arith.constant 16 : i32
        %mul3A_476 = arith.muli %scan3A_471, %mul3A_475 : i32
        %swap3A_477 = arith.index_cast %mul3A_476 : i32 to index
        %swap3A_478 = tpu.vector_load %arg8[%swap3A_477] {strides = array<i32>} : memref<4096xi32, #tpu.memory_space<vmem>>, vector<16xi32>,
        tpu.vector_store %arg8[%swap3A_477], %broadcast_in_dim3A_474 {strides = array<i32>} : memref<4096xi32, #tpu.memory_space<vmem>>, vector<16xi32>,
        %scan3A_479 = arith.constant 0 : i32
        scf.yield %scan3A_479 : i32
      }
      %scan3A_160 = arith.constant 256 : i32
      %add3A_161 = arith.constant 15 : i32
      %add3A_162 = arith.addi %while3A_153#1, %add3A_161 : i32
      %jit3A_163 = arith.constant 16 : i32
      %div3A_164 = arith.divsi %add3A_162, %jit3A_163 : i32
      %sign3A_165 = arith.constant 0 : i32
      %sign3A_166 = arith.cmpi sgt, %add3A_162, %sign3A_165 : i32
      %sign3A_167 = arith.extui %sign3A_166 : i1 to i32
      %sign3A_168 = arith.constant 0 : i32
      %sign3A_169 = arith.cmpi slt, %add3A_162, %sign3A_168 : i32
      %sign3A_170 = arith.extui %sign3A_169 : i1 to i32
      %sign3A_171 = arith.subi %sign3A_167, %sign3A_170 : i32
      %sign3A_172 = arith.constant 0 : i32
      %sign3A_173 = arith.cmpi sgt, %jit3A_163, %sign3A_172 : i32
      %sign3A_174 = arith.extui %sign3A_173 : i1 to i32
      %sign3A_175 = arith.constant 0 : i32
      %sign3A_176 = arith.cmpi slt, %jit3A_163, %sign3A_175 : i32
      %sign3A_177 = arith.extui %sign3A_176 : i1 to i32
      %sign3A_178 = arith.subi %sign3A_174, %sign3A_177 : i32
      %ne3A_179 = arith.cmpi ne, %sign3A_171, %sign3A_178 : i32
      %rem3A_180 = arith.remsi %add3A_162, %jit3A_163 : i32
      %ne3A_181 = arith.constant 0 : i32
      %ne3A_182 = arith.cmpi ne, %rem3A_180, %ne3A_181 : i32
      %and3A_183 = arith.andi %ne3A_179, %ne3A_182 : i1
      %sub3A_184 = arith.constant 1 : i32
      %sub3A_185 = arith.subi %div3A_164, %sub3A_184 : i32
      %select_n3A_186 = arith.select %and3A_183, %sub3A_185, %div3A_164 : i32
      %while3A_187 = arith.constant 0 : i32
      %while3A_188 = arith.constant 0 : i32
      %while3A_189 = arith.subi %select_n3A_186, %while3A_187 : i32
      %while3A_190 = arith.addi %while3A_187, %while3A_189 : i32
      %while3A_191 = arith.constant 1 : i32
      %while3A_192 = arith.divsi %while3A_189, %while3A_191 : i32
      %while3A_193 = arith.muli %while3A_192, %while3A_191 : i32
      %while3A_194 = arith.addi %while3A_187, %while3A_193 : i32
      %while3A_195 = arith.constant 1 : i32
      %while3A_196 = scf.for %while3A_471 = %while3A_187 to %while3A_194 step %while3A_195 iter_args(%while3A_472 = %while3A_188) -> (i32)  : i32 {
        %mul3A_473 = arith.constant 16 : i32
        %mul3A_474 = arith.muli %while3A_471, %mul3A_473 : i32
        %get3A_475 = arith.index_cast %mul3A_474 : i32 to index
        %get3A_476 = tpu.vector_load %arg6[%get3A_475] {strides = array<i32>} : memref<20000xf32, #tpu.memory_space<vmem>>, vector<16xf32>,
        %bitcast_convert_type3A = tpu.bitcast %get3A_476 : vector<16xf32> -> vector<16xi32>
        %shift_right_logical3A = arith.constant 16 : i32
        %shift_right_logical3A_477 = vector.broadcast %shift_right_logical3A : i32 to vector<16xi32>
        %shift_right_logical3A_478 = arith.shrui %bitcast_convert_type3A, %shift_right_logical3A_477 : vector<16xi32>
        %and3A_479 = arith.constant 255 : i32
        %and3A_480 = vector.broadcast %and3A_479 : i32 to vector<16xi32>
        %and3A_481 = arith.andi %shift_right_logical3A_478, %and3A_480 : vector<16xi32>
        %mul3A_482 = arith.constant 16 : i32
        %mul3A_483 = arith.muli %while3A_471, %mul3A_482 : i32
        %add3A_484 = vector.broadcast %mul3A_483 : i32 to vector<16xi32>
        %add3A_485 = arith.addi %add3A_484, %iota3A : vector<16xi32>
        %lt3A_486 = vector.broadcast %while3A_153#1 : i32 to vector<16xi32>
        %lt3A_487 = arith.cmpi slt, %add3A_485, %lt3A_486 : vector<16xi32>
        %add3A_488 = arith.addi %and3A_481, %mul3A_68 : vector<16xi32>
        tpu.vector_store_idx %arg8[%add3A_488], %broadcast_in_dim3A_65 masked %lt3A_487 {add = true} : memref<4096xi32, #tpu.memory_space<vmem>>[vector<16xi32>], vector<16xi32>, vector<16xi1>
        %while3A_489 = arith.constant 0 : i32
        scf.yield %while3A_489 : i32
      }
      %while3A_197 = arith.constant 1 : i32
      %while3A_198 = scf.for %while3A_471 = %while3A_194 to %while3A_190 step %while3A_197 iter_args(%while3A_472 = %while3A_196) -> (i32)  : i32 {
        %mul3A_473 = arith.constant 16 : i32
        %mul3A_474 = arith.muli %while3A_471, %mul3A_473 : i32
        %get3A_475 = arith.index_cast %mul3A_474 : i32 to index
        %get3A_476 = tpu.vector_load %arg6[%get3A_475] {strides = array<i32>} : memref<20000xf32, #tpu.memory_space<vmem>>, vector<16xf32>,
        %bitcast_convert_type3A = tpu.bitcast %get3A_476 : vector<16xf32> -> vector<16xi32>
        %shift_right_logical3A = arith.constant 16 : i32
        %shift_right_logical3A_477 = vector.broadcast %shift_right_logical3A : i32 to vector<16xi32>
        %shift_right_logical3A_478 = arith.shrui %bitcast_convert_type3A, %shift_right_logical3A_477 : vector<16xi32>
        %and3A_479 = arith.constant 255 : i32
        %and3A_480 = vector.broadcast %and3A_479 : i32 to vector<16xi32>
        %and3A_481 = arith.andi %shift_right_logical3A_478, %and3A_480 : vector<16xi32>
        %mul3A_482 = arith.constant 16 : i32
        %mul3A_483 = arith.muli %while3A_471, %mul3A_482 : i32
        %add3A_484 = vector.broadcast %mul3A_483 : i32 to vector<16xi32>
        %add3A_485 = arith.addi %add3A_484, %iota3A : vector<16xi32>
        %lt3A_486 = vector.broadcast %while3A_153#1 : i32 to vector<16xi32>
        %lt3A_487 = arith.cmpi slt, %add3A_485, %lt3A_486 : vector<16xi32>
        %add3A_488 = arith.addi %and3A_481, %mul3A_68 : vector<16xi32>
        tpu.vector_store_idx %arg8[%add3A_488], %broadcast_in_dim3A_65 masked %lt3A_487 {add = true} : memref<4096xi32, #tpu.memory_space<vmem>>[vector<16xi32>], vector<16xi32>, vector<16xi1>
        %while3A_489 = arith.constant 0 : i32
        scf.yield %while3A_489 : i32
      }
      %broadcast_in_dim3A_199 = arith.constant 0 : i32
      %broadcast_in_dim3A_200 = vector.broadcast %broadcast_in_dim3A_199 : i32 to vector<16xi32>
      %scan3A_201 = arith.constant 0 : i32
      %scan3A_202 = arith.constant 0 : i32
      %scan3A_203 = arith.constant 16 : i32
      %scan3A_204 = arith.addi %scan3A_202, %scan3A_203 : i32
      %scan3A_205 = arith.constant 1 : i32
      %scan3A_206:2 = scf.for %scan3A_471 = %scan3A_202 to %scan3A_204 step %scan3A_205 iter_args(%scan3A_472 = %broadcast_in_dim3A_200, %scan3A_473 = %scan3A_201) -> (vector<16xi32>, i32)  : i32 {
        %sub3A_474 = arith.constant 15 : i32
        %sub3A_475 = arith.subi %sub3A_474, %scan3A_471 : i32
        %mul3A_476 = arith.constant 16 : i32
        %mul3A_477 = arith.muli %sub3A_475, %mul3A_476 : i32
        %get3A_478 = arith.index_cast %mul3A_477 : i32 to index
        %get3A_479 = tpu.vector_load %arg8[%get3A_478] {strides = array<i32>} : memref<4096xi32, #tpu.memory_space<vmem>>, vector<16xi32>,
        %mul3A_480 = arith.constant 16 : i32
        %mul3A_481 = arith.muli %sub3A_475, %mul3A_480 : i32
        %add3A_482 = arith.constant 256 : i32
        %add3A_483 = arith.addi %add3A_482, %mul3A_481 : i32
        %get3A_484 = arith.index_cast %add3A_483 : i32 to index
        %get3A_485 = tpu.vector_load %arg8[%get3A_484] {strides = array<i32>} : memref<4096xi32, #tpu.memory_space<vmem>>, vector<16xi32>,
        %add3A_486 = arith.addi %get3A_479, %get3A_485 : vector<16xi32>
        %mul3A_487 = arith.constant 16 : i32
        %mul3A_488 = arith.muli %sub3A_475, %mul3A_487 : i32
        %add3A_489 = arith.constant 512 : i32
        %add3A_490 = arith.addi %add3A_489, %mul3A_488 : i32
        %get3A_491 = arith.index_cast %add3A_490 : i32 to index
        %get3A_492 = tpu.vector_load %arg8[%get3A_491] {strides = array<i32>} : memref<4096xi32, #tpu.memory_space<vmem>>, vector<16xi32>,
        %add3A_493 = arith.addi %add3A_486, %get3A_492 : vector<16xi32>
        %mul3A_494 = arith.constant 16 : i32
        %mul3A_495 = arith.muli %sub3A_475, %mul3A_494 : i32
        %add3A_496 = arith.constant 768 : i32
        %add3A_497 = arith.addi %add3A_496, %mul3A_495 : i32
        %get3A_498 = arith.index_cast %add3A_497 : i32 to index
        %get3A_499 = tpu.vector_load %arg8[%get3A_498] {strides = array<i32>} : memref<4096xi32, #tpu.memory_space<vmem>>, vector<16xi32>,
        %add3A_500 = arith.addi %add3A_493, %get3A_499 : vector<16xi32>
        %mul3A_501 = arith.constant 16 : i32
        %mul3A_502 = arith.muli %sub3A_475, %mul3A_501 : i32
        %add3A_503 = arith.constant 1024 : i32
        %add3A_504 = arith.addi %add3A_503, %mul3A_502 : i32
        %get3A_505 = arith.index_cast %add3A_504 : i32 to index
        %get3A_506 = tpu.vector_load %arg8[%get3A_505] {strides = array<i32>} : memref<4096xi32, #tpu.memory_space<vmem>>, vector<16xi32>,
        %add3A_507 = arith.addi %add3A_500, %get3A_506 : vector<16xi32>
        %mul3A_508 = arith.constant 16 : i32
        %mul3A_509 = arith.muli %sub3A_475, %mul3A_508 : i32
        %add3A_510 = arith.constant 1280 : i32
        %add3A_511 = arith.addi %add3A_510, %mul3A_509 : i32
        %get3A_512 = arith.index_cast %add3A_511 : i32 to index
        %get3A_513 = tpu.vector_load %arg8[%get3A_512] {strides = array<i32>} : memref<4096xi32, #tpu.memory_space<vmem>>, vector<16xi32>,
        %add3A_514 = arith.addi %add3A_507, %get3A_513 : vector<16xi32>
        %mul3A_515 = arith.constant 16 : i32
        %mul3A_516 = arith.muli %sub3A_475, %mul3A_515 : i32
        %add3A_517 = arith.constant 1536 : i32
        %add3A_518 = arith.addi %add3A_517, %mul3A_516 : i32
        %get3A_519 = arith.index_cast %add3A_518 : i32 to index
        %get3A_520 = tpu.vector_load %arg8[%get3A_519] {strides = array<i32>} : memref<4096xi32, #tpu.memory_space<vmem>>, vector<16xi32>,
        %add3A_521 = arith.addi %add3A_514, %get3A_520 : vector<16xi32>
        %mul3A_522 = arith.constant 16 : i32
        %mul3A_523 = arith.muli %sub3A_475, %mul3A_522 : i32
        %add3A_524 = arith.constant 1792 : i32
        %add3A_525 = arith.addi %add3A_524, %mul3A_523 : i32
        %get3A_526 = arith.index_cast %add3A_525 : i32 to index
        %get3A_527 = tpu.vector_load %arg8[%get3A_526] {strides = array<i32>} : memref<4096xi32, #tpu.memory_space<vmem>>, vector<16xi32>,
        %add3A_528 = arith.addi %add3A_521, %get3A_527 : vector<16xi32>
        %mul3A_529 = arith.constant 16 : i32
        %mul3A_530 = arith.muli %sub3A_475, %mul3A_529 : i32
        %add3A_531 = arith.constant 2048 : i32
        %add3A_532 = arith.addi %add3A_531, %mul3A_530 : i32
        %get3A_533 = arith.index_cast %add3A_532 : i32 to index
        %get3A_534 = tpu.vector_load %arg8[%get3A_533] {strides = array<i32>} : memref<4096xi32, #tpu.memory_space<vmem>>, vector<16xi32>,
        %add3A_535 = arith.addi %add3A_528, %get3A_534 : vector<16xi32>
        %mul3A_536 = arith.constant 16 : i32
        %mul3A_537 = arith.muli %sub3A_475, %mul3A_536 : i32
        %add3A_538 = arith.constant 2304 : i32
        %add3A_539 = arith.addi %add3A_538, %mul3A_537 : i32
        %get3A_540 = arith.index_cast %add3A_539 : i32 to index
        %get3A_541 = tpu.vector_load %arg8[%get3A_540] {strides = array<i32>} : memref<4096xi32, #tpu.memory_space<vmem>>, vector<16xi32>,
        %add3A_542 = arith.addi %add3A_535, %get3A_541 : vector<16xi32>
        %mul3A_543 = arith.constant 16 : i32
        %mul3A_544 = arith.muli %sub3A_475, %mul3A_543 : i32
        %add3A_545 = arith.constant 2560 : i32
        %add3A_546 = arith.addi %add3A_545, %mul3A_544 : i32
        %get3A_547 = arith.index_cast %add3A_546 : i32 to index
        %get3A_548 = tpu.vector_load %arg8[%get3A_547] {strides = array<i32>} : memref<4096xi32, #tpu.memory_space<vmem>>, vector<16xi32>,
        %add3A_549 = arith.addi %add3A_542, %get3A_548 : vector<16xi32>
        %mul3A_550 = arith.constant 16 : i32
        %mul3A_551 = arith.muli %sub3A_475, %mul3A_550 : i32
        %add3A_552 = arith.constant 2816 : i32
        %add3A_553 = arith.addi %add3A_552, %mul3A_551 : i32
        %get3A_554 = arith.index_cast %add3A_553 : i32 to index
        %get3A_555 = tpu.vector_load %arg8[%get3A_554] {strides = array<i32>} : memref<4096xi32, #tpu.memory_space<vmem>>, vector<16xi32>,
        %add3A_556 = arith.addi %add3A_549, %get3A_555 : vector<16xi32>
        %mul3A_557 = arith.constant 16 : i32
        %mul3A_558 = arith.muli %sub3A_475, %mul3A_557 : i32
        %add3A_559 = arith.constant 3072 : i32
        %add3A_560 = arith.addi %add3A_559, %mul3A_558 : i32
        %get3A_561 = arith.index_cast %add3A_560 : i32 to index
        %get3A_562 = tpu.vector_load %arg8[%get3A_561] {strides = array<i32>} : memref<4096xi32, #tpu.memory_space<vmem>>, vector<16xi32>,
        %add3A_563 = arith.addi %add3A_556, %get3A_562 : vector<16xi32>
        %mul3A_564 = arith.constant 16 : i32
        %mul3A_565 = arith.muli %sub3A_475, %mul3A_564 : i32
        %add3A_566 = arith.constant 3328 : i32
        %add3A_567 = arith.addi %add3A_566, %mul3A_565 : i32
        %get3A_568 = arith.index_cast %add3A_567 : i32 to index
        %get3A_569 = tpu.vector_load %arg8[%get3A_568] {strides = array<i32>} : memref<4096xi32, #tpu.memory_space<vmem>>, vector<16xi32>,
        %add3A_570 = arith.addi %add3A_563, %get3A_569 : vector<16xi32>
        %mul3A_571 = arith.constant 16 : i32
        %mul3A_572 = arith.muli %sub3A_475, %mul3A_571 : i32
        %add3A_573 = arith.constant 3584 : i32
        %add3A_574 = arith.addi %add3A_573, %mul3A_572 : i32
        %get3A_575 = arith.index_cast %add3A_574 : i32 to index
        %get3A_576 = tpu.vector_load %arg8[%get3A_575] {strides = array<i32>} : memref<4096xi32, #tpu.memory_space<vmem>>, vector<16xi32>,
        %add3A_577 = arith.addi %add3A_570, %get3A_576 : vector<16xi32>
        %mul3A_578 = arith.constant 16 : i32
        %mul3A_579 = arith.muli %sub3A_475, %mul3A_578 : i32
        %add3A_580 = arith.constant 3840 : i32
        %add3A_581 = arith.addi %add3A_580, %mul3A_579 : i32
        %get3A_582 = arith.index_cast %add3A_581 : i32 to index
        %get3A_583 = tpu.vector_load %arg8[%get3A_582] {strides = array<i32>} : memref<4096xi32, #tpu.memory_space<vmem>>, vector<16xi32>,
        %add3A_584 = arith.addi %add3A_577, %get3A_583 : vector<16xi32>
        %rev3A = arith.constant 15 : i32
        %rev3A_585 = vector.broadcast %rev3A : i32 to vector<16xi32>
        %rev3A_586 = tpu.iota {dimensions = array<i32: 0>} : vector<16xi32>
        %rev3A_587 = arith.subi %rev3A_585, %rev3A_586 : vector<16xi32>
        %rev3A_588 = tpu.dynamic_gather %add3A_584[%rev3A_587] in [0] : vector<16xi32>, vector<16xi32> -> vector<16xi32>
        %broadcast_in_dim3A_589 = arith.constant true
        %broadcast_in_dim3A_590 = vector.broadcast %broadcast_in_dim3A_589 : i1 to vector<16xi1>
        %masked_cumsum3A = tpu.scan <sum>, %rev3A_588 masked %broadcast_in_dim3A_590 : vector<16xi32>, vector<16xi1> -> vector<16xi32>
        %rev3A_591 = arith.constant 15 : i32
        %rev3A_592 = vector.broadcast %rev3A_591 : i32 to vector<16xi32>
        %rev3A_593 = tpu.iota {dimensions = array<i32: 0>} : vector<16xi32>
        %rev3A_594 = arith.subi %rev3A_592, %rev3A_593 : vector<16xi32>
        %rev3A_595 = tpu.dynamic_gather %masked_cumsum3A[%rev3A_594] in [0] : vector<16xi32>, vector<16xi32> -> vector<16xi32>
        %add3A_596 = arith.addi %rev3A_595, %scan3A_472 : vector<16xi32>
        %mul3A_597 = arith.constant 16 : i32
        %mul3A_598 = arith.muli %sub3A_475, %mul3A_597 : i32
        %swap3A_599 = arith.index_cast %mul3A_598 : i32 to index
        %swap3A_600 = tpu.vector_load %arg9[%swap3A_599] {strides = array<i32>} : memref<272xi32, #tpu.memory_space<vmem>>, vector<16xi32>,
        tpu.vector_store %arg9[%swap3A_599], %add3A_596 {strides = array<i32>} : memref<272xi32, #tpu.memory_space<vmem>>, vector<16xi32>,
        %slice3A = vector.extract_strided_slice %add3A_596 {offsets = [0], sizes = [1], strides = [1]} : vector<16xi32> to vector<1xi32>
        %squeeze3A = vector.extract %slice3A[0] : i32 from vector<1xi32>
        %broadcast_in_dim3A_601 = vector.broadcast %squeeze3A : i32 to vector<16xi32>
        %broadcast_in_dim3A_602 = vector.broadcast %sub3A_138 : i32 to vector<16xi32>
        %ge3A = arith.cmpi sge, %add3A_596, %broadcast_in_dim3A_602 : vector<16xi32>
        %all_reduce_population_count3A = tpu.all_reduce %ge3A {dim = 0 : i64, kind = #tpu.reduction_kind<sum>} : vector<16xi1> -> vector<16xi32>
        %slice3A_603 = vector.extract_strided_slice %all_reduce_population_count3A {offsets = [0], sizes = [1], strides = [1]} : vector<16xi32> to vector<1xi32>
        %squeeze3A_604 = vector.extract %slice3A_603[0] : i32 from vector<1xi32>
        %add3A_605 = arith.addi %scan3A_473, %squeeze3A_604 : i32
        scf.yield %broadcast_in_dim3A_601, %add3A_605 : vector<16xi32>, i32
      }
      %scan3A_207 = arith.constant 16 : i32
      %sub3A_208 = arith.constant 1 : i32
      %sub3A_209 = arith.subi %scan3A_206#1, %sub3A_208 : i32
      %add3A_210 = arith.constant 1 : i32
      %add3A_211 = arith.addi %sub3A_209, %add3A_210 : i32
      %get3A_212 = arith.index_cast %add3A_211 : i32 to index
      %get3A_213 = tpu.vector_load %arg9[%get3A_212] {strides = array<i32>} : memref<272xi32, #tpu.memory_space<vmem>>, vector<16xi32>,
      %reduce_max3A_214 = arith.constant true
      %reduce_max3A_215 = vector.broadcast %reduce_max3A_214 : i1 to vector<16xi1>
      %reduce_max3A_216 = arith.constant -2147483648 : i32
      %reduce_max3A_217 = vector.broadcast %reduce_max3A_216 : i32 to vector<16xi32>
      %reduce_max3A_218 = arith.xori %get3A_213, %reduce_max3A_217 : vector<16xi32>
      %reduce_max3A_219 = tpu.scan <max>, %reduce_max3A_218 masked %reduce_max3A_215 : vector<16xi32>, vector<16xi1> -> vector<16xi32>
      %reduce_max3A_220 = arith.xori %reduce_max3A_219, %reduce_max3A_217 : vector<16xi32>
      %reduce_max3A_221 = vector.extract %reduce_max3A_220[15] : i32 from vector<16xi32>
      %sub3A_222 = arith.subi %sub3A_138, %reduce_max3A_221 : i32
      %broadcast_in_dim3A_223 = vector.broadcast %sub3A_209 : i32 to vector<16xi32>
      %while3A_224 = arith.constant 0 : i32
      %while3A_225 = arith.constant 0 : i32
      %while3A_226 = arith.subi %select_n3A_186, %while3A_224 : i32
      %while3A_227 = arith.addi %while3A_224, %while3A_226 : i32
      %while3A_228 = arith.constant 1 : i32
      %while3A_229 = arith.divsi %while3A_226, %while3A_228 : i32
      %while3A_230 = arith.muli %while3A_229, %while3A_228 : i32
      %while3A_231 = arith.addi %while3A_224, %while3A_230 : i32
      %while3A_232 = arith.constant 1 : i32
      %while3A_233:2 = scf.for %while3A_471 = %while3A_224 to %while3A_231 step %while3A_232 iter_args(%while3A_472 = %while3A_153#0, %while3A_473 = %while3A_225) -> (i32, i32)  : i32 {
        %mul3A_474 = arith.constant 16 : i32
        %mul3A_475 = arith.muli %while3A_471, %mul3A_474 : i32
        %get3A_476 = arith.index_cast %mul3A_475 : i32 to index
        %get3A_477 = tpu.vector_load %arg6[%get3A_476] {strides = array<i32>} : memref<20000xf32, #tpu.memory_space<vmem>>, vector<16xf32>,
        %bitcast_convert_type3A = tpu.bitcast %get3A_477 : vector<16xf32> -> vector<16xi32>
        %shift_right_logical3A = arith.constant 16 : i32
        %shift_right_logical3A_478 = vector.broadcast %shift_right_logical3A : i32 to vector<16xi32>
        %shift_right_logical3A_479 = arith.shrui %bitcast_convert_type3A, %shift_right_logical3A_478 : vector<16xi32>
        %and3A_480 = arith.constant 255 : i32
        %and3A_481 = vector.broadcast %and3A_480 : i32 to vector<16xi32>
        %and3A_482 = arith.andi %shift_right_logical3A_479, %and3A_481 : vector<16xi32>
        %mul3A_483 = arith.constant 16 : i32
        %mul3A_484 = arith.muli %while3A_471, %mul3A_483 : i32
        %get3A_485 = arith.index_cast %mul3A_484 : i32 to index
        %get3A_486 = tpu.vector_load %arg7[%get3A_485] {strides = array<i32>} : memref<20000xi32, #tpu.memory_space<vmem>>, vector<16xi32>,
        %mul3A_487 = arith.constant 16 : i32
        %mul3A_488 = arith.muli %while3A_471, %mul3A_487 : i32
        %add3A_489 = vector.broadcast %mul3A_488 : i32 to vector<16xi32>
        %add3A_490 = arith.addi %add3A_489, %iota3A : vector<16xi32>
        %lt3A_491 = vector.broadcast %while3A_153#1 : i32 to vector<16xi32>
        %lt3A_492 = arith.cmpi slt, %add3A_490, %lt3A_491 : vector<16xi32>
        %gt3A = arith.cmpi sgt, %and3A_482, %broadcast_in_dim3A_223 : vector<16xi32>
        %and3A_493 = arith.andi %gt3A, %lt3A_492 : vector<16xi1>
        %eq3A_494 = arith.cmpi eq, %and3A_482, %broadcast_in_dim3A_223 : vector<16xi32>
        %and3A_495 = arith.andi %eq3A_494, %lt3A_492 : vector<16xi1>
        %swap3A_496 = arith.index_cast %while3A_472 : i32 to index
        %swap3A_497 = tpu.vector_load %arg10[%swap3A_496] masked %and3A_493 {strides = array<i32>} : memref<224xf32, #tpu.memory_space<vmem>>, vector<16xf32>, vector<16xi1>
        tpu.vector_store %arg10[%swap3A_496], %get3A_477 masked %and3A_493 {strides = array<i32>} : memref<224xf32, #tpu.memory_space<vmem>>, vector<16xf32>, vector<16xi1>
        %swap3A_498 = arith.index_cast %while3A_472 : i32 to index
        %swap3A_499 = tpu.vector_load %arg11[%swap3A_498] masked %and3A_493 {strides = array<i32>} : memref<224xi32, #tpu.memory_space<vmem>>, vector<16xi32>, vector<16xi1>
        tpu.vector_store %arg11[%swap3A_498], %get3A_486 masked %and3A_493 {strides = array<i32>} : memref<224xi32, #tpu.memory_space<vmem>>, vector<16xi32>, vector<16xi1>
        %swap3A_500 = arith.index_cast %while3A_473 : i32 to index
        %swap3A_501 = tpu.vector_load %arg6[%swap3A_500] masked %and3A_495 {strides = array<i32>} : memref<20000xf32, #tpu.memory_space<vmem>>, vector<16xf32>, vector<16xi1>
        tpu.vector_store %arg6[%swap3A_500], %get3A_477 masked %and3A_495 {strides = array<i32>} : memref<20000xf32, #tpu.memory_space<vmem>>, vector<16xf32>, vector<16xi1>
        %swap3A_502 = arith.index_cast %while3A_473 : i32 to index
        %swap3A_503 = tpu.vector_load %arg7[%swap3A_502] masked %and3A_495 {strides = array<i32>} : memref<20000xi32, #tpu.memory_space<vmem>>, vector<16xi32>, vector<16xi1>
        tpu.vector_store %arg7[%swap3A_502], %get3A_486 masked %and3A_495 {strides = array<i32>} : memref<20000xi32, #tpu.memory_space<vmem>>, vector<16xi32>, vector<16xi1>
        %all_reduce_population_count3A = tpu.all_reduce %and3A_493 {dim = 0 : i64, kind = #tpu.reduction_kind<sum>} : vector<16xi1> -> vector<16xi32>
        %slice3A = vector.extract_strided_slice %all_reduce_population_count3A {offsets = [0], sizes = [1], strides = [1]} : vector<16xi32> to vector<1xi32>
        %squeeze3A = vector.extract %slice3A[0] : i32 from vector<1xi32>
        %add3A_504 = arith.addi %while3A_472, %squeeze3A : i32
        %all_reduce_population_count3A_505 = tpu.all_reduce %and3A_495 {dim = 0 : i64, kind = #tpu.reduction_kind<sum>} : vector<16xi1> -> vector<16xi32>
        %slice3A_506 = vector.extract_strided_slice %all_reduce_population_count3A_505 {offsets = [0], sizes = [1], strides = [1]} : vector<16xi32> to vector<1xi32>
        %squeeze3A_507 = vector.extract %slice3A_506[0] : i32 from vector<1xi32>
        %add3A_508 = arith.addi %while3A_473, %squeeze3A_507 : i32
        scf.yield %add3A_504, %add3A_508 : i32, i32
      }
      %while3A_234 = arith.constant 1 : i32
      %while3A_235:2 = scf.for %while3A_471 = %while3A_231 to %while3A_227 step %while3A_234 iter_args(%while3A_472 = %while3A_233#0, %while3A_473 = %while3A_233#1) -> (i32, i32)  : i32 {
        %mul3A_474 = arith.constant 16 : i32
        %mul3A_475 = arith.muli %while3A_471, %mul3A_474 : i32
        %get3A_476 = arith.index_cast %mul3A_475 : i32 to index
        %get3A_477 = tpu.vector_load %arg6[%get3A_476] {strides = array<i32>} : memref<20000xf32, #tpu.memory_space<vmem>>, vector<16xf32>,
        %bitcast_convert_type3A = tpu.bitcast %get3A_477 : vector<16xf32> -> vector<16xi32>
        %shift_right_logical3A = arith.constant 16 : i32
        %shift_right_logical3A_478 = vector.broadcast %shift_right_logical3A : i32 to vector<16xi32>
        %shift_right_logical3A_479 = arith.shrui %bitcast_convert_type3A, %shift_right_logical3A_478 : vector<16xi32>
        %and3A_480 = arith.constant 255 : i32
        %and3A_481 = vector.broadcast %and3A_480 : i32 to vector<16xi32>
        %and3A_482 = arith.andi %shift_right_logical3A_479, %and3A_481 : vector<16xi32>
        %mul3A_483 = arith.constant 16 : i32
        %mul3A_484 = arith.muli %while3A_471, %mul3A_483 : i32
        %get3A_485 = arith.index_cast %mul3A_484 : i32 to index
        %get3A_486 = tpu.vector_load %arg7[%get3A_485] {strides = array<i32>} : memref<20000xi32, #tpu.memory_space<vmem>>, vector<16xi32>,
        %mul3A_487 = arith.constant 16 : i32
        %mul3A_488 = arith.muli %while3A_471, %mul3A_487 : i32
        %add3A_489 = vector.broadcast %mul3A_488 : i32 to vector<16xi32>
        %add3A_490 = arith.addi %add3A_489, %iota3A : vector<16xi32>
        %lt3A_491 = vector.broadcast %while3A_153#1 : i32 to vector<16xi32>
        %lt3A_492 = arith.cmpi slt, %add3A_490, %lt3A_491 : vector<16xi32>
        %gt3A = arith.cmpi sgt, %and3A_482, %broadcast_in_dim3A_223 : vector<16xi32>
        %and3A_493 = arith.andi %gt3A, %lt3A_492 : vector<16xi1>
        %eq3A_494 = arith.cmpi eq, %and3A_482, %broadcast_in_dim3A_223 : vector<16xi32>
        %and3A_495 = arith.andi %eq3A_494, %lt3A_492 : vector<16xi1>
        %swap3A_496 = arith.index_cast %while3A_472 : i32 to index
        %swap3A_497 = tpu.vector_load %arg10[%swap3A_496] masked %and3A_493 {strides = array<i32>} : memref<224xf32, #tpu.memory_space<vmem>>, vector<16xf32>, vector<16xi1>
        tpu.vector_store %arg10[%swap3A_496], %get3A_477 masked %and3A_493 {strides = array<i32>} : memref<224xf32, #tpu.memory_space<vmem>>, vector<16xf32>, vector<16xi1>
        %swap3A_498 = arith.index_cast %while3A_472 : i32 to index
        %swap3A_499 = tpu.vector_load %arg11[%swap3A_498] masked %and3A_493 {strides = array<i32>} : memref<224xi32, #tpu.memory_space<vmem>>, vector<16xi32>, vector<16xi1>
        tpu.vector_store %arg11[%swap3A_498], %get3A_486 masked %and3A_493 {strides = array<i32>} : memref<224xi32, #tpu.memory_space<vmem>>, vector<16xi32>, vector<16xi1>
        %swap3A_500 = arith.index_cast %while3A_473 : i32 to index
        %swap3A_501 = tpu.vector_load %arg6[%swap3A_500] masked %and3A_495 {strides = array<i32>} : memref<20000xf32, #tpu.memory_space<vmem>>, vector<16xf32>, vector<16xi1>
        tpu.vector_store %arg6[%swap3A_500], %get3A_477 masked %and3A_495 {strides = array<i32>} : memref<20000xf32, #tpu.memory_space<vmem>>, vector<16xf32>, vector<16xi1>
        %swap3A_502 = arith.index_cast %while3A_473 : i32 to index
        %swap3A_503 = tpu.vector_load %arg7[%swap3A_502] masked %and3A_495 {strides = array<i32>} : memref<20000xi32, #tpu.memory_space<vmem>>, vector<16xi32>, vector<16xi1>
        tpu.vector_store %arg7[%swap3A_502], %get3A_486 masked %and3A_495 {strides = array<i32>} : memref<20000xi32, #tpu.memory_space<vmem>>, vector<16xi32>, vector<16xi1>
        %all_reduce_population_count3A = tpu.all_reduce %and3A_493 {dim = 0 : i64, kind = #tpu.reduction_kind<sum>} : vector<16xi1> -> vector<16xi32>
        %slice3A = vector.extract_strided_slice %all_reduce_population_count3A {offsets = [0], sizes = [1], strides = [1]} : vector<16xi32> to vector<1xi32>
        %squeeze3A = vector.extract %slice3A[0] : i32 from vector<1xi32>
        %add3A_504 = arith.addi %while3A_472, %squeeze3A : i32
        %all_reduce_population_count3A_505 = tpu.all_reduce %and3A_495 {dim = 0 : i64, kind = #tpu.reduction_kind<sum>} : vector<16xi1> -> vector<16xi32>
        %slice3A_506 = vector.extract_strided_slice %all_reduce_population_count3A_505 {offsets = [0], sizes = [1], strides = [1]} : vector<16xi32> to vector<1xi32>
        %squeeze3A_507 = vector.extract %slice3A_506[0] : i32 from vector<1xi32>
        %add3A_508 = arith.addi %while3A_473, %squeeze3A_507 : i32
        scf.yield %add3A_504, %add3A_508 : i32, i32
      }
      %scan3A_236 = arith.constant 0 : i32
      %scan3A_237 = arith.constant 0 : i32
      %scan3A_238 = arith.constant 256 : i32
      %scan3A_239 = arith.addi %scan3A_237, %scan3A_238 : i32
      %scan3A_240 = arith.constant 1 : i32
      %scan3A_241 = scf.for %scan3A_471 = %scan3A_237 to %scan3A_239 step %scan3A_240 iter_args(%scan3A_472 = %scan3A_236) -> (i32)  : i32 {
        %broadcast_in_dim3A_473 = arith.constant 0 : i32
        %broadcast_in_dim3A_474 = vector.broadcast %broadcast_in_dim3A_473 : i32 to vector<16xi32>
        %mul3A_475 = arith.constant 16 : i32
        %mul3A_476 = arith.muli %scan3A_471, %mul3A_475 : i32
        %swap3A_477 = arith.index_cast %mul3A_476 : i32 to index
        %swap3A_478 = tpu.vector_load %arg8[%swap3A_477] {strides = array<i32>} : memref<4096xi32, #tpu.memory_space<vmem>>, vector<16xi32>,
        tpu.vector_store %arg8[%swap3A_477], %broadcast_in_dim3A_474 {strides = array<i32>} : memref<4096xi32, #tpu.memory_space<vmem>>, vector<16xi32>,
        %scan3A_479 = arith.constant 0 : i32
        scf.yield %scan3A_479 : i32
      }
      %scan3A_242 = arith.constant 256 : i32
      %add3A_243 = arith.constant 15 : i32
      %add3A_244 = arith.addi %while3A_235#1, %add3A_243 : i32
      %jit3A_245 = arith.constant 16 : i32
      %div3A_246 = arith.divsi %add3A_244, %jit3A_245 : i32
      %sign3A_247 = arith.constant 0 : i32
      %sign3A_248 = arith.cmpi sgt, %add3A_244, %sign3A_247 : i32
      %sign3A_249 = arith.extui %sign3A_248 : i1 to i32
      %sign3A_250 = arith.constant 0 : i32
      %sign3A_251 = arith.cmpi slt, %add3A_244, %sign3A_250 : i32
      %sign3A_252 = arith.extui %sign3A_251 : i1 to i32
      %sign3A_253 = arith.subi %sign3A_249, %sign3A_252 : i32
      %sign3A_254 = arith.constant 0 : i32
      %sign3A_255 = arith.cmpi sgt, %jit3A_245, %sign3A_254 : i32
      %sign3A_256 = arith.extui %sign3A_255 : i1 to i32
      %sign3A_257 = arith.constant 0 : i32
      %sign3A_258 = arith.cmpi slt, %jit3A_245, %sign3A_257 : i32
      %sign3A_259 = arith.extui %sign3A_258 : i1 to i32
      %sign3A_260 = arith.subi %sign3A_256, %sign3A_259 : i32
      %ne3A_261 = arith.cmpi ne, %sign3A_253, %sign3A_260 : i32
      %rem3A_262 = arith.remsi %add3A_244, %jit3A_245 : i32
      %ne3A_263 = arith.constant 0 : i32
      %ne3A_264 = arith.cmpi ne, %rem3A_262, %ne3A_263 : i32
      %and3A_265 = arith.andi %ne3A_261, %ne3A_264 : i1
      %sub3A_266 = arith.constant 1 : i32
      %sub3A_267 = arith.subi %div3A_246, %sub3A_266 : i32
      %select_n3A_268 = arith.select %and3A_265, %sub3A_267, %div3A_246 : i32
      %while3A_269 = arith.constant 0 : i32
      %while3A_270 = arith.constant 0 : i32
      %while3A_271 = arith.subi %select_n3A_268, %while3A_269 : i32
      %while3A_272 = arith.addi %while3A_269, %while3A_271 : i32
      %while3A_273 = arith.constant 1 : i32
      %while3A_274 = arith.divsi %while3A_271, %while3A_273 : i32
      %while3A_275 = arith.muli %while3A_274, %while3A_273 : i32
      %while3A_276 = arith.addi %while3A_269, %while3A_275 : i32
      %while3A_277 = arith.constant 1 : i32
      %while3A_278 = scf.for %while3A_471 = %while3A_269 to %while3A_276 step %while3A_277 iter_args(%while3A_472 = %while3A_270) -> (i32)  : i32 {
        %mul3A_473 = arith.constant 16 : i32
        %mul3A_474 = arith.muli %while3A_471, %mul3A_473 : i32
        %get3A_475 = arith.index_cast %mul3A_474 : i32 to index
        %get3A_476 = tpu.vector_load %arg6[%get3A_475] {strides = array<i32>} : memref<20000xf32, #tpu.memory_space<vmem>>, vector<16xf32>,
        %bitcast_convert_type3A = tpu.bitcast %get3A_476 : vector<16xf32> -> vector<16xi32>
        %shift_right_logical3A = arith.constant 8 : i32
        %shift_right_logical3A_477 = vector.broadcast %shift_right_logical3A : i32 to vector<16xi32>
        %shift_right_logical3A_478 = arith.shrui %bitcast_convert_type3A, %shift_right_logical3A_477 : vector<16xi32>
        %and3A_479 = arith.constant 255 : i32
        %and3A_480 = vector.broadcast %and3A_479 : i32 to vector<16xi32>
        %and3A_481 = arith.andi %shift_right_logical3A_478, %and3A_480 : vector<16xi32>
        %mul3A_482 = arith.constant 16 : i32
        %mul3A_483 = arith.muli %while3A_471, %mul3A_482 : i32
        %add3A_484 = vector.broadcast %mul3A_483 : i32 to vector<16xi32>
        %add3A_485 = arith.addi %add3A_484, %iota3A : vector<16xi32>
        %lt3A_486 = vector.broadcast %while3A_235#1 : i32 to vector<16xi32>
        %lt3A_487 = arith.cmpi slt, %add3A_485, %lt3A_486 : vector<16xi32>
        %add3A_488 = arith.addi %and3A_481, %mul3A_68 : vector<16xi32>
        tpu.vector_store_idx %arg8[%add3A_488], %broadcast_in_dim3A_65 masked %lt3A_487 {add = true} : memref<4096xi32, #tpu.memory_space<vmem>>[vector<16xi32>], vector<16xi32>, vector<16xi1>
        %while3A_489 = arith.constant 0 : i32
        scf.yield %while3A_489 : i32
      }
      %while3A_279 = arith.constant 1 : i32
      %while3A_280 = scf.for %while3A_471 = %while3A_276 to %while3A_272 step %while3A_279 iter_args(%while3A_472 = %while3A_278) -> (i32)  : i32 {
        %mul3A_473 = arith.constant 16 : i32
        %mul3A_474 = arith.muli %while3A_471, %mul3A_473 : i32
        %get3A_475 = arith.index_cast %mul3A_474 : i32 to index
        %get3A_476 = tpu.vector_load %arg6[%get3A_475] {strides = array<i32>} : memref<20000xf32, #tpu.memory_space<vmem>>, vector<16xf32>,
        %bitcast_convert_type3A = tpu.bitcast %get3A_476 : vector<16xf32> -> vector<16xi32>
        %shift_right_logical3A = arith.constant 8 : i32
        %shift_right_logical3A_477 = vector.broadcast %shift_right_logical3A : i32 to vector<16xi32>
        %shift_right_logical3A_478 = arith.shrui %bitcast_convert_type3A, %shift_right_logical3A_477 : vector<16xi32>
        %and3A_479 = arith.constant 255 : i32
        %and3A_480 = vector.broadcast %and3A_479 : i32 to vector<16xi32>
        %and3A_481 = arith.andi %shift_right_logical3A_478, %and3A_480 : vector<16xi32>
        %mul3A_482 = arith.constant 16 : i32
        %mul3A_483 = arith.muli %while3A_471, %mul3A_482 : i32
        %add3A_484 = vector.broadcast %mul3A_483 : i32 to vector<16xi32>
        %add3A_485 = arith.addi %add3A_484, %iota3A : vector<16xi32>
        %lt3A_486 = vector.broadcast %while3A_235#1 : i32 to vector<16xi32>
        %lt3A_487 = arith.cmpi slt, %add3A_485, %lt3A_486 : vector<16xi32>
        %add3A_488 = arith.addi %and3A_481, %mul3A_68 : vector<16xi32>
        tpu.vector_store_idx %arg8[%add3A_488], %broadcast_in_dim3A_65 masked %lt3A_487 {add = true} : memref<4096xi32, #tpu.memory_space<vmem>>[vector<16xi32>], vector<16xi32>, vector<16xi1>
        %while3A_489 = arith.constant 0 : i32
        scf.yield %while3A_489 : i32
      }
      %broadcast_in_dim3A_281 = arith.constant 0 : i32
      %broadcast_in_dim3A_282 = vector.broadcast %broadcast_in_dim3A_281 : i32 to vector<16xi32>
      %scan3A_283 = arith.constant 0 : i32
      %scan3A_284 = arith.constant 0 : i32
      %scan3A_285 = arith.constant 16 : i32
      %scan3A_286 = arith.addi %scan3A_284, %scan3A_285 : i32
      %scan3A_287 = arith.constant 1 : i32
      %scan3A_288:2 = scf.for %scan3A_471 = %scan3A_284 to %scan3A_286 step %scan3A_287 iter_args(%scan3A_472 = %broadcast_in_dim3A_282, %scan3A_473 = %scan3A_283) -> (vector<16xi32>, i32)  : i32 {
        %sub3A_474 = arith.constant 15 : i32
        %sub3A_475 = arith.subi %sub3A_474, %scan3A_471 : i32
        %mul3A_476 = arith.constant 16 : i32
        %mul3A_477 = arith.muli %sub3A_475, %mul3A_476 : i32
        %get3A_478 = arith.index_cast %mul3A_477 : i32 to index
        %get3A_479 = tpu.vector_load %arg8[%get3A_478] {strides = array<i32>} : memref<4096xi32, #tpu.memory_space<vmem>>, vector<16xi32>,
        %mul3A_480 = arith.constant 16 : i32
        %mul3A_481 = arith.muli %sub3A_475, %mul3A_480 : i32
        %add3A_482 = arith.constant 256 : i32
        %add3A_483 = arith.addi %add3A_482, %mul3A_481 : i32
        %get3A_484 = arith.index_cast %add3A_483 : i32 to index
        %get3A_485 = tpu.vector_load %arg8[%get3A_484] {strides = array<i32>} : memref<4096xi32, #tpu.memory_space<vmem>>, vector<16xi32>,
        %add3A_486 = arith.addi %get3A_479, %get3A_485 : vector<16xi32>
        %mul3A_487 = arith.constant 16 : i32
        %mul3A_488 = arith.muli %sub3A_475, %mul3A_487 : i32
        %add3A_489 = arith.constant 512 : i32
        %add3A_490 = arith.addi %add3A_489, %mul3A_488 : i32
        %get3A_491 = arith.index_cast %add3A_490 : i32 to index
        %get3A_492 = tpu.vector_load %arg8[%get3A_491] {strides = array<i32>} : memref<4096xi32, #tpu.memory_space<vmem>>, vector<16xi32>,
        %add3A_493 = arith.addi %add3A_486, %get3A_492 : vector<16xi32>
        %mul3A_494 = arith.constant 16 : i32
        %mul3A_495 = arith.muli %sub3A_475, %mul3A_494 : i32
        %add3A_496 = arith.constant 768 : i32
        %add3A_497 = arith.addi %add3A_496, %mul3A_495 : i32
        %get3A_498 = arith.index_cast %add3A_497 : i32 to index
        %get3A_499 = tpu.vector_load %arg8[%get3A_498] {strides = array<i32>} : memref<4096xi32, #tpu.memory_space<vmem>>, vector<16xi32>,
        %add3A_500 = arith.addi %add3A_493, %get3A_499 : vector<16xi32>
        %mul3A_501 = arith.constant 16 : i32
        %mul3A_502 = arith.muli %sub3A_475, %mul3A_501 : i32
        %add3A_503 = arith.constant 1024 : i32
        %add3A_504 = arith.addi %add3A_503, %mul3A_502 : i32
        %get3A_505 = arith.index_cast %add3A_504 : i32 to index
        %get3A_506 = tpu.vector_load %arg8[%get3A_505] {strides = array<i32>} : memref<4096xi32, #tpu.memory_space<vmem>>, vector<16xi32>,
        %add3A_507 = arith.addi %add3A_500, %get3A_506 : vector<16xi32>
        %mul3A_508 = arith.constant 16 : i32
        %mul3A_509 = arith.muli %sub3A_475, %mul3A_508 : i32
        %add3A_510 = arith.constant 1280 : i32
        %add3A_511 = arith.addi %add3A_510, %mul3A_509 : i32
        %get3A_512 = arith.index_cast %add3A_511 : i32 to index
        %get3A_513 = tpu.vector_load %arg8[%get3A_512] {strides = array<i32>} : memref<4096xi32, #tpu.memory_space<vmem>>, vector<16xi32>,
        %add3A_514 = arith.addi %add3A_507, %get3A_513 : vector<16xi32>
        %mul3A_515 = arith.constant 16 : i32
        %mul3A_516 = arith.muli %sub3A_475, %mul3A_515 : i32
        %add3A_517 = arith.constant 1536 : i32
        %add3A_518 = arith.addi %add3A_517, %mul3A_516 : i32
        %get3A_519 = arith.index_cast %add3A_518 : i32 to index
        %get3A_520 = tpu.vector_load %arg8[%get3A_519] {strides = array<i32>} : memref<4096xi32, #tpu.memory_space<vmem>>, vector<16xi32>,
        %add3A_521 = arith.addi %add3A_514, %get3A_520 : vector<16xi32>
        %mul3A_522 = arith.constant 16 : i32
        %mul3A_523 = arith.muli %sub3A_475, %mul3A_522 : i32
        %add3A_524 = arith.constant 1792 : i32
        %add3A_525 = arith.addi %add3A_524, %mul3A_523 : i32
        %get3A_526 = arith.index_cast %add3A_525 : i32 to index
        %get3A_527 = tpu.vector_load %arg8[%get3A_526] {strides = array<i32>} : memref<4096xi32, #tpu.memory_space<vmem>>, vector<16xi32>,
        %add3A_528 = arith.addi %add3A_521, %get3A_527 : vector<16xi32>
        %mul3A_529 = arith.constant 16 : i32
        %mul3A_530 = arith.muli %sub3A_475, %mul3A_529 : i32
        %add3A_531 = arith.constant 2048 : i32
        %add3A_532 = arith.addi %add3A_531, %mul3A_530 : i32
        %get3A_533 = arith.index_cast %add3A_532 : i32 to index
        %get3A_534 = tpu.vector_load %arg8[%get3A_533] {strides = array<i32>} : memref<4096xi32, #tpu.memory_space<vmem>>, vector<16xi32>,
        %add3A_535 = arith.addi %add3A_528, %get3A_534 : vector<16xi32>
        %mul3A_536 = arith.constant 16 : i32
        %mul3A_537 = arith.muli %sub3A_475, %mul3A_536 : i32
        %add3A_538 = arith.constant 2304 : i32
        %add3A_539 = arith.addi %add3A_538, %mul3A_537 : i32
        %get3A_540 = arith.index_cast %add3A_539 : i32 to index
        %get3A_541 = tpu.vector_load %arg8[%get3A_540] {strides = array<i32>} : memref<4096xi32, #tpu.memory_space<vmem>>, vector<16xi32>,
        %add3A_542 = arith.addi %add3A_535, %get3A_541 : vector<16xi32>
        %mul3A_543 = arith.constant 16 : i32
        %mul3A_544 = arith.muli %sub3A_475, %mul3A_543 : i32
        %add3A_545 = arith.constant 2560 : i32
        %add3A_546 = arith.addi %add3A_545, %mul3A_544 : i32
        %get3A_547 = arith.index_cast %add3A_546 : i32 to index
        %get3A_548 = tpu.vector_load %arg8[%get3A_547] {strides = array<i32>} : memref<4096xi32, #tpu.memory_space<vmem>>, vector<16xi32>,
        %add3A_549 = arith.addi %add3A_542, %get3A_548 : vector<16xi32>
        %mul3A_550 = arith.constant 16 : i32
        %mul3A_551 = arith.muli %sub3A_475, %mul3A_550 : i32
        %add3A_552 = arith.constant 2816 : i32
        %add3A_553 = arith.addi %add3A_552, %mul3A_551 : i32
        %get3A_554 = arith.index_cast %add3A_553 : i32 to index
        %get3A_555 = tpu.vector_load %arg8[%get3A_554] {strides = array<i32>} : memref<4096xi32, #tpu.memory_space<vmem>>, vector<16xi32>,
        %add3A_556 = arith.addi %add3A_549, %get3A_555 : vector<16xi32>
        %mul3A_557 = arith.constant 16 : i32
        %mul3A_558 = arith.muli %sub3A_475, %mul3A_557 : i32
        %add3A_559 = arith.constant 3072 : i32
        %add3A_560 = arith.addi %add3A_559, %mul3A_558 : i32
        %get3A_561 = arith.index_cast %add3A_560 : i32 to index
        %get3A_562 = tpu.vector_load %arg8[%get3A_561] {strides = array<i32>} : memref<4096xi32, #tpu.memory_space<vmem>>, vector<16xi32>,
        %add3A_563 = arith.addi %add3A_556, %get3A_562 : vector<16xi32>
        %mul3A_564 = arith.constant 16 : i32
        %mul3A_565 = arith.muli %sub3A_475, %mul3A_564 : i32
        %add3A_566 = arith.constant 3328 : i32
        %add3A_567 = arith.addi %add3A_566, %mul3A_565 : i32
        %get3A_568 = arith.index_cast %add3A_567 : i32 to index
        %get3A_569 = tpu.vector_load %arg8[%get3A_568] {strides = array<i32>} : memref<4096xi32, #tpu.memory_space<vmem>>, vector<16xi32>,
        %add3A_570 = arith.addi %add3A_563, %get3A_569 : vector<16xi32>
        %mul3A_571 = arith.constant 16 : i32
        %mul3A_572 = arith.muli %sub3A_475, %mul3A_571 : i32
        %add3A_573 = arith.constant 3584 : i32
        %add3A_574 = arith.addi %add3A_573, %mul3A_572 : i32
        %get3A_575 = arith.index_cast %add3A_574 : i32 to index
        %get3A_576 = tpu.vector_load %arg8[%get3A_575] {strides = array<i32>} : memref<4096xi32, #tpu.memory_space<vmem>>, vector<16xi32>,
        %add3A_577 = arith.addi %add3A_570, %get3A_576 : vector<16xi32>
        %mul3A_578 = arith.constant 16 : i32
        %mul3A_579 = arith.muli %sub3A_475, %mul3A_578 : i32
        %add3A_580 = arith.constant 3840 : i32
        %add3A_581 = arith.addi %add3A_580, %mul3A_579 : i32
        %get3A_582 = arith.index_cast %add3A_581 : i32 to index
        %get3A_583 = tpu.vector_load %arg8[%get3A_582] {strides = array<i32>} : memref<4096xi32, #tpu.memory_space<vmem>>, vector<16xi32>,
        %add3A_584 = arith.addi %add3A_577, %get3A_583 : vector<16xi32>
        %rev3A = arith.constant 15 : i32
        %rev3A_585 = vector.broadcast %rev3A : i32 to vector<16xi32>
        %rev3A_586 = tpu.iota {dimensions = array<i32: 0>} : vector<16xi32>
        %rev3A_587 = arith.subi %rev3A_585, %rev3A_586 : vector<16xi32>
        %rev3A_588 = tpu.dynamic_gather %add3A_584[%rev3A_587] in [0] : vector<16xi32>, vector<16xi32> -> vector<16xi32>
        %broadcast_in_dim3A_589 = arith.constant true
        %broadcast_in_dim3A_590 = vector.broadcast %broadcast_in_dim3A_589 : i1 to vector<16xi1>
        %masked_cumsum3A = tpu.scan <sum>, %rev3A_588 masked %broadcast_in_dim3A_590 : vector<16xi32>, vector<16xi1> -> vector<16xi32>
        %rev3A_591 = arith.constant 15 : i32
        %rev3A_592 = vector.broadcast %rev3A_591 : i32 to vector<16xi32>
        %rev3A_593 = tpu.iota {dimensions = array<i32: 0>} : vector<16xi32>
        %rev3A_594 = arith.subi %rev3A_592, %rev3A_593 : vector<16xi32>
        %rev3A_595 = tpu.dynamic_gather %masked_cumsum3A[%rev3A_594] in [0] : vector<16xi32>, vector<16xi32> -> vector<16xi32>
        %add3A_596 = arith.addi %rev3A_595, %scan3A_472 : vector<16xi32>
        %mul3A_597 = arith.constant 16 : i32
        %mul3A_598 = arith.muli %sub3A_475, %mul3A_597 : i32
        %swap3A_599 = arith.index_cast %mul3A_598 : i32 to index
        %swap3A_600 = tpu.vector_load %arg9[%swap3A_599] {strides = array<i32>} : memref<272xi32, #tpu.memory_space<vmem>>, vector<16xi32>,
        tpu.vector_store %arg9[%swap3A_599], %add3A_596 {strides = array<i32>} : memref<272xi32, #tpu.memory_space<vmem>>, vector<16xi32>,
        %slice3A = vector.extract_strided_slice %add3A_596 {offsets = [0], sizes = [1], strides = [1]} : vector<16xi32> to vector<1xi32>
        %squeeze3A = vector.extract %slice3A[0] : i32 from vector<1xi32>
        %broadcast_in_dim3A_601 = vector.broadcast %squeeze3A : i32 to vector<16xi32>
        %broadcast_in_dim3A_602 = vector.broadcast %sub3A_222 : i32 to vector<16xi32>
        %ge3A = arith.cmpi sge, %add3A_596, %broadcast_in_dim3A_602 : vector<16xi32>
        %all_reduce_population_count3A = tpu.all_reduce %ge3A {dim = 0 : i64, kind = #tpu.reduction_kind<sum>} : vector<16xi1> -> vector<16xi32>
        %slice3A_603 = vector.extract_strided_slice %all_reduce_population_count3A {offsets = [0], sizes = [1], strides = [1]} : vector<16xi32> to vector<1xi32>
        %squeeze3A_604 = vector.extract %slice3A_603[0] : i32 from vector<1xi32>
        %add3A_605 = arith.addi %scan3A_473, %squeeze3A_604 : i32
        scf.yield %broadcast_in_dim3A_601, %add3A_605 : vector<16xi32>, i32
      }
      %scan3A_289 = arith.constant 16 : i32
      %sub3A_290 = arith.constant 1 : i32
      %sub3A_291 = arith.subi %scan3A_288#1, %sub3A_290 : i32
      %add3A_292 = arith.constant 1 : i32
      %add3A_293 = arith.addi %sub3A_291, %add3A_292 : i32
      %get3A_294 = arith.index_cast %add3A_293 : i32 to index
      %get3A_295 = tpu.vector_load %arg9[%get3A_294] {strides = array<i32>} : memref<272xi32, #tpu.memory_space<vmem>>, vector<16xi32>,
      %reduce_max3A_296 = arith.constant true
      %reduce_max3A_297 = vector.broadcast %reduce_max3A_296 : i1 to vector<16xi1>
      %reduce_max3A_298 = arith.constant -2147483648 : i32
      %reduce_max3A_299 = vector.broadcast %reduce_max3A_298 : i32 to vector<16xi32>
      %reduce_max3A_300 = arith.xori %get3A_295, %reduce_max3A_299 : vector<16xi32>
      %reduce_max3A_301 = tpu.scan <max>, %reduce_max3A_300 masked %reduce_max3A_297 : vector<16xi32>, vector<16xi1> -> vector<16xi32>
      %reduce_max3A_302 = arith.xori %reduce_max3A_301, %reduce_max3A_299 : vector<16xi32>
      %reduce_max3A_303 = vector.extract %reduce_max3A_302[15] : i32 from vector<16xi32>
      %sub3A_304 = arith.subi %sub3A_222, %reduce_max3A_303 : i32
      %broadcast_in_dim3A_305 = vector.broadcast %sub3A_291 : i32 to vector<16xi32>
      %while3A_306 = arith.constant 0 : i32
      %while3A_307 = arith.constant 0 : i32
      %while3A_308 = arith.subi %select_n3A_268, %while3A_306 : i32
      %while3A_309 = arith.addi %while3A_306, %while3A_308 : i32
      %while3A_310 = arith.constant 1 : i32
      %while3A_311 = arith.divsi %while3A_308, %while3A_310 : i32
      %while3A_312 = arith.muli %while3A_311, %while3A_310 : i32
      %while3A_313 = arith.addi %while3A_306, %while3A_312 : i32
      %while3A_314 = arith.constant 1 : i32
      %while3A_315:2 = scf.for %while3A_471 = %while3A_306 to %while3A_313 step %while3A_314 iter_args(%while3A_472 = %while3A_235#0, %while3A_473 = %while3A_307) -> (i32, i32)  : i32 {
        %mul3A_474 = arith.constant 16 : i32
        %mul3A_475 = arith.muli %while3A_471, %mul3A_474 : i32
        %get3A_476 = arith.index_cast %mul3A_475 : i32 to index
        %get3A_477 = tpu.vector_load %arg6[%get3A_476] {strides = array<i32>} : memref<20000xf32, #tpu.memory_space<vmem>>, vector<16xf32>,
        %bitcast_convert_type3A = tpu.bitcast %get3A_477 : vector<16xf32> -> vector<16xi32>
        %shift_right_logical3A = arith.constant 8 : i32
        %shift_right_logical3A_478 = vector.broadcast %shift_right_logical3A : i32 to vector<16xi32>
        %shift_right_logical3A_479 = arith.shrui %bitcast_convert_type3A, %shift_right_logical3A_478 : vector<16xi32>
        %and3A_480 = arith.constant 255 : i32
        %and3A_481 = vector.broadcast %and3A_480 : i32 to vector<16xi32>
        %and3A_482 = arith.andi %shift_right_logical3A_479, %and3A_481 : vector<16xi32>
        %mul3A_483 = arith.constant 16 : i32
        %mul3A_484 = arith.muli %while3A_471, %mul3A_483 : i32
        %get3A_485 = arith.index_cast %mul3A_484 : i32 to index
        %get3A_486 = tpu.vector_load %arg7[%get3A_485] {strides = array<i32>} : memref<20000xi32, #tpu.memory_space<vmem>>, vector<16xi32>,
        %mul3A_487 = arith.constant 16 : i32
        %mul3A_488 = arith.muli %while3A_471, %mul3A_487 : i32
        %add3A_489 = vector.broadcast %mul3A_488 : i32 to vector<16xi32>
        %add3A_490 = arith.addi %add3A_489, %iota3A : vector<16xi32>
        %lt3A_491 = vector.broadcast %while3A_235#1 : i32 to vector<16xi32>
        %lt3A_492 = arith.cmpi slt, %add3A_490, %lt3A_491 : vector<16xi32>
        %gt3A = arith.cmpi sgt, %and3A_482, %broadcast_in_dim3A_305 : vector<16xi32>
        %and3A_493 = arith.andi %gt3A, %lt3A_492 : vector<16xi1>
        %eq3A_494 = arith.cmpi eq, %and3A_482, %broadcast_in_dim3A_305 : vector<16xi32>
        %and3A_495 = arith.andi %eq3A_494, %lt3A_492 : vector<16xi1>
        %swap3A_496 = arith.index_cast %while3A_472 : i32 to index
        %swap3A_497 = tpu.vector_load %arg10[%swap3A_496] masked %and3A_493 {strides = array<i32>} : memref<224xf32, #tpu.memory_space<vmem>>, vector<16xf32>, vector<16xi1>
        tpu.vector_store %arg10[%swap3A_496], %get3A_477 masked %and3A_493 {strides = array<i32>} : memref<224xf32, #tpu.memory_space<vmem>>, vector<16xf32>, vector<16xi1>
        %swap3A_498 = arith.index_cast %while3A_472 : i32 to index
        %swap3A_499 = tpu.vector_load %arg11[%swap3A_498] masked %and3A_493 {strides = array<i32>} : memref<224xi32, #tpu.memory_space<vmem>>, vector<16xi32>, vector<16xi1>
        tpu.vector_store %arg11[%swap3A_498], %get3A_486 masked %and3A_493 {strides = array<i32>} : memref<224xi32, #tpu.memory_space<vmem>>, vector<16xi32>, vector<16xi1>
        %swap3A_500 = arith.index_cast %while3A_473 : i32 to index
        %swap3A_501 = tpu.vector_load %arg6[%swap3A_500] masked %and3A_495 {strides = array<i32>} : memref<20000xf32, #tpu.memory_space<vmem>>, vector<16xf32>, vector<16xi1>
        tpu.vector_store %arg6[%swap3A_500], %get3A_477 masked %and3A_495 {strides = array<i32>} : memref<20000xf32, #tpu.memory_space<vmem>>, vector<16xf32>, vector<16xi1>
        %swap3A_502 = arith.index_cast %while3A_473 : i32 to index
        %swap3A_503 = tpu.vector_load %arg7[%swap3A_502] masked %and3A_495 {strides = array<i32>} : memref<20000xi32, #tpu.memory_space<vmem>>, vector<16xi32>, vector<16xi1>
        tpu.vector_store %arg7[%swap3A_502], %get3A_486 masked %and3A_495 {strides = array<i32>} : memref<20000xi32, #tpu.memory_space<vmem>>, vector<16xi32>, vector<16xi1>
        %all_reduce_population_count3A = tpu.all_reduce %and3A_493 {dim = 0 : i64, kind = #tpu.reduction_kind<sum>} : vector<16xi1> -> vector<16xi32>
        %slice3A = vector.extract_strided_slice %all_reduce_population_count3A {offsets = [0], sizes = [1], strides = [1]} : vector<16xi32> to vector<1xi32>
        %squeeze3A = vector.extract %slice3A[0] : i32 from vector<1xi32>
        %add3A_504 = arith.addi %while3A_472, %squeeze3A : i32
        %all_reduce_population_count3A_505 = tpu.all_reduce %and3A_495 {dim = 0 : i64, kind = #tpu.reduction_kind<sum>} : vector<16xi1> -> vector<16xi32>
        %slice3A_506 = vector.extract_strided_slice %all_reduce_population_count3A_505 {offsets = [0], sizes = [1], strides = [1]} : vector<16xi32> to vector<1xi32>
        %squeeze3A_507 = vector.extract %slice3A_506[0] : i32 from vector<1xi32>
        %add3A_508 = arith.addi %while3A_473, %squeeze3A_507 : i32
        scf.yield %add3A_504, %add3A_508 : i32, i32
      }
      %while3A_316 = arith.constant 1 : i32
      %while3A_317:2 = scf.for %while3A_471 = %while3A_313 to %while3A_309 step %while3A_316 iter_args(%while3A_472 = %while3A_315#0, %while3A_473 = %while3A_315#1) -> (i32, i32)  : i32 {
        %mul3A_474 = arith.constant 16 : i32
        %mul3A_475 = arith.muli %while3A_471, %mul3A_474 : i32
        %get3A_476 = arith.index_cast %mul3A_475 : i32 to index
        %get3A_477 = tpu.vector_load %arg6[%get3A_476] {strides = array<i32>} : memref<20000xf32, #tpu.memory_space<vmem>>, vector<16xf32>,
        %bitcast_convert_type3A = tpu.bitcast %get3A_477 : vector<16xf32> -> vector<16xi32>
        %shift_right_logical3A = arith.constant 8 : i32
        %shift_right_logical3A_478 = vector.broadcast %shift_right_logical3A : i32 to vector<16xi32>
        %shift_right_logical3A_479 = arith.shrui %bitcast_convert_type3A, %shift_right_logical3A_478 : vector<16xi32>
        %and3A_480 = arith.constant 255 : i32
        %and3A_481 = vector.broadcast %and3A_480 : i32 to vector<16xi32>
        %and3A_482 = arith.andi %shift_right_logical3A_479, %and3A_481 : vector<16xi32>
        %mul3A_483 = arith.constant 16 : i32
        %mul3A_484 = arith.muli %while3A_471, %mul3A_483 : i32
        %get3A_485 = arith.index_cast %mul3A_484 : i32 to index
        %get3A_486 = tpu.vector_load %arg7[%get3A_485] {strides = array<i32>} : memref<20000xi32, #tpu.memory_space<vmem>>, vector<16xi32>,
        %mul3A_487 = arith.constant 16 : i32
        %mul3A_488 = arith.muli %while3A_471, %mul3A_487 : i32
        %add3A_489 = vector.broadcast %mul3A_488 : i32 to vector<16xi32>
        %add3A_490 = arith.addi %add3A_489, %iota3A : vector<16xi32>
        %lt3A_491 = vector.broadcast %while3A_235#1 : i32 to vector<16xi32>
        %lt3A_492 = arith.cmpi slt, %add3A_490, %lt3A_491 : vector<16xi32>
        %gt3A = arith.cmpi sgt, %and3A_482, %broadcast_in_dim3A_305 : vector<16xi32>
        %and3A_493 = arith.andi %gt3A, %lt3A_492 : vector<16xi1>
        %eq3A_494 = arith.cmpi eq, %and3A_482, %broadcast_in_dim3A_305 : vector<16xi32>
        %and3A_495 = arith.andi %eq3A_494, %lt3A_492 : vector<16xi1>
        %swap3A_496 = arith.index_cast %while3A_472 : i32 to index
        %swap3A_497 = tpu.vector_load %arg10[%swap3A_496] masked %and3A_493 {strides = array<i32>} : memref<224xf32, #tpu.memory_space<vmem>>, vector<16xf32>, vector<16xi1>
        tpu.vector_store %arg10[%swap3A_496], %get3A_477 masked %and3A_493 {strides = array<i32>} : memref<224xf32, #tpu.memory_space<vmem>>, vector<16xf32>, vector<16xi1>
        %swap3A_498 = arith.index_cast %while3A_472 : i32 to index
        %swap3A_499 = tpu.vector_load %arg11[%swap3A_498] masked %and3A_493 {strides = array<i32>} : memref<224xi32, #tpu.memory_space<vmem>>, vector<16xi32>, vector<16xi1>
        tpu.vector_store %arg11[%swap3A_498], %get3A_486 masked %and3A_493 {strides = array<i32>} : memref<224xi32, #tpu.memory_space<vmem>>, vector<16xi32>, vector<16xi1>
        %swap3A_500 = arith.index_cast %while3A_473 : i32 to index
        %swap3A_501 = tpu.vector_load %arg6[%swap3A_500] masked %and3A_495 {strides = array<i32>} : memref<20000xf32, #tpu.memory_space<vmem>>, vector<16xf32>, vector<16xi1>
        tpu.vector_store %arg6[%swap3A_500], %get3A_477 masked %and3A_495 {strides = array<i32>} : memref<20000xf32, #tpu.memory_space<vmem>>, vector<16xf32>, vector<16xi1>
        %swap3A_502 = arith.index_cast %while3A_473 : i32 to index
        %swap3A_503 = tpu.vector_load %arg7[%swap3A_502] masked %and3A_495 {strides = array<i32>} : memref<20000xi32, #tpu.memory_space<vmem>>, vector<16xi32>, vector<16xi1>
        tpu.vector_store %arg7[%swap3A_502], %get3A_486 masked %and3A_495 {strides = array<i32>} : memref<20000xi32, #tpu.memory_space<vmem>>, vector<16xi32>, vector<16xi1>
        %all_reduce_population_count3A = tpu.all_reduce %and3A_493 {dim = 0 : i64, kind = #tpu.reduction_kind<sum>} : vector<16xi1> -> vector<16xi32>
        %slice3A = vector.extract_strided_slice %all_reduce_population_count3A {offsets = [0], sizes = [1], strides = [1]} : vector<16xi32> to vector<1xi32>
        %squeeze3A = vector.extract %slice3A[0] : i32 from vector<1xi32>
        %add3A_504 = arith.addi %while3A_472, %squeeze3A : i32
        %all_reduce_population_count3A_505 = tpu.all_reduce %and3A_495 {dim = 0 : i64, kind = #tpu.reduction_kind<sum>} : vector<16xi1> -> vector<16xi32>
        %slice3A_506 = vector.extract_strided_slice %all_reduce_population_count3A_505 {offsets = [0], sizes = [1], strides = [1]} : vector<16xi32> to vector<1xi32>
        %squeeze3A_507 = vector.extract %slice3A_506[0] : i32 from vector<1xi32>
        %add3A_508 = arith.addi %while3A_473, %squeeze3A_507 : i32
        scf.yield %add3A_504, %add3A_508 : i32, i32
      }
      %scan3A_318 = arith.constant 0 : i32
      %scan3A_319 = arith.constant 0 : i32
      %scan3A_320 = arith.constant 256 : i32
      %scan3A_321 = arith.addi %scan3A_319, %scan3A_320 : i32
      %scan3A_322 = arith.constant 1 : i32
      %scan3A_323 = scf.for %scan3A_471 = %scan3A_319 to %scan3A_321 step %scan3A_322 iter_args(%scan3A_472 = %scan3A_318) -> (i32)  : i32 {
        %broadcast_in_dim3A_473 = arith.constant 0 : i32
        %broadcast_in_dim3A_474 = vector.broadcast %broadcast_in_dim3A_473 : i32 to vector<16xi32>
        %mul3A_475 = arith.constant 16 : i32
        %mul3A_476 = arith.muli %scan3A_471, %mul3A_475 : i32
        %swap3A_477 = arith.index_cast %mul3A_476 : i32 to index
        %swap3A_478 = tpu.vector_load %arg8[%swap3A_477] {strides = array<i32>} : memref<4096xi32, #tpu.memory_space<vmem>>, vector<16xi32>,
        tpu.vector_store %arg8[%swap3A_477], %broadcast_in_dim3A_474 {strides = array<i32>} : memref<4096xi32, #tpu.memory_space<vmem>>, vector<16xi32>,
        %scan3A_479 = arith.constant 0 : i32
        scf.yield %scan3A_479 : i32
      }
      %scan3A_324 = arith.constant 256 : i32
      %add3A_325 = arith.constant 15 : i32
      %add3A_326 = arith.addi %while3A_317#1, %add3A_325 : i32
      %jit3A_327 = arith.constant 16 : i32
      %div3A_328 = arith.divsi %add3A_326, %jit3A_327 : i32
      %sign3A_329 = arith.constant 0 : i32
      %sign3A_330 = arith.cmpi sgt, %add3A_326, %sign3A_329 : i32
      %sign3A_331 = arith.extui %sign3A_330 : i1 to i32
      %sign3A_332 = arith.constant 0 : i32
      %sign3A_333 = arith.cmpi slt, %add3A_326, %sign3A_332 : i32
      %sign3A_334 = arith.extui %sign3A_333 : i1 to i32
      %sign3A_335 = arith.subi %sign3A_331, %sign3A_334 : i32
      %sign3A_336 = arith.constant 0 : i32
      %sign3A_337 = arith.cmpi sgt, %jit3A_327, %sign3A_336 : i32
      %sign3A_338 = arith.extui %sign3A_337 : i1 to i32
      %sign3A_339 = arith.constant 0 : i32
      %sign3A_340 = arith.cmpi slt, %jit3A_327, %sign3A_339 : i32
      %sign3A_341 = arith.extui %sign3A_340 : i1 to i32
      %sign3A_342 = arith.subi %sign3A_338, %sign3A_341 : i32
      %ne3A_343 = arith.cmpi ne, %sign3A_335, %sign3A_342 : i32
      %rem3A_344 = arith.remsi %add3A_326, %jit3A_327 : i32
      %ne3A_345 = arith.constant 0 : i32
      %ne3A_346 = arith.cmpi ne, %rem3A_344, %ne3A_345 : i32
      %and3A_347 = arith.andi %ne3A_343, %ne3A_346 : i1
      %sub3A_348 = arith.constant 1 : i32
      %sub3A_349 = arith.subi %div3A_328, %sub3A_348 : i32
      %select_n3A_350 = arith.select %and3A_347, %sub3A_349, %div3A_328 : i32
      %while3A_351 = arith.constant 0 : i32
      %while3A_352 = arith.constant 0 : i32
      %while3A_353 = arith.subi %select_n3A_350, %while3A_351 : i32
      %while3A_354 = arith.addi %while3A_351, %while3A_353 : i32
      %while3A_355 = arith.constant 1 : i32
      %while3A_356 = arith.divsi %while3A_353, %while3A_355 : i32
      %while3A_357 = arith.muli %while3A_356, %while3A_355 : i32
      %while3A_358 = arith.addi %while3A_351, %while3A_357 : i32
      %while3A_359 = arith.constant 1 : i32
      %while3A_360 = scf.for %while3A_471 = %while3A_351 to %while3A_358 step %while3A_359 iter_args(%while3A_472 = %while3A_352) -> (i32)  : i32 {
        %mul3A_473 = arith.constant 16 : i32
        %mul3A_474 = arith.muli %while3A_471, %mul3A_473 : i32
        %get3A_475 = arith.index_cast %mul3A_474 : i32 to index
        %get3A_476 = tpu.vector_load %arg6[%get3A_475] {strides = array<i32>} : memref<20000xf32, #tpu.memory_space<vmem>>, vector<16xf32>,
        %bitcast_convert_type3A = tpu.bitcast %get3A_476 : vector<16xf32> -> vector<16xi32>
        %shift_right_logical3A = arith.constant 0 : i32
        %shift_right_logical3A_477 = vector.broadcast %shift_right_logical3A : i32 to vector<16xi32>
        %shift_right_logical3A_478 = arith.shrui %bitcast_convert_type3A, %shift_right_logical3A_477 : vector<16xi32>
        %and3A_479 = arith.constant 255 : i32
        %and3A_480 = vector.broadcast %and3A_479 : i32 to vector<16xi32>
        %and3A_481 = arith.andi %shift_right_logical3A_478, %and3A_480 : vector<16xi32>
        %mul3A_482 = arith.constant 16 : i32
        %mul3A_483 = arith.muli %while3A_471, %mul3A_482 : i32
        %add3A_484 = vector.broadcast %mul3A_483 : i32 to vector<16xi32>
        %add3A_485 = arith.addi %add3A_484, %iota3A : vector<16xi32>
        %lt3A_486 = vector.broadcast %while3A_317#1 : i32 to vector<16xi32>
        %lt3A_487 = arith.cmpi slt, %add3A_485, %lt3A_486 : vector<16xi32>
        %add3A_488 = arith.addi %and3A_481, %mul3A_68 : vector<16xi32>
        tpu.vector_store_idx %arg8[%add3A_488], %broadcast_in_dim3A_65 masked %lt3A_487 {add = true} : memref<4096xi32, #tpu.memory_space<vmem>>[vector<16xi32>], vector<16xi32>, vector<16xi1>
        %while3A_489 = arith.constant 0 : i32
        scf.yield %while3A_489 : i32
      }
      %while3A_361 = arith.constant 1 : i32
      %while3A_362 = scf.for %while3A_471 = %while3A_358 to %while3A_354 step %while3A_361 iter_args(%while3A_472 = %while3A_360) -> (i32)  : i32 {
        %mul3A_473 = arith.constant 16 : i32
        %mul3A_474 = arith.muli %while3A_471, %mul3A_473 : i32
        %get3A_475 = arith.index_cast %mul3A_474 : i32 to index
        %get3A_476 = tpu.vector_load %arg6[%get3A_475] {strides = array<i32>} : memref<20000xf32, #tpu.memory_space<vmem>>, vector<16xf32>,
        %bitcast_convert_type3A = tpu.bitcast %get3A_476 : vector<16xf32> -> vector<16xi32>
        %shift_right_logical3A = arith.constant 0 : i32
        %shift_right_logical3A_477 = vector.broadcast %shift_right_logical3A : i32 to vector<16xi32>
        %shift_right_logical3A_478 = arith.shrui %bitcast_convert_type3A, %shift_right_logical3A_477 : vector<16xi32>
        %and3A_479 = arith.constant 255 : i32
        %and3A_480 = vector.broadcast %and3A_479 : i32 to vector<16xi32>
        %and3A_481 = arith.andi %shift_right_logical3A_478, %and3A_480 : vector<16xi32>
        %mul3A_482 = arith.constant 16 : i32
        %mul3A_483 = arith.muli %while3A_471, %mul3A_482 : i32
        %add3A_484 = vector.broadcast %mul3A_483 : i32 to vector<16xi32>
        %add3A_485 = arith.addi %add3A_484, %iota3A : vector<16xi32>
        %lt3A_486 = vector.broadcast %while3A_317#1 : i32 to vector<16xi32>
        %lt3A_487 = arith.cmpi slt, %add3A_485, %lt3A_486 : vector<16xi32>
        %add3A_488 = arith.addi %and3A_481, %mul3A_68 : vector<16xi32>
        tpu.vector_store_idx %arg8[%add3A_488], %broadcast_in_dim3A_65 masked %lt3A_487 {add = true} : memref<4096xi32, #tpu.memory_space<vmem>>[vector<16xi32>], vector<16xi32>, vector<16xi1>
        %while3A_489 = arith.constant 0 : i32
        scf.yield %while3A_489 : i32
      }
      %broadcast_in_dim3A_363 = arith.constant 0 : i32
      %broadcast_in_dim3A_364 = vector.broadcast %broadcast_in_dim3A_363 : i32 to vector<16xi32>
      %scan3A_365 = arith.constant 0 : i32
      %scan3A_366 = arith.constant 0 : i32
      %scan3A_367 = arith.constant 16 : i32
      %scan3A_368 = arith.addi %scan3A_366, %scan3A_367 : i32
      %scan3A_369 = arith.constant 1 : i32
      %scan3A_370:2 = scf.for %scan3A_471 = %scan3A_366 to %scan3A_368 step %scan3A_369 iter_args(%scan3A_472 = %broadcast_in_dim3A_364, %scan3A_473 = %scan3A_365) -> (vector<16xi32>, i32)  : i32 {
        %sub3A_474 = arith.constant 15 : i32
        %sub3A_475 = arith.subi %sub3A_474, %scan3A_471 : i32
        %mul3A_476 = arith.constant 16 : i32
        %mul3A_477 = arith.muli %sub3A_475, %mul3A_476 : i32
        %get3A_478 = arith.index_cast %mul3A_477 : i32 to index
        %get3A_479 = tpu.vector_load %arg8[%get3A_478] {strides = array<i32>} : memref<4096xi32, #tpu.memory_space<vmem>>, vector<16xi32>,
        %mul3A_480 = arith.constant 16 : i32
        %mul3A_481 = arith.muli %sub3A_475, %mul3A_480 : i32
        %add3A_482 = arith.constant 256 : i32
        %add3A_483 = arith.addi %add3A_482, %mul3A_481 : i32
        %get3A_484 = arith.index_cast %add3A_483 : i32 to index
        %get3A_485 = tpu.vector_load %arg8[%get3A_484] {strides = array<i32>} : memref<4096xi32, #tpu.memory_space<vmem>>, vector<16xi32>,
        %add3A_486 = arith.addi %get3A_479, %get3A_485 : vector<16xi32>
        %mul3A_487 = arith.constant 16 : i32
        %mul3A_488 = arith.muli %sub3A_475, %mul3A_487 : i32
        %add3A_489 = arith.constant 512 : i32
        %add3A_490 = arith.addi %add3A_489, %mul3A_488 : i32
        %get3A_491 = arith.index_cast %add3A_490 : i32 to index
        %get3A_492 = tpu.vector_load %arg8[%get3A_491] {strides = array<i32>} : memref<4096xi32, #tpu.memory_space<vmem>>, vector<16xi32>,
        %add3A_493 = arith.addi %add3A_486, %get3A_492 : vector<16xi32>
        %mul3A_494 = arith.constant 16 : i32
        %mul3A_495 = arith.muli %sub3A_475, %mul3A_494 : i32
        %add3A_496 = arith.constant 768 : i32
        %add3A_497 = arith.addi %add3A_496, %mul3A_495 : i32
        %get3A_498 = arith.index_cast %add3A_497 : i32 to index
        %get3A_499 = tpu.vector_load %arg8[%get3A_498] {strides = array<i32>} : memref<4096xi32, #tpu.memory_space<vmem>>, vector<16xi32>,
        %add3A_500 = arith.addi %add3A_493, %get3A_499 : vector<16xi32>
        %mul3A_501 = arith.constant 16 : i32
        %mul3A_502 = arith.muli %sub3A_475, %mul3A_501 : i32
        %add3A_503 = arith.constant 1024 : i32
        %add3A_504 = arith.addi %add3A_503, %mul3A_502 : i32
        %get3A_505 = arith.index_cast %add3A_504 : i32 to index
        %get3A_506 = tpu.vector_load %arg8[%get3A_505] {strides = array<i32>} : memref<4096xi32, #tpu.memory_space<vmem>>, vector<16xi32>,
        %add3A_507 = arith.addi %add3A_500, %get3A_506 : vector<16xi32>
        %mul3A_508 = arith.constant 16 : i32
        %mul3A_509 = arith.muli %sub3A_475, %mul3A_508 : i32
        %add3A_510 = arith.constant 1280 : i32
        %add3A_511 = arith.addi %add3A_510, %mul3A_509 : i32
        %get3A_512 = arith.index_cast %add3A_511 : i32 to index
        %get3A_513 = tpu.vector_load %arg8[%get3A_512] {strides = array<i32>} : memref<4096xi32, #tpu.memory_space<vmem>>, vector<16xi32>,
        %add3A_514 = arith.addi %add3A_507, %get3A_513 : vector<16xi32>
        %mul3A_515 = arith.constant 16 : i32
        %mul3A_516 = arith.muli %sub3A_475, %mul3A_515 : i32
        %add3A_517 = arith.constant 1536 : i32
        %add3A_518 = arith.addi %add3A_517, %mul3A_516 : i32
        %get3A_519 = arith.index_cast %add3A_518 : i32 to index
        %get3A_520 = tpu.vector_load %arg8[%get3A_519] {strides = array<i32>} : memref<4096xi32, #tpu.memory_space<vmem>>, vector<16xi32>,
        %add3A_521 = arith.addi %add3A_514, %get3A_520 : vector<16xi32>
        %mul3A_522 = arith.constant 16 : i32
        %mul3A_523 = arith.muli %sub3A_475, %mul3A_522 : i32
        %add3A_524 = arith.constant 1792 : i32
        %add3A_525 = arith.addi %add3A_524, %mul3A_523 : i32
        %get3A_526 = arith.index_cast %add3A_525 : i32 to index
        %get3A_527 = tpu.vector_load %arg8[%get3A_526] {strides = array<i32>} : memref<4096xi32, #tpu.memory_space<vmem>>, vector<16xi32>,
        %add3A_528 = arith.addi %add3A_521, %get3A_527 : vector<16xi32>
        %mul3A_529 = arith.constant 16 : i32
        %mul3A_530 = arith.muli %sub3A_475, %mul3A_529 : i32
        %add3A_531 = arith.constant 2048 : i32
        %add3A_532 = arith.addi %add3A_531, %mul3A_530 : i32
        %get3A_533 = arith.index_cast %add3A_532 : i32 to index
        %get3A_534 = tpu.vector_load %arg8[%get3A_533] {strides = array<i32>} : memref<4096xi32, #tpu.memory_space<vmem>>, vector<16xi32>,
        %add3A_535 = arith.addi %add3A_528, %get3A_534 : vector<16xi32>
        %mul3A_536 = arith.constant 16 : i32
        %mul3A_537 = arith.muli %sub3A_475, %mul3A_536 : i32
        %add3A_538 = arith.constant 2304 : i32
        %add3A_539 = arith.addi %add3A_538, %mul3A_537 : i32
        %get3A_540 = arith.index_cast %add3A_539 : i32 to index
        %get3A_541 = tpu.vector_load %arg8[%get3A_540] {strides = array<i32>} : memref<4096xi32, #tpu.memory_space<vmem>>, vector<16xi32>,
        %add3A_542 = arith.addi %add3A_535, %get3A_541 : vector<16xi32>
        %mul3A_543 = arith.constant 16 : i32
        %mul3A_544 = arith.muli %sub3A_475, %mul3A_543 : i32
        %add3A_545 = arith.constant 2560 : i32
        %add3A_546 = arith.addi %add3A_545, %mul3A_544 : i32
        %get3A_547 = arith.index_cast %add3A_546 : i32 to index
        %get3A_548 = tpu.vector_load %arg8[%get3A_547] {strides = array<i32>} : memref<4096xi32, #tpu.memory_space<vmem>>, vector<16xi32>,
        %add3A_549 = arith.addi %add3A_542, %get3A_548 : vector<16xi32>
        %mul3A_550 = arith.constant 16 : i32
        %mul3A_551 = arith.muli %sub3A_475, %mul3A_550 : i32
        %add3A_552 = arith.constant 2816 : i32
        %add3A_553 = arith.addi %add3A_552, %mul3A_551 : i32
        %get3A_554 = arith.index_cast %add3A_553 : i32 to index
        %get3A_555 = tpu.vector_load %arg8[%get3A_554] {strides = array<i32>} : memref<4096xi32, #tpu.memory_space<vmem>>, vector<16xi32>,
        %add3A_556 = arith.addi %add3A_549, %get3A_555 : vector<16xi32>
        %mul3A_557 = arith.constant 16 : i32
        %mul3A_558 = arith.muli %sub3A_475, %mul3A_557 : i32
        %add3A_559 = arith.constant 3072 : i32
        %add3A_560 = arith.addi %add3A_559, %mul3A_558 : i32
        %get3A_561 = arith.index_cast %add3A_560 : i32 to index
        %get3A_562 = tpu.vector_load %arg8[%get3A_561] {strides = array<i32>} : memref<4096xi32, #tpu.memory_space<vmem>>, vector<16xi32>,
        %add3A_563 = arith.addi %add3A_556, %get3A_562 : vector<16xi32>
        %mul3A_564 = arith.constant 16 : i32
        %mul3A_565 = arith.muli %sub3A_475, %mul3A_564 : i32
        %add3A_566 = arith.constant 3328 : i32
        %add3A_567 = arith.addi %add3A_566, %mul3A_565 : i32
        %get3A_568 = arith.index_cast %add3A_567 : i32 to index
        %get3A_569 = tpu.vector_load %arg8[%get3A_568] {strides = array<i32>} : memref<4096xi32, #tpu.memory_space<vmem>>, vector<16xi32>,
        %add3A_570 = arith.addi %add3A_563, %get3A_569 : vector<16xi32>
        %mul3A_571 = arith.constant 16 : i32
        %mul3A_572 = arith.muli %sub3A_475, %mul3A_571 : i32
        %add3A_573 = arith.constant 3584 : i32
        %add3A_574 = arith.addi %add3A_573, %mul3A_572 : i32
        %get3A_575 = arith.index_cast %add3A_574 : i32 to index
        %get3A_576 = tpu.vector_load %arg8[%get3A_575] {strides = array<i32>} : memref<4096xi32, #tpu.memory_space<vmem>>, vector<16xi32>,
        %add3A_577 = arith.addi %add3A_570, %get3A_576 : vector<16xi32>
        %mul3A_578 = arith.constant 16 : i32
        %mul3A_579 = arith.muli %sub3A_475, %mul3A_578 : i32
        %add3A_580 = arith.constant 3840 : i32
        %add3A_581 = arith.addi %add3A_580, %mul3A_579 : i32
        %get3A_582 = arith.index_cast %add3A_581 : i32 to index
        %get3A_583 = tpu.vector_load %arg8[%get3A_582] {strides = array<i32>} : memref<4096xi32, #tpu.memory_space<vmem>>, vector<16xi32>,
        %add3A_584 = arith.addi %add3A_577, %get3A_583 : vector<16xi32>
        %rev3A = arith.constant 15 : i32
        %rev3A_585 = vector.broadcast %rev3A : i32 to vector<16xi32>
        %rev3A_586 = tpu.iota {dimensions = array<i32: 0>} : vector<16xi32>
        %rev3A_587 = arith.subi %rev3A_585, %rev3A_586 : vector<16xi32>
        %rev3A_588 = tpu.dynamic_gather %add3A_584[%rev3A_587] in [0] : vector<16xi32>, vector<16xi32> -> vector<16xi32>
        %broadcast_in_dim3A_589 = arith.constant true
        %broadcast_in_dim3A_590 = vector.broadcast %broadcast_in_dim3A_589 : i1 to vector<16xi1>
        %masked_cumsum3A = tpu.scan <sum>, %rev3A_588 masked %broadcast_in_dim3A_590 : vector<16xi32>, vector<16xi1> -> vector<16xi32>
        %rev3A_591 = arith.constant 15 : i32
        %rev3A_592 = vector.broadcast %rev3A_591 : i32 to vector<16xi32>
        %rev3A_593 = tpu.iota {dimensions = array<i32: 0>} : vector<16xi32>
        %rev3A_594 = arith.subi %rev3A_592, %rev3A_593 : vector<16xi32>
        %rev3A_595 = tpu.dynamic_gather %masked_cumsum3A[%rev3A_594] in [0] : vector<16xi32>, vector<16xi32> -> vector<16xi32>
        %add3A_596 = arith.addi %rev3A_595, %scan3A_472 : vector<16xi32>
        %mul3A_597 = arith.constant 16 : i32
        %mul3A_598 = arith.muli %sub3A_475, %mul3A_597 : i32
        %swap3A_599 = arith.index_cast %mul3A_598 : i32 to index
        %swap3A_600 = tpu.vector_load %arg9[%swap3A_599] {strides = array<i32>} : memref<272xi32, #tpu.memory_space<vmem>>, vector<16xi32>,
        tpu.vector_store %arg9[%swap3A_599], %add3A_596 {strides = array<i32>} : memref<272xi32, #tpu.memory_space<vmem>>, vector<16xi32>,
        %slice3A = vector.extract_strided_slice %add3A_596 {offsets = [0], sizes = [1], strides = [1]} : vector<16xi32> to vector<1xi32>
        %squeeze3A = vector.extract %slice3A[0] : i32 from vector<1xi32>
        %broadcast_in_dim3A_601 = vector.broadcast %squeeze3A : i32 to vector<16xi32>
        %broadcast_in_dim3A_602 = vector.broadcast %sub3A_304 : i32 to vector<16xi32>
        %ge3A = arith.cmpi sge, %add3A_596, %broadcast_in_dim3A_602 : vector<16xi32>
        %all_reduce_population_count3A = tpu.all_reduce %ge3A {dim = 0 : i64, kind = #tpu.reduction_kind<sum>} : vector<16xi1> -> vector<16xi32>
        %slice3A_603 = vector.extract_strided_slice %all_reduce_population_count3A {offsets = [0], sizes = [1], strides = [1]} : vector<16xi32> to vector<1xi32>
        %squeeze3A_604 = vector.extract %slice3A_603[0] : i32 from vector<1xi32>
        %add3A_605 = arith.addi %scan3A_473, %squeeze3A_604 : i32
        scf.yield %broadcast_in_dim3A_601, %add3A_605 : vector<16xi32>, i32
      }
      %scan3A_371 = arith.constant 16 : i32
      %sub3A_372 = arith.constant 1 : i32
      %sub3A_373 = arith.subi %scan3A_370#1, %sub3A_372 : i32
      %add3A_374 = arith.constant 1 : i32
      %add3A_375 = arith.addi %sub3A_373, %add3A_374 : i32
      %get3A_376 = arith.index_cast %add3A_375 : i32 to index
      %get3A_377 = tpu.vector_load %arg9[%get3A_376] {strides = array<i32>} : memref<272xi32, #tpu.memory_space<vmem>>, vector<16xi32>,
      %reduce_max3A_378 = arith.constant true
      %reduce_max3A_379 = vector.broadcast %reduce_max3A_378 : i1 to vector<16xi1>
      %reduce_max3A_380 = arith.constant -2147483648 : i32
      %reduce_max3A_381 = vector.broadcast %reduce_max3A_380 : i32 to vector<16xi32>
      %reduce_max3A_382 = arith.xori %get3A_377, %reduce_max3A_381 : vector<16xi32>
      %reduce_max3A_383 = tpu.scan <max>, %reduce_max3A_382 masked %reduce_max3A_379 : vector<16xi32>, vector<16xi1> -> vector<16xi32>
      %reduce_max3A_384 = arith.xori %reduce_max3A_383, %reduce_max3A_381 : vector<16xi32>
      %reduce_max3A_385 = vector.extract %reduce_max3A_384[15] : i32 from vector<16xi32>
      %sub3A_386 = arith.subi %sub3A_304, %reduce_max3A_385 : i32
      %broadcast_in_dim3A_387 = vector.broadcast %sub3A_373 : i32 to vector<16xi32>
      %while3A_388 = arith.constant 0 : i32
      %while3A_389 = arith.constant 0 : i32
      %while3A_390 = arith.subi %select_n3A_350, %while3A_388 : i32
      %while3A_391 = arith.addi %while3A_388, %while3A_390 : i32
      %while3A_392 = arith.constant 1 : i32
      %while3A_393 = arith.divsi %while3A_390, %while3A_392 : i32
      %while3A_394 = arith.muli %while3A_393, %while3A_392 : i32
      %while3A_395 = arith.addi %while3A_388, %while3A_394 : i32
      %while3A_396 = arith.constant 1 : i32
      %while3A_397:2 = scf.for %while3A_471 = %while3A_388 to %while3A_395 step %while3A_396 iter_args(%while3A_472 = %while3A_317#0, %while3A_473 = %while3A_389) -> (i32, i32)  : i32 {
        %mul3A_474 = arith.constant 16 : i32
        %mul3A_475 = arith.muli %while3A_471, %mul3A_474 : i32
        %get3A_476 = arith.index_cast %mul3A_475 : i32 to index
        %get3A_477 = tpu.vector_load %arg6[%get3A_476] {strides = array<i32>} : memref<20000xf32, #tpu.memory_space<vmem>>, vector<16xf32>,
        %bitcast_convert_type3A = tpu.bitcast %get3A_477 : vector<16xf32> -> vector<16xi32>
        %shift_right_logical3A = arith.constant 0 : i32
        %shift_right_logical3A_478 = vector.broadcast %shift_right_logical3A : i32 to vector<16xi32>
        %shift_right_logical3A_479 = arith.shrui %bitcast_convert_type3A, %shift_right_logical3A_478 : vector<16xi32>
        %and3A_480 = arith.constant 255 : i32
        %and3A_481 = vector.broadcast %and3A_480 : i32 to vector<16xi32>
        %and3A_482 = arith.andi %shift_right_logical3A_479, %and3A_481 : vector<16xi32>
        %mul3A_483 = arith.constant 16 : i32
        %mul3A_484 = arith.muli %while3A_471, %mul3A_483 : i32
        %get3A_485 = arith.index_cast %mul3A_484 : i32 to index
        %get3A_486 = tpu.vector_load %arg7[%get3A_485] {strides = array<i32>} : memref<20000xi32, #tpu.memory_space<vmem>>, vector<16xi32>,
        %mul3A_487 = arith.constant 16 : i32
        %mul3A_488 = arith.muli %while3A_471, %mul3A_487 : i32
        %add3A_489 = vector.broadcast %mul3A_488 : i32 to vector<16xi32>
        %add3A_490 = arith.addi %add3A_489, %iota3A : vector<16xi32>
        %lt3A_491 = vector.broadcast %while3A_317#1 : i32 to vector<16xi32>
        %lt3A_492 = arith.cmpi slt, %add3A_490, %lt3A_491 : vector<16xi32>
        %gt3A = arith.cmpi sgt, %and3A_482, %broadcast_in_dim3A_387 : vector<16xi32>
        %and3A_493 = arith.andi %gt3A, %lt3A_492 : vector<16xi1>
        %eq3A_494 = arith.cmpi eq, %and3A_482, %broadcast_in_dim3A_387 : vector<16xi32>
        %and3A_495 = arith.andi %eq3A_494, %lt3A_492 : vector<16xi1>
        %swap3A_496 = arith.index_cast %while3A_472 : i32 to index
        %swap3A_497 = tpu.vector_load %arg10[%swap3A_496] masked %and3A_493 {strides = array<i32>} : memref<224xf32, #tpu.memory_space<vmem>>, vector<16xf32>, vector<16xi1>
        tpu.vector_store %arg10[%swap3A_496], %get3A_477 masked %and3A_493 {strides = array<i32>} : memref<224xf32, #tpu.memory_space<vmem>>, vector<16xf32>, vector<16xi1>
        %swap3A_498 = arith.index_cast %while3A_472 : i32 to index
        %swap3A_499 = tpu.vector_load %arg11[%swap3A_498] masked %and3A_493 {strides = array<i32>} : memref<224xi32, #tpu.memory_space<vmem>>, vector<16xi32>, vector<16xi1>
        tpu.vector_store %arg11[%swap3A_498], %get3A_486 masked %and3A_493 {strides = array<i32>} : memref<224xi32, #tpu.memory_space<vmem>>, vector<16xi32>, vector<16xi1>
        %swap3A_500 = arith.index_cast %while3A_473 : i32 to index
        %swap3A_501 = tpu.vector_load %arg6[%swap3A_500] masked %and3A_495 {strides = array<i32>} : memref<20000xf32, #tpu.memory_space<vmem>>, vector<16xf32>, vector<16xi1>
        tpu.vector_store %arg6[%swap3A_500], %get3A_477 masked %and3A_495 {strides = array<i32>} : memref<20000xf32, #tpu.memory_space<vmem>>, vector<16xf32>, vector<16xi1>
        %swap3A_502 = arith.index_cast %while3A_473 : i32 to index
        %swap3A_503 = tpu.vector_load %arg7[%swap3A_502] masked %and3A_495 {strides = array<i32>} : memref<20000xi32, #tpu.memory_space<vmem>>, vector<16xi32>, vector<16xi1>
        tpu.vector_store %arg7[%swap3A_502], %get3A_486 masked %and3A_495 {strides = array<i32>} : memref<20000xi32, #tpu.memory_space<vmem>>, vector<16xi32>, vector<16xi1>
        %all_reduce_population_count3A = tpu.all_reduce %and3A_493 {dim = 0 : i64, kind = #tpu.reduction_kind<sum>} : vector<16xi1> -> vector<16xi32>
        %slice3A = vector.extract_strided_slice %all_reduce_population_count3A {offsets = [0], sizes = [1], strides = [1]} : vector<16xi32> to vector<1xi32>
        %squeeze3A = vector.extract %slice3A[0] : i32 from vector<1xi32>
        %add3A_504 = arith.addi %while3A_472, %squeeze3A : i32
        %all_reduce_population_count3A_505 = tpu.all_reduce %and3A_495 {dim = 0 : i64, kind = #tpu.reduction_kind<sum>} : vector<16xi1> -> vector<16xi32>
        %slice3A_506 = vector.extract_strided_slice %all_reduce_population_count3A_505 {offsets = [0], sizes = [1], strides = [1]} : vector<16xi32> to vector<1xi32>
        %squeeze3A_507 = vector.extract %slice3A_506[0] : i32 from vector<1xi32>
        %add3A_508 = arith.addi %while3A_473, %squeeze3A_507 : i32
        scf.yield %add3A_504, %add3A_508 : i32, i32
      }
      %while3A_398 = arith.constant 1 : i32
      %while3A_399:2 = scf.for %while3A_471 = %while3A_395 to %while3A_391 step %while3A_398 iter_args(%while3A_472 = %while3A_397#0, %while3A_473 = %while3A_397#1) -> (i32, i32)  : i32 {
        %mul3A_474 = arith.constant 16 : i32
        %mul3A_475 = arith.muli %while3A_471, %mul3A_474 : i32
        %get3A_476 = arith.index_cast %mul3A_475 : i32 to index
        %get3A_477 = tpu.vector_load %arg6[%get3A_476] {strides = array<i32>} : memref<20000xf32, #tpu.memory_space<vmem>>, vector<16xf32>,
        %bitcast_convert_type3A = tpu.bitcast %get3A_477 : vector<16xf32> -> vector<16xi32>
        %shift_right_logical3A = arith.constant 0 : i32
        %shift_right_logical3A_478 = vector.broadcast %shift_right_logical3A : i32 to vector<16xi32>
        %shift_right_logical3A_479 = arith.shrui %bitcast_convert_type3A, %shift_right_logical3A_478 : vector<16xi32>
        %and3A_480 = arith.constant 255 : i32
        %and3A_481 = vector.broadcast %and3A_480 : i32 to vector<16xi32>
        %and3A_482 = arith.andi %shift_right_logical3A_479, %and3A_481 : vector<16xi32>
        %mul3A_483 = arith.constant 16 : i32
        %mul3A_484 = arith.muli %while3A_471, %mul3A_483 : i32
        %get3A_485 = arith.index_cast %mul3A_484 : i32 to index
        %get3A_486 = tpu.vector_load %arg7[%get3A_485] {strides = array<i32>} : memref<20000xi32, #tpu.memory_space<vmem>>, vector<16xi32>,
        %mul3A_487 = arith.constant 16 : i32
        %mul3A_488 = arith.muli %while3A_471, %mul3A_487 : i32
        %add3A_489 = vector.broadcast %mul3A_488 : i32 to vector<16xi32>
        %add3A_490 = arith.addi %add3A_489, %iota3A : vector<16xi32>
        %lt3A_491 = vector.broadcast %while3A_317#1 : i32 to vector<16xi32>
        %lt3A_492 = arith.cmpi slt, %add3A_490, %lt3A_491 : vector<16xi32>
        %gt3A = arith.cmpi sgt, %and3A_482, %broadcast_in_dim3A_387 : vector<16xi32>
        %and3A_493 = arith.andi %gt3A, %lt3A_492 : vector<16xi1>
        %eq3A_494 = arith.cmpi eq, %and3A_482, %broadcast_in_dim3A_387 : vector<16xi32>
        %and3A_495 = arith.andi %eq3A_494, %lt3A_492 : vector<16xi1>
        %swap3A_496 = arith.index_cast %while3A_472 : i32 to index
        %swap3A_497 = tpu.vector_load %arg10[%swap3A_496] masked %and3A_493 {strides = array<i32>} : memref<224xf32, #tpu.memory_space<vmem>>, vector<16xf32>, vector<16xi1>
        tpu.vector_store %arg10[%swap3A_496], %get3A_477 masked %and3A_493 {strides = array<i32>} : memref<224xf32, #tpu.memory_space<vmem>>, vector<16xf32>, vector<16xi1>
        %swap3A_498 = arith.index_cast %while3A_472 : i32 to index
        %swap3A_499 = tpu.vector_load %arg11[%swap3A_498] masked %and3A_493 {strides = array<i32>} : memref<224xi32, #tpu.memory_space<vmem>>, vector<16xi32>, vector<16xi1>
        tpu.vector_store %arg11[%swap3A_498], %get3A_486 masked %and3A_493 {strides = array<i32>} : memref<224xi32, #tpu.memory_space<vmem>>, vector<16xi32>, vector<16xi1>
        %swap3A_500 = arith.index_cast %while3A_473 : i32 to index
        %swap3A_501 = tpu.vector_load %arg6[%swap3A_500] masked %and3A_495 {strides = array<i32>} : memref<20000xf32, #tpu.memory_space<vmem>>, vector<16xf32>, vector<16xi1>
        tpu.vector_store %arg6[%swap3A_500], %get3A_477 masked %and3A_495 {strides = array<i32>} : memref<20000xf32, #tpu.memory_space<vmem>>, vector<16xf32>, vector<16xi1>
        %swap3A_502 = arith.index_cast %while3A_473 : i32 to index
        %swap3A_503 = tpu.vector_load %arg7[%swap3A_502] masked %and3A_495 {strides = array<i32>} : memref<20000xi32, #tpu.memory_space<vmem>>, vector<16xi32>, vector<16xi1>
        tpu.vector_store %arg7[%swap3A_502], %get3A_486 masked %and3A_495 {strides = array<i32>} : memref<20000xi32, #tpu.memory_space<vmem>>, vector<16xi32>, vector<16xi1>
        %all_reduce_population_count3A = tpu.all_reduce %and3A_493 {dim = 0 : i64, kind = #tpu.reduction_kind<sum>} : vector<16xi1> -> vector<16xi32>
        %slice3A = vector.extract_strided_slice %all_reduce_population_count3A {offsets = [0], sizes = [1], strides = [1]} : vector<16xi32> to vector<1xi32>
        %squeeze3A = vector.extract %slice3A[0] : i32 from vector<1xi32>
        %add3A_504 = arith.addi %while3A_472, %squeeze3A : i32
        %all_reduce_population_count3A_505 = tpu.all_reduce %and3A_495 {dim = 0 : i64, kind = #tpu.reduction_kind<sum>} : vector<16xi1> -> vector<16xi32>
        %slice3A_506 = vector.extract_strided_slice %all_reduce_population_count3A_505 {offsets = [0], sizes = [1], strides = [1]} : vector<16xi32> to vector<1xi32>
        %squeeze3A_507 = vector.extract %slice3A_506[0] : i32 from vector<1xi32>
        %add3A_508 = arith.addi %while3A_473, %squeeze3A_507 : i32
        scf.yield %add3A_504, %add3A_508 : i32, i32
      }
      %add3A_400 = arith.constant 15 : i32
      %add3A_401 = arith.addi %sub3A_386, %add3A_400 : i32
      %jit3A_402 = arith.constant 16 : i32
      %div3A_403 = arith.divsi %add3A_401, %jit3A_402 : i32
      %sign3A_404 = arith.constant 0 : i32
      %sign3A_405 = arith.cmpi sgt, %add3A_401, %sign3A_404 : i32
      %sign3A_406 = arith.extui %sign3A_405 : i1 to i32
      %sign3A_407 = arith.constant 0 : i32
      %sign3A_408 = arith.cmpi slt, %add3A_401, %sign3A_407 : i32
      %sign3A_409 = arith.extui %sign3A_408 : i1 to i32
      %sign3A_410 = arith.subi %sign3A_406, %sign3A_409 : i32
      %sign3A_411 = arith.constant 0 : i32
      %sign3A_412 = arith.cmpi sgt, %jit3A_402, %sign3A_411 : i32
      %sign3A_413 = arith.extui %sign3A_412 : i1 to i32
      %sign3A_414 = arith.constant 0 : i32
      %sign3A_415 = arith.cmpi slt, %jit3A_402, %sign3A_414 : i32
      %sign3A_416 = arith.extui %sign3A_415 : i1 to i32
      %sign3A_417 = arith.subi %sign3A_413, %sign3A_416 : i32
      %ne3A_418 = arith.cmpi ne, %sign3A_410, %sign3A_417 : i32
      %rem3A_419 = arith.remsi %add3A_401, %jit3A_402 : i32
      %ne3A_420 = arith.constant 0 : i32
      %ne3A_421 = arith.cmpi ne, %rem3A_419, %ne3A_420 : i32
      %and3A_422 = arith.andi %ne3A_418, %ne3A_421 : i1
      %sub3A_423 = arith.constant 1 : i32
      %sub3A_424 = arith.subi %div3A_403, %sub3A_423 : i32
      %select_n3A_425 = arith.select %and3A_422, %sub3A_424, %div3A_403 : i32
      %while3A_426 = arith.constant 0 : i32
      %while3A_427 = arith.subi %select_n3A_425, %while3A_426 : i32
      %while3A_428 = arith.addi %while3A_426, %while3A_427 : i32
      %while3A_429 = arith.constant 1 : i32
      %while3A_430 = arith.divsi %while3A_427, %while3A_429 : i32
      %while3A_431 = arith.muli %while3A_430, %while3A_429 : i32
      %while3A_432 = arith.addi %while3A_426, %while3A_431 : i32
      %while3A_433 = arith.constant 1 : i32
      %while3A_434 = scf.for %while3A_471 = %while3A_426 to %while3A_432 step %while3A_433 iter_args(%while3A_472 = %while3A_399#0) -> (i32)  : i32 {
        %mul3A_473 = arith.constant 16 : i32
        %mul3A_474 = arith.muli %while3A_471, %mul3A_473 : i32
        %get3A_475 = arith.index_cast %mul3A_474 : i32 to index
        %get3A_476 = tpu.vector_load %arg6[%get3A_475] {strides = array<i32>} : memref<20000xf32, #tpu.memory_space<vmem>>, vector<16xf32>,
        %mul3A_477 = arith.constant 16 : i32
        %mul3A_478 = arith.muli %while3A_471, %mul3A_477 : i32
        %get3A_479 = arith.index_cast %mul3A_478 : i32 to index
        %get3A_480 = tpu.vector_load %arg7[%get3A_479] {strides = array<i32>} : memref<20000xi32, #tpu.memory_space<vmem>>, vector<16xi32>,
        %mul3A_481 = arith.constant 16 : i32
        %mul3A_482 = arith.muli %while3A_471, %mul3A_481 : i32
        %add3A_483 = vector.broadcast %mul3A_482 : i32 to vector<16xi32>
        %add3A_484 = arith.addi %add3A_483, %iota3A : vector<16xi32>
        %lt3A_485 = vector.broadcast %sub3A_386 : i32 to vector<16xi32>
        %lt3A_486 = arith.cmpi slt, %add3A_484, %lt3A_485 : vector<16xi32>
        %swap3A_487 = arith.index_cast %while3A_472 : i32 to index
        %swap3A_488 = tpu.vector_load %arg10[%swap3A_487] masked %lt3A_486 {strides = array<i32>} : memref<224xf32, #tpu.memory_space<vmem>>, vector<16xf32>, vector<16xi1>
        tpu.vector_store %arg10[%swap3A_487], %get3A_476 masked %lt3A_486 {strides = array<i32>} : memref<224xf32, #tpu.memory_space<vmem>>, vector<16xf32>, vector<16xi1>
        %swap3A_489 = arith.index_cast %while3A_472 : i32 to index
        %swap3A_490 = tpu.vector_load %arg11[%swap3A_489] masked %lt3A_486 {strides = array<i32>} : memref<224xi32, #tpu.memory_space<vmem>>, vector<16xi32>, vector<16xi1>
        tpu.vector_store %arg11[%swap3A_489], %get3A_480 masked %lt3A_486 {strides = array<i32>} : memref<224xi32, #tpu.memory_space<vmem>>, vector<16xi32>, vector<16xi1>
        %all_reduce_population_count3A = tpu.all_reduce %lt3A_486 {dim = 0 : i64, kind = #tpu.reduction_kind<sum>} : vector<16xi1> -> vector<16xi32>
        %slice3A = vector.extract_strided_slice %all_reduce_population_count3A {offsets = [0], sizes = [1], strides = [1]} : vector<16xi32> to vector<1xi32>
        %squeeze3A = vector.extract %slice3A[0] : i32 from vector<1xi32>
        %add3A_491 = arith.addi %while3A_472, %squeeze3A : i32
        scf.yield %add3A_491 : i32
      }
      %while3A_435 = arith.constant 1 : i32
      %while3A_436 = scf.for %while3A_471 = %while3A_432 to %while3A_428 step %while3A_435 iter_args(%while3A_472 = %while3A_434) -> (i32)  : i32 {
        %mul3A_473 = arith.constant 16 : i32
        %mul3A_474 = arith.muli %while3A_471, %mul3A_473 : i32
        %get3A_475 = arith.index_cast %mul3A_474 : i32 to index
        %get3A_476 = tpu.vector_load %arg6[%get3A_475] {strides = array<i32>} : memref<20000xf32, #tpu.memory_space<vmem>>, vector<16xf32>,
        %mul3A_477 = arith.constant 16 : i32
        %mul3A_478 = arith.muli %while3A_471, %mul3A_477 : i32
        %get3A_479 = arith.index_cast %mul3A_478 : i32 to index
        %get3A_480 = tpu.vector_load %arg7[%get3A_479] {strides = array<i32>} : memref<20000xi32, #tpu.memory_space<vmem>>, vector<16xi32>,
        %mul3A_481 = arith.constant 16 : i32
        %mul3A_482 = arith.muli %while3A_471, %mul3A_481 : i32
        %add3A_483 = vector.broadcast %mul3A_482 : i32 to vector<16xi32>
        %add3A_484 = arith.addi %add3A_483, %iota3A : vector<16xi32>
        %lt3A_485 = vector.broadcast %sub3A_386 : i32 to vector<16xi32>
        %lt3A_486 = arith.cmpi slt, %add3A_484, %lt3A_485 : vector<16xi32>
        %swap3A_487 = arith.index_cast %while3A_472 : i32 to index
        %swap3A_488 = tpu.vector_load %arg10[%swap3A_487] masked %lt3A_486 {strides = array<i32>} : memref<224xf32, #tpu.memory_space<vmem>>, vector<16xf32>, vector<16xi1>
        tpu.vector_store %arg10[%swap3A_487], %get3A_476 masked %lt3A_486 {strides = array<i32>} : memref<224xf32, #tpu.memory_space<vmem>>, vector<16xf32>, vector<16xi1>
        %swap3A_489 = arith.index_cast %while3A_472 : i32 to index
        %swap3A_490 = tpu.vector_load %arg11[%swap3A_489] masked %lt3A_486 {strides = array<i32>} : memref<224xi32, #tpu.memory_space<vmem>>, vector<16xi32>, vector<16xi1>
        tpu.vector_store %arg11[%swap3A_489], %get3A_480 masked %lt3A_486 {strides = array<i32>} : memref<224xi32, #tpu.memory_space<vmem>>, vector<16xi32>, vector<16xi1>
        %all_reduce_population_count3A = tpu.all_reduce %lt3A_486 {dim = 0 : i64, kind = #tpu.reduction_kind<sum>} : vector<16xi1> -> vector<16xi32>
        %slice3A = vector.extract_strided_slice %all_reduce_population_count3A {offsets = [0], sizes = [1], strides = [1]} : vector<16xi32> to vector<1xi32>
        %squeeze3A = vector.extract %slice3A[0] : i32 from vector<1xi32>
        %add3A_491 = arith.addi %while3A_472, %squeeze3A : i32
        scf.yield %add3A_491 : i32
      }
      %scan3A_437 = arith.constant 0 : i32
      %scan3A_438 = arith.constant 0 : i32
      %scan3A_439 = arith.constant 7 : i32
      %scan3A_440 = arith.addi %scan3A_438, %scan3A_439 : i32
      %scan3A_441 = arith.constant 1 : i32
      %scan3A_442 = scf.for %scan3A_471 = %scan3A_438 to %scan3A_440 step %scan3A_441 iter_args(%scan3A_472 = %scan3A_437) -> (i32)  : i32 {
        %mul3A_473 = arith.constant 16 : i32
        %mul3A_474 = arith.muli %scan3A_471, %mul3A_473 : i32
        %get3A_475 = arith.index_cast %mul3A_474 : i32 to index
        %get3A_476 = tpu.vector_load %arg11[%get3A_475] {strides = array<i32>} : memref<224xi32, #tpu.memory_space<vmem>>, vector<16xi32>,
        %mul3A_477 = arith.constant 16 : i32
        %mul3A_478 = arith.muli %scan3A_471, %mul3A_477 : i32
        %swap3A_479 = arith.index_cast %mul3A_478 : i32 to index
        %swap3A_480 = tpu.vector_load %arg12[%swap3A_479] {strides = array<i32>} : memref<112xi32, #tpu.memory_space<vmem>>, vector<16xi32>,
        tpu.vector_store %arg12[%swap3A_479], %get3A_476 {strides = array<i32>} : memref<112xi32, #tpu.memory_space<vmem>>, vector<16xi32>,
        %mul3A_481 = arith.constant 16 : i32
        %mul3A_482 = arith.muli %scan3A_471, %mul3A_481 : i32
        %add3A_483 = arith.constant 112 : i32
        %add3A_484 = arith.addi %add3A_483, %mul3A_482 : i32
        %get3A_485 = arith.index_cast %add3A_484 : i32 to index
        %get3A_486 = tpu.vector_load %arg11[%get3A_485] {strides = array<i32>} : memref<224xi32, #tpu.memory_space<vmem>>, vector<16xi32>,
        %mul3A_487 = arith.constant 16 : i32
        %mul3A_488 = arith.muli %scan3A_471, %mul3A_487 : i32
        %swap3A_489 = arith.index_cast %mul3A_488 : i32 to index
        %swap3A_490 = tpu.vector_load %arg13[%swap3A_489] {strides = array<i32>} : memref<112xi32, #tpu.memory_space<vmem>>, vector<16xi32>,
        tpu.vector_store %arg13[%swap3A_489], %get3A_486 {strides = array<i32>} : memref<112xi32, #tpu.memory_space<vmem>>, vector<16xi32>,
        %scan3A_491 = arith.constant 0 : i32
        scf.yield %scan3A_491 : i32
      }
      %scan3A_443 = arith.constant 7 : i32
      %dma_start3A = arith.constant 0 : i32
      %dma_start3A_444 = arith.constant 0 : i32
      %dma_start3A_445 = tpu.memref_slice %arg3[%select_n3A, %dma_start3A, %dma_start3A_444] : memref<8x20000x16xf32, #tpu.memory_space<hbm>> -> memref<1x20000x16xf32, #tpu.memory_space<hbm>>
      %dma_start3A_446 = tpu.memref_squeeze %dma_start3A_445 : memref<1x20000x16xf32, #tpu.memory_space<hbm>> -> memref<20000x16xf32, #tpu.memory_space<hbm>>
      %dma_start3A_447 = arith.constant 0 : i32
      %dma_start3A_448 = arith.constant 0 : i32
      %dma_start3A_449 = tpu.memref_slice %dma_start3A_446[%dma_start3A_447, %dma_start3A_448] : memref<20000x16xf32, #tpu.memory_space<hbm>> -> memref<20000x16xf32, #tpu.memory_space<hbm>>
      tpu.enqueue_indirect_dma source(%dma_start3A_449 : memref<20000x16xf32, #tpu.memory_space<hbm>>) target(%arg14 : memref<112x16xf32, #tpu.memory_space<vmem>>) offsets(%arg12 : memref<112xi32, #tpu.memory_space<vmem>>) semaphore(%arg16 : memref<!tpu.dma_semaphore, #tpu.memory_space<semaphore_mem>>)
      %dma_start3A_450 = arith.constant 0 : i32
      %dma_start3A_451 = arith.constant 0 : i32
      %dma_start3A_452 = tpu.memref_slice %arg3[%select_n3A, %dma_start3A_450, %dma_start3A_451] : memref<8x20000x16xf32, #tpu.memory_space<hbm>> -> memref<1x20000x16xf32, #tpu.memory_space<hbm>>
      %dma_start3A_453 = tpu.memref_squeeze %dma_start3A_452 : memref<1x20000x16xf32, #tpu.memory_space<hbm>> -> memref<20000x16xf32, #tpu.memory_space<hbm>>
      %dma_start3A_454 = arith.constant 0 : i32
      %dma_start3A_455 = arith.constant 0 : i32
      %dma_start3A_456 = tpu.memref_slice %dma_start3A_453[%dma_start3A_454, %dma_start3A_455] : memref<20000x16xf32, #tpu.memory_space<hbm>> -> memref<20000x16xf32, #tpu.memory_space<hbm>>
      tpu.enqueue_indirect_dma source(%dma_start3A_456 : memref<20000x16xf32, #tpu.memory_space<hbm>>) target(%arg15 : memref<112x16xf32, #tpu.memory_space<vmem>>) offsets(%arg13 : memref<112xi32, #tpu.memory_space<vmem>>) semaphore(%arg16 : memref<!tpu.dma_semaphore, #tpu.memory_space<semaphore_mem>>)
      %dma_wait3A = arith.constant 0 : i32
      %dma_wait3A_457 = arith.constant 0 : i32
      %dma_wait3A_458 = tpu.memref_slice %arg3[%select_n3A, %dma_wait3A, %dma_wait3A_457] : memref<8x20000x16xf32, #tpu.memory_space<hbm>> -> memref<1x20000x16xf32, #tpu.memory_space<hbm>>
      %dma_wait3A_459 = tpu.memref_squeeze %dma_wait3A_458 : memref<1x20000x16xf32, #tpu.memory_space<hbm>> -> memref<20000x16xf32, #tpu.memory_space<hbm>>
      %dma_wait3A_460 = arith.constant 0 : i32
      %dma_wait3A_461 = arith.constant 0 : i32
      %dma_wait3A_462 = tpu.memref_slice %dma_wait3A_459[%dma_wait3A_460, %dma_wait3A_461] : memref<20000x16xf32, #tpu.memory_space<hbm>> -> memref<20000x16xf32, #tpu.memory_space<hbm>>
      tpu.wait_indirect_dma semaphore(%arg16 : memref<!tpu.dma_semaphore, #tpu.memory_space<semaphore_mem>>) src(%dma_wait3A_462 : memref<20000x16xf32, #tpu.memory_space<hbm>>) dst(%arg14 : memref<112x16xf32, #tpu.memory_space<vmem>>)
      %dma_wait3A_463 = arith.constant 0 : i32
      %dma_wait3A_464 = arith.constant 0 : i32
      %dma_wait3A_465 = tpu.memref_slice %arg3[%select_n3A, %dma_wait3A_463, %dma_wait3A_464] : memref<8x20000x16xf32, #tpu.memory_space<hbm>> -> memref<1x20000x16xf32, #tpu.memory_space<hbm>>
      %dma_wait3A_466 = tpu.memref_squeeze %dma_wait3A_465 : memref<1x20000x16xf32, #tpu.memory_space<hbm>> -> memref<20000x16xf32, #tpu.memory_space<hbm>>
      %dma_wait3A_467 = arith.constant 0 : i32
      %dma_wait3A_468 = arith.constant 0 : i32
      %dma_wait3A_469 = tpu.memref_slice %dma_wait3A_466[%dma_wait3A_467, %dma_wait3A_468] : memref<20000x16xf32, #tpu.memory_space<hbm>> -> memref<20000x16xf32, #tpu.memory_space<hbm>>
      tpu.wait_indirect_dma semaphore(%arg16 : memref<!tpu.dma_semaphore, #tpu.memory_space<semaphore_mem>>) src(%dma_wait3A_469 : memref<20000x16xf32, #tpu.memory_space<hbm>>) dst(%arg15 : memref<112x16xf32, #tpu.memory_space<vmem>>)
      "tpu.region"() ({
        %run_scoped3A = tpu.sem_alloc : memref<!tpu.dma_semaphore, #tpu.memory_space<semaphore_mem>>
        %dma_start3A_471 = arith.constant 0 : i32
        %dma_start3A_472 = tpu.memref_slice %arg10[%dma_start3A_471] : memref<224xf32, #tpu.memory_space<vmem>> -> memref<200xf32, #tpu.memory_space<vmem>>
        %dma_start3A_473 = arith.constant 0 : i32
        %dma_start3A_474 = tpu.memref_slice %arg4[%add3A_47, %dma_start3A_473] : memref<640x200xf32, #tpu.memory_space<hbm>> -> memref<1x200xf32, #tpu.memory_space<hbm>>
        %dma_start3A_475 = tpu.memref_squeeze %dma_start3A_474 : memref<1x200xf32, #tpu.memory_space<hbm>> -> memref<200xf32, #tpu.memory_space<hbm>>
        %dma_start3A_476 = arith.constant 0 : i32
        %dma_start3A_477 = tpu.memref_slice %arg4[%add3A_47, %dma_start3A_476] : memref<640x200xf32, #tpu.memory_space<hbm>> -> memref<1x200xf32, #tpu.memory_space<hbm>>
        %dma_start3A_478 = tpu.memref_squeeze %dma_start3A_477 : memref<1x200xf32, #tpu.memory_space<hbm>> -> memref<200xf32, #tpu.memory_space<hbm>>
        %dma_start3A_479 = arith.constant 0 : i32
        %dma_start3A_480 = tpu.memref_slice %arg10[%dma_start3A_479] : memref<224xf32, #tpu.memory_space<vmem>> -> memref<200xf32, #tpu.memory_space<vmem>>
        tpu.enqueue_dma source(%dma_start3A_480 : memref<200xf32, #tpu.memory_space<vmem>>) target(%dma_start3A_478 : memref<200xf32, #tpu.memory_space<hbm>>) target_semaphore(%run_scoped3A : memref<!tpu.dma_semaphore, #tpu.memory_space<semaphore_mem>>)
        %dma_wait3A_481 = arith.constant 0 : i32
        %dma_wait3A_482 = tpu.memref_slice %arg10[%dma_wait3A_481] : memref<224xf32, #tpu.memory_space<vmem>> -> memref<200xf32, #tpu.memory_space<vmem>>
        %dma_wait3A_483 = arith.constant 0 : i32
        %dma_wait3A_484 = tpu.memref_slice %arg4[%add3A_47, %dma_wait3A_483] : memref<640x200xf32, #tpu.memory_space<hbm>> -> memref<1x200xf32, #tpu.memory_space<hbm>>
        %dma_wait3A_485 = tpu.memref_squeeze %dma_wait3A_484 : memref<1x200xf32, #tpu.memory_space<hbm>> -> memref<200xf32, #tpu.memory_space<hbm>>
        %dma_wait3A_486 = arith.constant 0 : i32
        %dma_wait3A_487 = tpu.memref_slice %arg4[%add3A_47, %dma_wait3A_486] : memref<640x200xf32, #tpu.memory_space<hbm>> -> memref<1x200xf32, #tpu.memory_space<hbm>>
        %dma_wait3A_488 = tpu.memref_squeeze %dma_wait3A_487 : memref<1x200xf32, #tpu.memory_space<hbm>> -> memref<200xf32, #tpu.memory_space<hbm>>
        %dma_wait3A_489 = arith.constant 0 : i32
        %dma_wait3A_490 = tpu.memref_slice %arg10[%dma_wait3A_489] : memref<224xf32, #tpu.memory_space<vmem>> -> memref<200xf32, #tpu.memory_space<vmem>>
        tpu.wait_dma2 semaphore(%run_scoped3A : memref<!tpu.dma_semaphore, #tpu.memory_space<semaphore_mem>>) src(%dma_wait3A_490 : memref<200xf32, #tpu.memory_space<vmem>>) dst(%dma_wait3A_488 : memref<200xf32, #tpu.memory_space<hbm>>)
        tpu.yield
      }) : () -> ()
      "tpu.region"() ({
        %run_scoped3A = tpu.sem_alloc : memref<!tpu.dma_semaphore, #tpu.memory_space<semaphore_mem>>
        %dma_start3A_471 = arith.constant 0 : i32
        %dma_start3A_472 = arith.constant 0 : i32
        %dma_start3A_473 = tpu.memref_slice %arg14[%dma_start3A_471, %dma_start3A_472] : memref<112x16xf32, #tpu.memory_space<vmem>> -> memref<112x4xf32, #tpu.memory_space<vmem>>
        %dma_start3A_474 = arith.constant 0 : i32
        %dma_start3A_475 = arith.constant 0 : i32
        %dma_start3A_476 = tpu.memref_slice %arg5[%add3A_47, %dma_start3A_474, %dma_start3A_475] : memref<640x200x4xf32, #tpu.memory_space<hbm>> -> memref<1x112x4xf32, #tpu.memory_space<hbm>>
        %dma_start3A_477 = tpu.memref_squeeze %dma_start3A_476 : memref<1x112x4xf32, #tpu.memory_space<hbm>> -> memref<112x4xf32, #tpu.memory_space<hbm>>
        %dma_start3A_478 = arith.constant 0 : i32
        %dma_start3A_479 = arith.constant 0 : i32
        %dma_start3A_480 = tpu.memref_slice %arg5[%add3A_47, %dma_start3A_478, %dma_start3A_479] : memref<640x200x4xf32, #tpu.memory_space<hbm>> -> memref<1x112x4xf32, #tpu.memory_space<hbm>>
        %dma_start3A_481 = tpu.memref_squeeze %dma_start3A_480 : memref<1x112x4xf32, #tpu.memory_space<hbm>> -> memref<112x4xf32, #tpu.memory_space<hbm>>
        %dma_start3A_482 = arith.constant 0 : i32
        %dma_start3A_483 = arith.constant 0 : i32
        %dma_start3A_484 = tpu.memref_slice %arg14[%dma_start3A_482, %dma_start3A_483] : memref<112x16xf32, #tpu.memory_space<vmem>> -> memref<112x4xf32, #tpu.memory_space<vmem>>
        tpu.enqueue_dma source(%dma_start3A_484 : memref<112x4xf32, #tpu.memory_space<vmem>>) target(%dma_start3A_481 : memref<112x4xf32, #tpu.memory_space<hbm>>) target_semaphore(%run_scoped3A : memref<!tpu.dma_semaphore, #tpu.memory_space<semaphore_mem>>)
        %dma_wait3A_485 = arith.constant 0 : i32
        %dma_wait3A_486 = arith.constant 0 : i32
        %dma_wait3A_487 = tpu.memref_slice %arg14[%dma_wait3A_485, %dma_wait3A_486] : memref<112x16xf32, #tpu.memory_space<vmem>> -> memref<112x4xf32, #tpu.memory_space<vmem>>
        %dma_wait3A_488 = arith.constant 0 : i32
        %dma_wait3A_489 = arith.constant 0 : i32
        %dma_wait3A_490 = tpu.memref_slice %arg5[%add3A_47, %dma_wait3A_488, %dma_wait3A_489] : memref<640x200x4xf32, #tpu.memory_space<hbm>> -> memref<1x112x4xf32, #tpu.memory_space<hbm>>
        %dma_wait3A_491 = tpu.memref_squeeze %dma_wait3A_490 : memref<1x112x4xf32, #tpu.memory_space<hbm>> -> memref<112x4xf32, #tpu.memory_space<hbm>>
        %dma_wait3A_492 = arith.constant 0 : i32
        %dma_wait3A_493 = arith.constant 0 : i32
        %dma_wait3A_494 = tpu.memref_slice %arg5[%add3A_47, %dma_wait3A_492, %dma_wait3A_493] : memref<640x200x4xf32, #tpu.memory_space<hbm>> -> memref<1x112x4xf32, #tpu.memory_space<hbm>>
        %dma_wait3A_495 = tpu.memref_squeeze %dma_wait3A_494 : memref<1x112x4xf32, #tpu.memory_space<hbm>> -> memref<112x4xf32, #tpu.memory_space<hbm>>
        %dma_wait3A_496 = arith.constant 0 : i32
        %dma_wait3A_497 = arith.constant 0 : i32
        %dma_wait3A_498 = tpu.memref_slice %arg14[%dma_wait3A_496, %dma_wait3A_497] : memref<112x16xf32, #tpu.memory_space<vmem>> -> memref<112x4xf32, #tpu.memory_space<vmem>>
        tpu.wait_dma2 semaphore(%run_scoped3A : memref<!tpu.dma_semaphore, #tpu.memory_space<semaphore_mem>>) src(%dma_wait3A_498 : memref<112x4xf32, #tpu.memory_space<vmem>>) dst(%dma_wait3A_495 : memref<112x4xf32, #tpu.memory_space<hbm>>)
        tpu.yield
      }) : () -> ()
      "tpu.region"() ({
        %run_scoped3A = tpu.sem_alloc : memref<!tpu.dma_semaphore, #tpu.memory_space<semaphore_mem>>
        %dma_start3A_471 = arith.constant 0 : i32
        %dma_start3A_472 = arith.constant 0 : i32
        %dma_start3A_473 = tpu.memref_slice %arg15[%dma_start3A_471, %dma_start3A_472] : memref<112x16xf32, #tpu.memory_space<vmem>> -> memref<88x4xf32, #tpu.memory_space<vmem>>
        %dma_start3A_474 = arith.constant 112 : i32
        %dma_start3A_475 = arith.constant 0 : i32
        %dma_start3A_476 = tpu.memref_slice %arg5[%add3A_47, %dma_start3A_474, %dma_start3A_475] : memref<640x200x4xf32, #tpu.memory_space<hbm>> -> memref<1x88x4xf32, #tpu.memory_space<hbm>>
        %dma_start3A_477 = tpu.memref_squeeze %dma_start3A_476 : memref<1x88x4xf32, #tpu.memory_space<hbm>> -> memref<88x4xf32, #tpu.memory_space<hbm>>
        %dma_start3A_478 = arith.constant 112 : i32
        %dma_start3A_479 = arith.constant 0 : i32
        %dma_start3A_480 = tpu.memref_slice %arg5[%add3A_47, %dma_start3A_478, %dma_start3A_479] : memref<640x200x4xf32, #tpu.memory_space<hbm>> -> memref<1x88x4xf32, #tpu.memory_space<hbm>>
        %dma_start3A_481 = tpu.memref_squeeze %dma_start3A_480 : memref<1x88x4xf32, #tpu.memory_space<hbm>> -> memref<88x4xf32, #tpu.memory_space<hbm>>
        %dma_start3A_482 = arith.constant 0 : i32
        %dma_start3A_483 = arith.constant 0 : i32
        %dma_start3A_484 = tpu.memref_slice %arg15[%dma_start3A_482, %dma_start3A_483] : memref<112x16xf32, #tpu.memory_space<vmem>> -> memref<88x4xf32, #tpu.memory_space<vmem>>
        tpu.enqueue_dma source(%dma_start3A_484 : memref<88x4xf32, #tpu.memory_space<vmem>>) target(%dma_start3A_481 : memref<88x4xf32, #tpu.memory_space<hbm>>) target_semaphore(%run_scoped3A : memref<!tpu.dma_semaphore, #tpu.memory_space<semaphore_mem>>)
        %dma_wait3A_485 = arith.constant 0 : i32
        %dma_wait3A_486 = arith.constant 0 : i32
        %dma_wait3A_487 = tpu.memref_slice %arg15[%dma_wait3A_485, %dma_wait3A_486] : memref<112x16xf32, #tpu.memory_space<vmem>> -> memref<88x4xf32, #tpu.memory_space<vmem>>
        %dma_wait3A_488 = arith.constant 112 : i32
        %dma_wait3A_489 = arith.constant 0 : i32
        %dma_wait3A_490 = tpu.memref_slice %arg5[%add3A_47, %dma_wait3A_488, %dma_wait3A_489] : memref<640x200x4xf32, #tpu.memory_space<hbm>> -> memref<1x88x4xf32, #tpu.memory_space<hbm>>
        %dma_wait3A_491 = tpu.memref_squeeze %dma_wait3A_490 : memref<1x88x4xf32, #tpu.memory_space<hbm>> -> memref<88x4xf32, #tpu.memory_space<hbm>>
        %dma_wait3A_492 = arith.constant 112 : i32
        %dma_wait3A_493 = arith.constant 0 : i32
        %dma_wait3A_494 = tpu.memref_slice %arg5[%add3A_47, %dma_wait3A_492, %dma_wait3A_493] : memref<640x200x4xf32, #tpu.memory_space<hbm>> -> memref<1x88x4xf32, #tpu.memory_space<hbm>>
        %dma_wait3A_495 = tpu.memref_squeeze %dma_wait3A_494 : memref<1x88x4xf32, #tpu.memory_space<hbm>> -> memref<88x4xf32, #tpu.memory_space<hbm>>
        %dma_wait3A_496 = arith.constant 0 : i32
        %dma_wait3A_497 = arith.constant 0 : i32
        %dma_wait3A_498 = tpu.memref_slice %arg15[%dma_wait3A_496, %dma_wait3A_497] : memref<112x16xf32, #tpu.memory_space<vmem>> -> memref<88x4xf32, #tpu.memory_space<vmem>>
        tpu.wait_dma2 semaphore(%run_scoped3A : memref<!tpu.dma_semaphore, #tpu.memory_space<semaphore_mem>>) src(%dma_wait3A_498 : memref<88x4xf32, #tpu.memory_space<vmem>>) dst(%dma_wait3A_495 : memref<88x4xf32, #tpu.memory_space<hbm>>)
        tpu.yield
      }) : () -> ()
      %scan3A_470 = arith.constant 0 : i32
      scf.yield %scan3A_470 : i32
    }
    %scan3A_42 = arith.constant 20 : i32
    return
  }
}

</mosaic_0001>

<sc_bundles>
// kernel: _k2_select.3.cloned.1.call-start
scs
__scs_entry_jumppad:
0x0: {  	(pc) =	sbr.rel $0x88, $3  }
0x1: {  	(tag) =	ssettag $0x0;
	lr =	simm.s32 $0x1  }
0x2: {  	[smem:$0x3F9F] =	sst lr;
	_ =	strace $0xD0000000  }
0x3: {  	_ = 	snop  }
0x4: {  	_ = 	snop  }
0x5: {  	_ = 	snop  }
0x6: {  	_ = 	snop  }
0x7: {  	_ = 	snop  }
__scs_overlays_trampoline_lowered:
0x8: {  	[smem:$0x3FAE] =	sst s0  }
0x9: {  	[smem:$0x3FAF] =	sst s1  }
0xa: {  	[smem:$0x3FB0] =	sst s2  }
0xb: {  	[smem:$0x3FB1] =	sst s3  }
0xc: {  	[smem:$0x3FB2] =	sst s4  }
0xd: {  	[smem:$0x3FB3] =	sst s5  }
0xe: {  	[smem:$0x3FB4] =	sst s6  }
0xf: {  	[smem:$0x3FB5] =	sst s7  }
0x10: {  	[smem:$0x3FB6] =	sst s8  }
0x11: {  	[smem:$0x3FB7] =	sst s9;
	s0 =	simm.s32 @!p0 $0x0  }
0x12: {  	s1 =	sld [smem:$0x3F9D];
	s0 =	simm.s32 @p0 $0x1  }
0x13: {  	[smem:$0x3FB8] =	sst s0;
	s0 =	simm.s32 @!p1 $0x0  }
0x14: {  	s2 =	sld [smem:$0x3F9C];
	s0 =	simm.s32 @p1 $0x1  }
0x15: {  	[smem:$0x3FB9] =	sst s0;
	s0 =	simm.s32 @!p2 $0x0  }
0x16: {  	s3 =	sld [smem:$0x3FDB];
	s0 =	simm.s32 @p2 $0x1  }
0x17: {  	s4 =	simm.s32 $0x1BF5;
	[smem:$0x3FBB] =	sst s0  }
0x18: {  	s0 =	sld [smem:$0x3F9E];
	_ =	swait.ge [sflag:s4], $0x0  }
0x19: {  	s7 =	sld [smem:$0x3F9F]  }
0x1a: {  	s8 =	sadd.s32 $0xFFFFE003, lr  }
0x1b: {  	s9 =	sadd.s32 $0xFFFFFEF7, lr;
	s5 =	simm.s32 $0xFFFFFFFF;
	p2 =	slt.u32 s8, $0xFFFFF086  }
0x1c: {  	p1 =	slt.u32 s9, $0xF7A;
	s5 =	simm.s32 @!p2 $0x0  }
0x1d: {  	s5 =	simm.s32 @p1 $0x1;
	p0 =	seq.s32 s7, s2  }
0x1e: {  	s7 =	smul.u32 @!p0 $0xF7A, s2;
	p2 =	seq.s32 @!p0 s5, $0x0  }
0x1f: {  	s9 =	smul.u32 $0xF7A, s1;
	s8 =	simm.s32 @!p0 $0x1BF5;
	p2 =	por !p2, p0  }
0x20: {  	[sflag:s8] =	ssyncset.s32 @!p0 $0xFFFFF086;
	s6 =	sadd.s32 @!p0 s3, s7;
	s7 =	simm.s32 @!p0 $0x108  }
0x21: {  	s3 =	sadd.s32 s3, s9;
	s6 =	sadd.s32 @!p0 $0x88, s6;
	s7 =	simm.s32 @p2 $0x1082  }
0x22: {  	[simem:s7], [sflag:s8] =	dma.local @!p0 [hbm:s6], $0xF7A  }
0x23: {  	s9 =	sor.u32 $0xD0000000, s2;
	s6 =	simm.s32 $0x108;
	_ =	swait.ge @!p0 [sflag:s8], $0x0  }
0x24: {  	s3 =	sadd.s32 $0x88, s3;
	s6 =	simm.s32 @!p1 $0x1082;
	[sflag:s4] =	ssyncset.s32 $0xFFFFF086  }
0x25: {  	[simem:s6], [sflag:s4] =	dma.local [hbm:s3], $0xF7A  }
0x26: {  	[smem:$0x3F9F] =	sst s1;
	(tag) =	ssettag s2;
	_ =	strace s9  }
0x27: {  	s1 =	sld [smem:$0x3FAF]  }
0x28: {  	s2 =	sld [smem:$0x3FB0]  }
0x29: {  	s4 =	sld [smem:$0x3FB2]  }
0x2a: {  	p0 =	seq.s32 s5, $0x0;
	s5 =	sld [smem:$0x3FB3]  }
0x2b: {  	s6 =	sld [smem:$0x3FB4]  }
0x2c: {  	s7 =	sld [smem:$0x3FB5]  }
0x2d: {  	s3 =	simm.s32 $0x108;
	s8 =	sld [smem:$0x3FB6]  }
0x2e: {  	s3 =	simm.s32 @!p0 $0x1082;
	s9 =	sld [smem:$0x3FB7]  }
0x2f: {  	lr =	sadd.s32 s0, s3;
	s0 =	sld [smem:$0x3FAE]  }
0x30: {  	s3 =	sld [smem:$0x3FB1]  }
0x31: {  	[smem:$0x3FBA] =	sst s10  }
0x32: {  	s10 =	sld [smem:$0x3FB8];
	_ =	sdelay $0x3  }
0x33: {  	p0 =	seq.s32 s10, $0x1;
	s10 =	sld [smem:$0x3FBA];
	_ =	sdelay $0x3  }
0x34: {  	[smem:$0x3FBA] =	sst s10  }
0x35: {  	s10 =	sld [smem:$0x3FB9];
	_ =	sdelay $0x3  }
0x36: {  	p1 =	seq.s32 s10, $0x1;
	s10 =	sld [smem:$0x3FBA];
	_ =	sdelay $0x3  }
0x37: {  	[smem:$0x3FBA] =	sst s10  }
0x38: {  	s10 =	sld [smem:$0x3FBB]  }
0x39: {  	_ = 	snop;
	(pc) =	sbr.ind lr, $3  }
0x3a: {  	_ = 	snop  }
0x3b: {  	_ = 	snop  }
0x3c: {  	p2 =	seq.s32 s10, $0x1;
	s10 =	sld [smem:$0x3FBA]  }
0x3d: {  	_ =	shalt  }
0x3e: {  	_ =	shalt  }
0x3f: {  	_ =	shalt  }
0x40: {  	_ =	shalt  }
0x41: {  	_ =	shalt  }
0x42: {  	_ =	shalt  }
0x43: {  	_ =	shalt  }
0x44: {  	_ =	shalt  }
0x45: {  	_ =	shalt  }
0x46: {  	_ =	shalt  }
0x47: {  	_ =	shalt  }
0x48: {  	_ =	shalt  }
0x49: {  	_ =	shalt  }
0x4a: {  	_ =	shalt  }
0x4b: {  	_ =	shalt  }
0x4c: {  	_ =	shalt  }
0x4d: {  	_ =	shalt  }
0x4e: {  	_ =	shalt  }
0x4f: {  	_ =	shalt  }
0x50: {  	_ =	shalt  }
0x51: {  	_ =	shalt  }
0x52: {  	_ =	shalt  }
0x53: {  	_ =	shalt  }
0x54: {  	_ =	shalt  }
0x55: {  	_ =	shalt  }
0x56: {  	_ =	shalt  }
0x57: {  	_ =	shalt  }
0x58: {  	_ =	shalt  }
0x59: {  	_ =	shalt  }
0x5a: {  	_ =	shalt  }
0x5b: {  	_ =	shalt  }
0x5c: {  	_ =	shalt  }
0x5d: {  	_ =	shalt  }
0x5e: {  	_ =	shalt  }
0x5f: {  	_ =	shalt  }
0x60: {  	_ =	shalt  }
0x61: {  	_ =	shalt  }
0x62: {  	_ =	shalt  }
0x63: {  	_ =	shalt  }
0x64: {  	_ =	shalt  }
0x65: {  	_ =	shalt  }
0x66: {  	_ =	shalt  }
0x67: {  	_ =	shalt  }
0x68: {  	_ =	shalt  }
0x69: {  	_ =	shalt  }
0x6a: {  	_ =	shalt  }
0x6b: {  	_ =	shalt  }
0x6c: {  	_ =	shalt  }
0x6d: {  	_ =	shalt  }
0x6e: {  	_ =	shalt  }
0x6f: {  	_ =	shalt  }
0x70: {  	_ =	shalt  }
0x71: {  	_ =	shalt  }
0x72: {  	_ =	shalt  }
0x73: {  	_ =	shalt  }
0x74: {  	_ =	shalt  }
0x75: {  	_ =	shalt  }
0x76: {  	_ =	shalt  }
0x77: {  	_ =	shalt  }
0x78: {  	_ =	shalt  }
0x79: {  	_ =	shalt  }
0x7a: {  	_ =	shalt  }
0x7b: {  	_ =	shalt  }
0x7c: {  	_ =	shalt  }
0x7d: {  	_ =	shalt  }
0x7e: {  	_ =	shalt  }
0x7f: {  	_ =	shalt  }
0x80: {  	_ =	shalt  }
0x81: {  	_ =	shalt  }
0x82: {  	_ =	shalt  }
0x83: {  	_ =	shalt  }
0x84: {  	_ =	shalt  }
0x85: {  	_ =	shalt  }
0x86: {  	_ =	shalt  }
0x87: {  	_ =	shalt  }
.Lfunc_end0:
.L_simem_size_0:
called_computation_lowered:
.L_overlay_start_0:
0x88: {  	s2 =	sld [smem:$0x3FD9]  }
0x89: {  	s3 =	sld [smem:$0x3FFE];
	_ =	sdelay $0x1  }
0x8a: {  	s1 =	srdreg.scid  }
0x8b: {  	s0 =	sand.u32 $0x1, s1  }
0x8c: {  	s14 =	sshll.u32 s0, $0xA;
	s2 =	sadd.s32 s3, s2  }
0x8d: {  	s2 =	sadd.s32 s2, s14  }
0x8e: {  	[smem:$0x3FC6] =	sst s2  }
0x8f: {  	_ = 	snop  }
0x90: {  	s2 =	sld [smem:$0x3FD0];
	_ =	sdelay $0x2  }
0x91: {  	s15 =	simm.s32 $0xA;
	s4 =	simm.s32 $0x10  }
0x92: {  	[smem:s4], [sflag:s15] =	dma.local [hbm:s2], $0x1  }
0x93: {  	_ =	swait.eq [sflag:s15], $0x1  }
0x94: {  	[sflag:s15] =	ssyncset.done $0x0  }
0x95: {  	[sflag:s15] =	ssyncadd.s32 $0xFFFFFFFF  }
0x96: {  	s16 =	sld [smem:$0x10];
	(tm) =	ssettm $0x1  }
0x97: {  	s17 =	sld [smem:$0x3FFB];
	_ =	sdelay $0x3  }
0x98: {  	_ =	strace s17  }
0x99: {  	s3 =	sld [smem:$0x3FFC];
	_ =	sdelay $0x3  }
0x9a: {  	_ =	strace s3  }
0x9b: {  	s3 =	sld [smem:$0x3FFD];
	_ =	sdelay $0x3  }
0x9c: {  	_ =	strace s3  }
0x9d: {  	_ =	strace $0x8FFFFFFF  }
0x9e: {  	s18 =	sld [smem:$0x3FDB];
	_ =	sdelay $0x1  }
0x9f: {  	s19 =	simm.s32 $_scs_section_size  }
0xa0: {  	s5 =	simm.s32 $_size__tile_overlayer_lowered;
	s6 =	simm.s32 $_tile_overlayer_lowered  }
0xa1: {  	s22 =	simm.s32 $0x1BFF;
	s21 =	sshll.u32 s6, $0x1;
	s3 =	sadd.s32 s19, s18  }
0xa2: {  	s7 =	simm.s32 $0x0;
	s20 =	sshll.u32 s5, $0x1;
	s5 =	sadd.s32 s21, s3  }
0xa3: {  	[timem:s7], [sflag:s22] =	dma.local [hbm:s5], s20  }
0xa4: {  	_ =	swait.ge [sflag:s22], s20  }
0xa5: {  	s4 =	ssub.s32 $0x0, s20;
	[sflag:s22] =	ssyncset.done $0x0  }
0xa6: {  	[sflag:s22] =	ssyncadd.s32 s4;
	_ =	sdelay $0x1  }
0xa7: {  	s23 =	simm.s32 $0x1B8B  }
0xa8: {  	_ =	swait.ge [sflag:s23], $0x1  }
0xa9: {  	[sflag:s23] =	ssyncset.done $0x0  }
0xaa: {  	s25 =	simm.s32 $0x1B8E;
	s24 =	sld [smem:$0x3FFE];
	[sflag:s23] =	ssyncadd.s32 $0xFFFFFFFF  }
0xab: {  	s26 =	simm.s32 $execute0_lowered;
	[smem:$0x3FD2] =	sst s25  }
0xac: {  	s5 =	sshll.u32 s26, $0x1;
	_ =	strace $0x80000046;
	[dreg:$0x1] =	wrdreg $0xFFFFFFFF  }
0xad: {  	s28 =	simm.s32 $_size_execute0_lowered;
	s3 =	sadd.s32 s3, s5;
	[dreg:$0x0] =	wrdreg $0x0  }
0xae: {  	s5 =	sshll.u32 s28, $0x1;
	[dreg:$0x2] =	wrdreg s3  }
0xaf: {  	[dreg:$0x3] =	wrdreg s5  }
0xb0: {  	[dreg:$0x4] =	wrdreg $0xC0  }
0xb1: {  	_ =	task [dreg:s7], $0x5FFFF  }
0xb2: {  	[dreg:$0x1] =	wrdreg $0xFFFFFFFF  }
0xb3: {  	[dreg:$0x0] =	wrdreg $0x60  }
0xb4: {  	[dreg:$0x2] =	wrdreg s24  }
0xb5: {  	[dreg:$0x3] =	wrdreg s16  }
0xb6: {  	[dreg:$0x4] =	wrdreg $0x9  }
0xb7: {  	_ =	task.clear_ibuf [dreg:s7], $0x5FFFF;
	_ =	strace $0x90000046  }
0xb8: {  	s29 =	simm.s32 $0x9;
	_ =	strace $0x80000048  }
0xb9: {  	_ =	swait.ge [sflag:s29], $0x1  }
0xba: {  	[sflag:s29] =	ssyncadd.s32 $0xFFFFFFFF  }
0xbb: {  	_ =	strace $0x90000048  }
0xbc: {  	_ =	sfence  }
0xbd: {  	s30 =	sld [smem:$0x0];
	_ =	sdelay $0x2  }
0xbe: {  	s31 =	sshll.u32 s1, $0xD;
	s1 =	sshrl.u32 s1, $0x2  }
0xbf: {  	s3 =	sand.u32 $0x4000, s31;
	s1 =	sadd.s32 s1, s30  }
0xc0: {  	s0 =	sor.u32 s3, s0;
	s1 =	sshll.u32 s1, $0x11  }
0xc1: {  	s0 =	sor.u32 s1, s0  }
0xc2: {  	s0 =	sadd.s32 $0x8F2B, s0  }
0xc3: {  	[sflag:s0] =	ssyncadd.remote.s32 $0x1  }
0xc4: {  	_ =	sfence.sel $0xFFFF  }
0xc5: {  	[dreg:$0x0] =	wrdreg $0xFFFFFFFF;
	(pc) =	sbr.abs _section_cstart, $3  }
0xc6: {  	[dreg:$0x1] =	wrdreg $0xFFFFFFFF  }
0xc7: {  	_ =	task.clear_ibuf [dreg:s7], $0x2FFFF;
	_ =	strace $0x9FFFFFFF  }
0xc8: {  	(tm) =	ssettm $0x7FFFFFFF  }
0xc9: {  	_ =	shalt  }
tec
execute0_lowered:
.L_overlay_start_1:
0x0: {  	(tag) =	ssettag $0x1  }
0x1: {  	s0 =	rddreg [dreg:$0x0]  }
0x2: {  	s2 =	rddreg [dreg:$0x1];
	s3 =	simm.s32 $0x0  }
0x3: {  	s1 =	stileid.u32;
	s7 =	srdreg.scid;
	s11 =	simm.s32 $0x9C40  }
0x4: {  	s12 =	simm.s32 $0x1;
	s13 =	simm.s32 $0x70;
	s14 =	simm.s32 $0xAF10  }
0x5: {  	s15 =	simm.s32 $0xAF80;
	s16 =	simm.s32 $0xB6F0;
	s17 =	simm.s32 $0xAD50  }
0x6: {  	s18 =	simm.s32 $0x0;
	[smem:$0x7FF] =	sst s3;
	s5 =	sshrl.u32 s1, $0x1  }
0x7: {  	s4 =	sadd.s32 $0x1800, s0;
	s7 =	sand.u32 $0x1, s7;
	s6 =	smul.u32 $0x9C40, s5  }
.Ltmp0:
0x8: {  	s9 =	sshll.u32 s1, $0x1;
	_ =	strace $0x80000047;
	(pc) =	sbr.rel .LBB2_1-.Ltmp0, $4  }
0x9: {  	v0 =	vlaneseq.u32;
	s29 =	ssub.s32 $0x2, s7;
	s7 =	sor.u32 s7, s9;
	s30 =	smul.u32 $0x18B820, s5  }
0xa: {  	v4 =	vmul.u32 $0xFFFFFFFF, v0;
	s5 =	sadd.s32 $0x18D200, s0;
	s10 =	sshrl.u32 s29, $0x1;
	s8 =	sadd.s32 s6, s0  }
0xb: {  	v1 =	vimm.s32 $0x0;
	s31 =	ssub.s32 s29, s10;
	s6 =	smul.u32 $0x14, s7;
	s7 =	sadd.s32 $0x4E20, s30  }
0xc: {  	v3 =	vimm.s32 $0x1;
	v2 =	vmul.u32 $0x100, v0;
	v4 =	vadd.s32 $0xF, v4;
	s10 =	simm.s32 $0x2;
	s8 =	sadd.s32 $0x3FE200, s8;
	s9 =	smax.u32 s31, $0x1  }
.LBB2_80:
0xd: {  	s18 =	sadd.s32 $0x1, s18  }
0xe: {  	p0 =	sne.s32 s18, s9  }
.Ltmp1:
0xf: {  	_ = 	snop;
	(pc) =	sbr.rel @!p0 .LBB2_81-.Ltmp1, $1  }
0x10: {  	_ =	sdelay $0x3  }
.LBB2_1:
0x11: {  	[tilespmem:$0xAD40] =	vst v1  }
0x12: {  	[tilespmem:$0xAEF8] =	vst v1;
	s19 =	simm.s32 $0x0  }
.LBB2_2:
0x13: {  	s20 =	sadd.s32 s6, s19  }
0x14: {  	s0 =	smulhi.u32 $0xCCCCCCCD, s20;
	_ =	sdelay $0x1  }
0x15: {  	s0 =	sshrl.u32 s0, $0x6  }
0x16: {  	s0 =	smul.u32 $0x50, s0;
	_ =	sdelay $0x1  }
0x17: {  	s0 =	ssub.s32 s20, s0  }
0x18: {  	s0 =	smul.u32 $0x4E20, s0;
	_ =	sdelay $0x1  }
0x19: {  	s0 =	sadd.s32 s0, s7  }
0x1a: {  	s0 =	sshrl.u32 s0, $0x3  }
0x1b: {  	s21 =	simm.s32 $0x0;
	s0 =	sadd.s32 s4, s0  }
0x1c: {  	[tilespmem:s21], [sflag:$0x2] =	stream.linear.gather [hbm4b:s0+s21], $0x4E20, $0x38;
	[tilespmem:$0xBDF0] =	vst v63  }
0x1d: {  	_ =	swait.ge [sflag:s10], $0x4E20  }
0x1e: {  	[sflag:s10] =	ssyncset.done $0x0  }
0x1f: {  	s22 =	simm.s32 $0x0;
	s0 =	simm.s32 $0x40;
	[sflag:s10] =	ssyncadd.s32 $0xFFFFB1E0  }
.LBB2_3:
0x20: {  	p0 =	sne.s32 s0, $0x3FC0;
	[tilespmem:s22+$0x9C40] =	vst v1;
	s22 =	smov.u32 s0;
	s0 =	sadd.s32 $0x40, s0  }
.Ltmp2:
0x21: {  	(pc) =	sbr.rel @p0 .LBB2_3-.Ltmp2, $2  }
0x22: {  	_ =	sdelay $0x2  }
0x23: {  	s22 =	sshra.s32 s22, $0x2  }
0x24: {  	[tilespmem:s22+$0x9C40] =	vst v1  }
.LBB2_5:
0x25: {  	s0 =	sshra.s32 s21, $0x2  }
0x26: {  	v5 =	vld [tilespmem:s0+$0x0];
	_ =	sdelay $0x4  }
0x27: {  	v5 =	vshrl.u32 v5, $0x18  }
0x28: {  	v6 =	vand.u32 $0xF8, v5  }
0x29: {  	v5 =	vand.u32 $0x7, v5;
	v6 =	vor.u32 v2, v6  }
0x2a: {  	p0 =	sne.s32 s21, $0x13840;
	v5 =	vor.u32 v5, v6  }
.Ltmp3:
0x2b: {  	_ = 	snop;
	(pc) =	sbr.rel @p0 .LBB2_5-.Ltmp3, $2  }
0x2c: {  	_ =	sdelay $0x2  }
0x2d: {  	s21 =	sadd.s32 $0x40, s21;
	[tilespmem:v5+s11+$0x0] =	vst.idx.add.s32.msk $0xffff, v3  }
0x2e: {  	s21 =	simm.s32 $0x0  }
0x2f: {  	v5 =	vld [tilespmem:s21+$0x9D30]  }
0x30: {  	v6 =	vld [tilespmem:s21+$0x9E30]  }
0x31: {  	v7 =	vld [tilespmem:s21+$0x9F30]  }
0x32: {  	v8 =	vld [tilespmem:s21+$0xA030]  }
0x33: {  	v9 =	vld [tilespmem:s21+$0xA130]  }
0x34: {  	v10 =	vld [tilespmem:s21+$0xA230]  }
0x35: {  	v11 =	vld [tilespmem:s21+$0xA330]  }
0x36: {  	v5 =	vadd.s32 v5, v6;
	v6 =	vld [tilespmem:s21+$0xA430]  }
0x37: {  	v5 =	vadd.s32 v7, v5;
	v7 =	vld [tilespmem:s21+$0xA530]  }
0x38: {  	v5 =	vadd.s32 v8, v5;
	v8 =	vld [tilespmem:s21+$0xA630]  }
0x39: {  	v5 =	vadd.s32 v9, v5;
	v9 =	vld [tilespmem:s21+$0xA730]  }
0x3a: {  	v5 =	vadd.s32 v10, v5;
	v10 =	vld [tilespmem:s21+$0xA830]  }
0x3b: {  	v5 =	vadd.s32 v11, v5;
	v11 =	vld [tilespmem:s21+$0xA930]  }
0x3c: {  	v5 =	vadd.s32 v6, v5;
	v6 =	vld [tilespmem:s21+$0xAA30]  }
0x3d: {  	v5 =	vadd.s32 v7, v5;
	v7 =	vld [tilespmem:s21+$0xAB30]  }
0x3e: {  	s22 =	simm.s32 $0xFFFFFFF0;
	v5 =	vadd.s32 v8, v5;
	v8 =	vld [tilespmem:s21+$0xAC30]  }
0x3f: {  	v5 =	vadd.s32 v9, v5;
	v9 =	vld [tilespmem:s22+$0x9D30]  }
0x40: {  	v5 =	vadd.s32 v10, v5;
	v10 =	vld [tilespmem:s22+$0x9E30]  }
0x41: {  	v5 =	vadd.s32 v11, v5;
	v11 =	vld [tilespmem:s22+$0x9F30]  }
0x42: {  	v5 =	vadd.s32 v6, v5;
	v6 =	vld [tilespmem:s22+$0xA030]  }
0x43: {  	v5 =	vadd.s32 v7, v5;
	v7 =	vld [tilespmem:s22+$0xA130]  }
0x44: {  	v5 =	vadd.s32 v8, v5;
	v8 =	vld [tilespmem:s22+$0xA230]  }
0x45: {  	v12 =	vld [tilespmem:s22+$0xA330];
	v9 =	vadd.s32 v9, v10  }
0x46: {  	v5 =	vperm.xlane v5, v4;
	v10 =	vld [tilespmem:s22+$0xA430];
	v9 =	vadd.s32 v11, v9  }
0x47: {  	v6 =	vadd.s32 v6, v9  }
0x48: {  	(xrf0) =	vadd.scan.msk.s32 $0xffff, v5;
	v6 =	vadd.s32 v7, v6  }
0x49: {  	v5 =	vld [tilespmem:s22+$0xA530];
	v6 =	vadd.s32 v8, v6  }
0x4a: {  	v9 =	vld [tilespmem:s22+$0xA630];
	v6 =	vadd.s32 v12, v6  }
0x4b: {  	v7 =	vld [tilespmem:s22+$0xA730];
	v6 =	vadd.s32 v10, v6  }
0x4c: {  	v8 =	vld [tilespmem:s22+$0xA830]  }
0x4d: {  	v11 =	vld [tilespmem:s22+$0xA930]  }
0x4e: {  	v12 =	vld [tilespmem:s22+$0xAB30];
	v5 =	vadd.s32 v5, v6;
	v6, _, _ =	vpop (xrf0)  }
0x4f: {  	v10 =	vld [tilespmem:s22+$0xAA30];
	v5 =	vadd.s32 v9, v5;
	v6 =	vperm.xlane v6, v4  }
0x50: {  	s23 =	simm.s32 $0xFFFFFFE0;
	v13 =	vimm.s32 $0x0;
	v9 =	vld [tilespmem:s22+$0xAC30];
	v5 =	vadd.s32 v7, v5  }
0x51: {  	v7 =	vld [tilespmem:s23+$0x9D30];
	v5 =	vadd.s32 v8, v5;
	v8 =	vadd.s32 v13, v6  }
0x52: {  	v6 =	vld [tilespmem:s23+$0x9E30];
	[tilespmem:s21+$0xAD30] =	vst v8  }
0x53: {  	v5 =	vadd.s32 v11, v5;
	v11 =	vld [tilespmem:s23+$0x9F30]  }
0x54: {  	v5 =	vadd.s32 v10, v5;
	v10 =	vld [tilespmem:s23+$0xA030]  }
0x55: {  	v5 =	vadd.s32 v12, v5;
	v12 =	vld [tilespmem:s23+$0xA130]  }
0x56: {  	v5 =	vadd.s32 v9, v5  }
0x57: {  	v5 =	vperm.xlane v5, v4;
	v6 =	vadd.s32 v7, v6  }
0x58: {  	v6 =	vadd.s32 v11, v6  }
0x59: {  	vm0 =	vgt.s32 v8, $0xC7;
	(xrf0) =	vadd.scan.msk.s32 $0xffff, v5;
	v5 =	vadd.s32 v10, v6  }
0x5a: {  	v5 =	vadd.s32 v12, v5;
	v12 =	vmpcnt.ones.xlane vm0;
	_ =	sdelay $0x1  }
0x5b: {  	(v2sf) =	vpush v12, $0x0  }
0x5c: {  	v9 =	vld [tilespmem:s23+$0xA230]  }
0x5d: {  	v7 =	vld [tilespmem:s23+$0xA330]  }
0x5e: {  	v11 =	vld [tilespmem:s23+$0xA430]  }
0x5f: {  	v13 =	vld [tilespmem:s23+$0xA530]  }
0x60: {  	v10 =	vld [tilespmem:s23+$0xA630]  }
0x61: {  	v5 =	vadd.s32 v9, v5;
	v9 =	vld [tilespmem:s23+$0xA730]  }
0x62: {  	v6 =	vld [tilespmem:s23+$0xA830];
	v5 =	vadd.s32 v7, v5  }
0x63: {  	s25 =	simm.s32 $0xFFFFFF40;
	v7 =	vld [tilespmem:s23+$0xA930];
	v11 =	vadd.s32 v11, v5  }
0x64: {  	s24 =	simm.s32 $0xFFFFFF00;
	s26 =	simm.s32 $0xFFFFFEC0;
	s21 =	simm.s32 $0x0;
	v5 =	vbroadcast v8, $0x0;
	v8 =	vld [tilespmem:s23+$0xAA30];
	v11 =	vadd.s32 v13, v11;
	v12, _, _ =	vpop (xrf0)  }
.LBB2_7:
0x65: {  	p0 =	sne.s32 s26, $0xFFFFFC40;
	v10 =	vadd.s32 v10, v11;
	v11 =	vld [tilespmem:s23+$0xAB30];
	v12 =	vperm.xlane v12, v4  }
0x66: {  	s0 =	sshra.s32 s25, $0x2;
	s25 =	smov.u32 s24;
	s24 =	smov.u32 s26;
	v9 =	vadd.s32 v9, v10;
	v10 =	vld [tilespmem:s23+$0xAC30]  }
0x67: {  	v13 =	vld [tilespmem:s0+$0x9D30];
	v6 =	vadd.s32 v6, v9;
	v9 =	vadd.s32 v5, v12  }
0x68: {  	v12 =	vld [tilespmem:s0+$0x9E30];
	v6 =	vadd.s32 v7, v6;
	[tilespmem:s22+$0xAD30] =	vst v9;
	v5 =	vbroadcast v9, $0x0;
	vm0 =	vgt.s32 v9, $0xC7;
	s22 =	smov.u32 s23;
	s23 =	smov.u32 s0  }
0x69: {  	v7 =	vld [tilespmem:s23+$0x9F30];
	v6 =	vadd.s32 v8, v6;
	v8 =	vmpcnt.ones.xlane vm0  }
0x6a: {  	v9 =	vld [tilespmem:s23+$0xA030];
	v6 =	vadd.s32 v11, v6;
	s0 =	spop (v2sf)  }
0x6b: {  	v11 =	vld [tilespmem:s23+$0xA130];
	v6 =	vadd.s32 v10, v6;
	(v2sf) =	vpush v8, $0x0;
	s21 =	sadd.s32 s21, s0  }
0x6c: {  	v8 =	vld [tilespmem:s23+$0xA230];
	v6 =	vperm.xlane v6, v4  }
0x6d: {  	v10 =	vadd.s32 v13, v12;
	v12 =	vld [tilespmem:s23+$0xA330]  }
0x6e: {  	v7 =	vadd.s32 v7, v10;
	v13 =	vld [tilespmem:s23+$0xA430];
	(xrf0) =	vadd.scan.msk.s32 $0xffff, v6  }
0x6f: {  	v6 =	vadd.s32 v9, v7;
	v14 =	vld [tilespmem:s23+$0xA530]  }
.Ltmp4:
0x70: {  	v6 =	vadd.s32 v11, v6;
	v10 =	vld [tilespmem:s23+$0xA630];
	(pc) =	sbr.rel @p0 .LBB2_7-.Ltmp4, $4  }
0x71: {  	v6 =	vadd.s32 v8, v6;
	v9 =	vld [tilespmem:s23+$0xA730]  }
0x72: {  	v7 =	vadd.s32 v12, v6;
	v6 =	vld [tilespmem:s23+$0xA830]  }
0x73: {  	v8 =	vadd.s32 v13, v7;
	v7 =	vld [tilespmem:s23+$0xA930]  }
0x74: {  	s26 =	sadd.s32 $0xFFFFFFC0, s26;
	v11 =	vadd.s32 v14, v8;
	v8 =	vld [tilespmem:s23+$0xAA30];
	v12, _, _ =	vpop (xrf0)  }
0x75: {  	v13 =	vld [tilespmem:s23+$0xAB30];
	v12 =	vperm.xlane v12, v4;
	v10 =	vadd.s32 v10, v11  }
0x76: {  	s25 =	sshra.s32 s25, $0x2;
	v14 =	vld [tilespmem:s23+$0xAC30];
	v9 =	vadd.s32 v9, v10  }
0x77: {  	v11 =	vld [tilespmem:s25+$0x9D30];
	v5 =	vadd.s32 v5, v12;
	v6 =	vadd.s32 v6, v9  }
0x78: {  	v10 =	vld [tilespmem:s25+$0x9E30];
	[tilespmem:s22+$0xAD30] =	vst v5;
	v6 =	vadd.s32 v7, v6  }
0x79: {  	v7 =	vld [tilespmem:s25+$0x9F30];
	v6 =	vadd.s32 v8, v6  }
0x7a: {  	v8 =	vld [tilespmem:s25+$0xA030];
	v6 =	vadd.s32 v13, v6  }
0x7b: {  	v9 =	vld [tilespmem:s25+$0xA130];
	v6 =	vadd.s32 v14, v6  }
0x7c: {  	v57 =	vld [tilespmem:s25+$0xA230];
	v6 =	vperm.xlane v6, v4  }
0x7d: {  	v58 =	vld [tilespmem:s25+$0xA330]  }
0x7e: {  	v59 =	vld [tilespmem:s25+$0xA430];
	(xrf0) =	vadd.scan.msk.s32 $0xffff, v6  }
0x7f: {  	v15 =	vld [tilespmem:s25+$0xA630]  }
0x80: {  	v16 =	vld [tilespmem:s25+$0xA730]  }
0x81: {  	v17 =	vld [tilespmem:s25+$0xA830]  }
0x82: {  	v18 =	vld [tilespmem:s25+$0xA930]  }
0x83: {  	v19 =	vld [tilespmem:s25+$0xAA30]  }
0x84: {  	v21 =	vld [tilespmem:s25+$0xAB30];
	v20, _, _ =	vpop (xrf0)  }
0x85: {  	s26 =	sshra.s32 s24, $0x2;
	v22 =	vbroadcast v5, $0x0;
	v23 =	vld [tilespmem:s25+$0xAC30];
	v20 =	vperm.xlane v20, v4  }
0x86: {  	v24 =	vld [tilespmem:s26+$0x9D30]  }
0x87: {  	v60 =	vld [tilespmem:s26+$0x9E30];
	v20 =	vadd.s32 v22, v20  }
0x88: {  	v6 =	vld [tilespmem:s25+$0xA530];
	[tilespmem:s23+$0xAD30] =	vst v20  }
0x89: {  	v25 =	vld [tilespmem:s26+$0x9F30]  }
0x8a: {  	v10 =	vadd.s32 v11, v10;
	v11 =	vld [tilespmem:s26+$0xA030]  }
0x8b: {  	v7 =	vadd.s32 v7, v10;
	v10 =	vld [tilespmem:s26+$0xA130]  }
0x8c: {  	v7 =	vadd.s32 v8, v7;
	v8 =	vld [tilespmem:s26+$0xA230]  }
0x8d: {  	v7 =	vadd.s32 v9, v7;
	v9 =	vadd.s32 v24, v60;
	v61 =	vld [tilespmem:s26+$0xA330]  }
0x8e: {  	v7 =	vadd.s32 v57, v7;
	v62 =	vld [tilespmem:s26+$0xA430];
	v9 =	vadd.s32 v25, v9  }
0x8f: {  	v7 =	vadd.s32 v58, v7;
	v9 =	vadd.s32 v11, v9;
	v11 =	vld [tilespmem:s26+$0xA530]  }
0x90: {  	v7 =	vadd.s32 v59, v7;
	v9 =	vadd.s32 v10, v9;
	v10 =	vld [tilespmem:s26+$0xA630]  }
0x91: {  	v6 =	vadd.s32 v6, v7;
	v7 =	vadd.s32 v8, v9;
	v8 =	vld [tilespmem:s26+$0xA730]  }
0x92: {  	v6 =	vadd.s32 v15, v6;
	v9 =	vld [tilespmem:s26+$0xA830];
	v7 =	vadd.s32 v61, v7  }
0x93: {  	v6 =	vadd.s32 v16, v6;
	v63 =	vld [tilespmem:s26+$0xA930];
	v7 =	vadd.s32 v62, v7  }
0x94: {  	v6 =	vadd.s32 v17, v6;
	v7 =	vadd.s32 v11, v7;
	v11 =	vld [tilespmem:s26+$0xAA30]  }
0x95: {  	v6 =	vadd.s32 v18, v6;
	v7 =	vadd.s32 v10, v7;
	v10 =	vld [tilespmem:s26+$0xAB30]  }
0x96: {  	v6 =	vadd.s32 v19, v6;
	v7 =	vadd.s32 v8, v7;
	v8 =	vld [tilespmem:s26+$0xAC30]  }
0x97: {  	v6 =	vadd.s32 v21, v6;
	v7 =	vadd.s32 v9, v7  }
0x98: {  	v6 =	vadd.s32 v23, v6;
	v7 =	vadd.s32 v63, v7  }
0x99: {  	v6 =	vperm.xlane v6, v4;
	v7 =	vadd.s32 v11, v7  }
0x9a: {  	v7 =	vadd.s32 v10, v7  }
0x9b: {  	(xrf0) =	vadd.scan.msk.s32 $0xffff, v6;
	v6 =	vadd.s32 v8, v7  }
0x9c: {  	v6 =	vperm.xlane v6, v4;
	_ =	sdelay $0x1  }
0x9d: {  	(xrf0) =	vadd.scan.msk.s32 $0xffff, v6;
	_ =	sdelay $0x1  }
0x9e: {  	v7 =	vbroadcast v20, $0x0  }
0x9f: {  	v6, _, _ =	vpop (xrf0)  }
0xa0: {  	v6 =	vperm.xlane v6, v4;
	_ =	sdelay $0x1  }
0xa1: {  	v6 =	vadd.s32 v7, v6;
	v7, _, _ =	vpop (xrf0)  }
0xa2: {  	vm0 =	vgt.s32 v5, $0xC7;
	v5 =	vbroadcast v6, $0x0;
	v7 =	vperm.xlane v7, v4  }
0xa3: {  	v8 =	vmpcnt.ones.xlane vm0;
	vm0 =	vgt.s32 v20, $0xC7  }
0xa4: {  	v9 =	vmpcnt.ones.xlane vm0;
	vm0 =	vgt.s32 v6, $0xC7;
	v5 =	vadd.s32 v5, v7  }
0xa5: {  	(v2sf) =	vpush v8, $0x0;
	v7 =	vmpcnt.ones.xlane vm0;
	vm0 =	vgt.s32 v5, $0xC7  }
0xa6: {  	(v2sf) =	vpush v9, $0x0;
	v8 =	vmpcnt.ones.xlane vm0  }
0xa7: {  	(v2sf) =	vpush v7, $0x0  }
0xa8: {  	(v2sf) =	vpush v8, $0x0;
	_ =	sdelay $0xa  }
0xa9: {  	s0 =	spop (v2sf);
	[tilespmem:s25+$0xAD30] =	vst v6  }
0xaa: {  	s0 =	sadd.s32 s21, s0;
	s21 =	simm.s32 $0x0;
	[tilespmem:s26+$0xAD30] =	vst v5;
	s28 =	spop (v2sf)  }
0xab: {  	v7 =	vld [tilespmem:s21+$0x0];
	s29 =	spop (v2sf);
	s0 =	sadd.s32 s0, s28  }
0xac: {  	s0 =	sadd.s32 s0, s29;
	s30 =	spop (v2sf)  }
0xad: {  	s0 =	sadd.s32 s0, s30;
	s31 =	spop (v2sf)  }
0xae: {  	s0 =	sadd.s32 s0, s31  }
0xaf: {  	s22 =	sadd.s32 $0xFFFFFFFF, s0  }
0xb0: {  	v5 =	vmov s21;
	v8 =	vshrl.u32 v7, $0x18;
	v6 =	vmov s22  }
0xb1: {  	vm0 =	vlt.u32 v5, $0x4E20;
	vm1 =	vgt.s32 v8, v6  }
0xb2: {  	vm1 =	vmand vm0, vm1  }
0xb3: {  	v5 =	vmpcnt.ones.xlane vm1;
	_ =	sdelay $0x1  }
0xb4: {  	vm2 =	veq.s32 v8, v6;
	v8 =	vor.u32 s21, v0;
	(v2sf) =	vpush v5, $0x0;
	v5 =	vld [tilespmem:s0+$0xAC40];
	[tilespmem:s21+$0xAD50] =	vst.msk vm1, v7  }
0xb5: {  	vm0 =	vmand vm0, vm2;
	[tilespmem:s21+$0xAE30] =	vst.msk vm1, v8  }
0xb6: {  	[tilespmem:s21+$0x0] =	vst.msk vm0, v7  }
0xb7: {  	[tilespmem:s21+$0x4E20] =	vst.msk vm0, v8;
	v8 =	vmpcnt.ones.xlane vm0;
	_ =	sdelay $0x1  }
0xb8: {  	(v2sf) =	vpush v8, $0x0;
	_ =	sdelay $0x3  }
0xb9: {  	s22 =	simm.s32 $0x10  }
0xba: {  	v7 =	vld [tilespmem:s22+$0x0];
	_ =	sdelay $0x4  }
0xbb: {  	v10 =	vmov s22;
	v9 =	vshrl.u32 v7, $0x18  }
0xbc: {  	vm0 =	vlt.u32 v10, $0x4E20;
	vm1 =	vgt.s32 v9, v6;
	vm2 =	veq.s32 v9, v6  }
0xbd: {  	s24 =	simm.s32 $0x10;
	vm1 =	vmand vm0, vm1;
	vm0 =	vmand vm0, vm2  }
0xbe: {  	s23 =	simm.s32 $0x0;
	s0 =	simm.s32 $0x20;
	v9 =	vmpcnt.ones.xlane vm1;
	v8 =	vmpcnt.ones.xlane vm0;
	s25 =	spop (v2sf)  }
.LBB2_9:
0xbf: {  	s21 =	sadd.s32 s21, s25  }
0xc0: {  	(v2sf) =	vpush v9, $0x0;
	s25 =	spop (v2sf);
	s26 =	smov.u32 s0;
	s28 =	sadd.s32 $0x10, s0  }
0xc1: {  	p0 =	sne.s32 s0, $0x4E10;
	v9 =	vor.u32 s22, v0;
	[tilespmem:s21+$0xAD50] =	vst.msk vm1, v7;
	(v2sf) =	vpush v8, $0x0;
	s23 =	sadd.s32 s23, s25;
	s22 =	smov.u32 s26  }
0xc2: {  	[tilespmem:s21+$0xAE30] =	vst.msk vm1, v9  }
0xc3: {  	[tilespmem:s23+$0x0] =	vst.msk vm0, v7  }
0xc4: {  	[tilespmem:s23+$0x4E20] =	vst.msk vm0, v9  }
0xc5: {  	s24 =	sadd.s32 $0x10, s24  }
0xc6: {  	v7 =	vld [tilespmem:s24+$0x0];
	_ =	sdelay $0x4  }
.Ltmp5:
0xc7: {  	v9 =	vmov s22;
	v8 =	vshrl.u32 v7, $0x18;
	(pc) =	sbr.rel @p0 .LBB2_9-.Ltmp5, $4  }
0xc8: {  	vm0 =	vlt.u32 v9, $0x4E20;
	vm1 =	vgt.s32 v8, v6;
	vm2 =	veq.s32 v8, v6  }
0xc9: {  	vm1 =	vmand vm0, vm1;
	vm0 =	vmand vm0, vm2  }
0xca: {  	v9 =	vmpcnt.ones.xlane vm1;
	v8 =	vmpcnt.ones.xlane vm0  }
0xcb: {  	s0 =	smov.u32 s28;
	s25 =	spop (v2sf)  }
0xcc: {  	(v2sf) =	vpush v9, $0x0  }
0xcd: {  	(v2sf) =	vpush v8, $0x0;
	_ =	sdelay $0xb  }
0xce: {  	s0 =	sadd.s32 s21, s25  }
0xcf: {  	s28 =	spop (v2sf);
	v6 =	vor.u32 s22, v0;
	[tilespmem:s0+$0xAD50] =	vst.msk vm1, v7  }
0xd0: {  	s29 =	sadd.s32 s23, s28;
	[tilespmem:s0+$0xAE30] =	vst.msk vm1, v6;
	s30 =	spop (v2sf)  }
0xd1: {  	s22 =	simm.s32 $0x40;
	[tilespmem:s29+$0x0] =	vst.msk vm0, v7;
	s31 =	spop (v2sf)  }
0xd2: {  	[tilespmem:s29+$0x4E20] =	vst.msk vm0, v6;
	s21 =	sadd.s32 s0, s30;
	s0 =	simm.s32 $0x0;
	s24 =	sadd.s32 s29, s31  }
.LBB2_11:
0xd3: {  	p0 =	sne.s32 s22, $0x3FC0;
	[tilespmem:s0+$0x9C40] =	vst v1;
	s0 =	smov.u32 s22;
	s22 =	sadd.s32 $0x40, s22  }
.Ltmp6:
0xd4: {  	(pc) =	sbr.rel @p0 .LBB2_11-.Ltmp6, $2  }
0xd5: {  	_ =	sdelay $0x2  }
0xd6: {  	s0 =	sshra.s32 s0, $0x2  }
0xd7: {  	v5 =	vxor.u32 $0x80000000, v5  }
0xd8: {  	(xrf0) =	vmax.scan.msk.u32 $0xffff, v5;
	_ =	sdelay $0x5  }
0xd9: {  	v5, _, _ =	vpop (xrf0)  }
0xda: {  	(v2sf) =	vpush v5, $0xF;
	_ =	sdelay $0x2  }
0xdb: {  	s22 =	sadd.s32 $0xF, s24  }
0xdc: {  	s23 =	sand.u32 $0xF, s22  }
0xdd: {  	s31 =	sshra.s32 s22, $0x1F;
	p1 =	slt.s32 s22, $0x1;
	p0 =	sne.s32 s23, $0x0  }
0xde: {  	s23 =	sshrl.u32 s31, $0x1C;
	p0 =	por !p1, !p0  }
0xdf: {  	s22 =	sadd.s32 s23, s22;
	s23 =	simm.s32 $0x1;
	p0 =	por !p0, !p0  }
0xe0: {  	s22 =	sshra.s32 s22, $0x4;
	s23 =	simm.s32 @!p0 $0x0  }
0xe1: {  	s23 =	ssub.s32 s22, s23  }
0xe2: {  	p0 =	slt.s32 s23, $0x1  }
.Ltmp7:
0xe3: {  	_ = 	snop;
	(pc) =	sbr.rel @p0 .LBB2_19-.Ltmp7, $2  }
0xe4: {  	_ =	sdelay $0x2  }
0xe5: {  	[tilespmem:s0+$0x9C40] =	vst v1;
	v5 =	vmov s24;
	s22 =	spop (v2sf)  }
0xe6: {  	p2 =	seq.s32 s23, $0x1  }
.Ltmp8:
0xe7: {  	_ = 	snop;
	(pc) =	sbr.rel @p2 .LBB2_14-.Ltmp8, $3  }
0xe8: {  	_ =	sdelay $0x1  }
0xe9: {  	s24 =	simm.s32 $0x0  }
0xea: {  	s0 =	sadd.s32 $0xFFFFFFFF, s23;
	p1 =	por $0x0, $0x0;
	v6 =	vld [tilespmem:s24+$0x0]  }
0xeb: {  	_ =	sdelay $0x3  }
0xec: {  	v7 =	vor.u32 s24, v0;
	v6 =	vshrl.u32 v6, $0x10  }
0xed: {  	vm0 =	vlt.s32 v7, v5;
	v6 =	vand.u32 $0xFF, v6  }
0xee: {  	v6 =	vor.u32 v2, v6  }
0xef: {  	p2 =	seq.s32 s0, $0x1  }
.Ltmp9:
0xf0: {  	_ = 	snop;
	(pc) =	sbr.rel @p2 .LBB2_16-.Ltmp9, $3  }
0xf1: {  	_ =	sdelay $0x1  }
0xf2: {  	s26 =	simm.s32 $0x10;
	[tilespmem:v6+s11+$0x0] =	vst.idx.add.s32.msk vm0, v3  }
0xf3: {  	s28 =	sadd.s32 $0xFFFFFFFF, s0;
	p1 =	por $0x1, $0x1;
	s25 =	simm.s32 $0x0;
	v6 =	vld [tilespmem:s26+$0x0]  }
.LBB2_17:
0xf4: {  	p2 =	seq.s32 s28, $0x1;
	_ =	sdelay $0x2  }
0xf5: {  	s25 =	sadd.s32 $0x10, s25  }
0xf6: {  	v7 =	vor.u32 s25, v0;
	v6 =	vshrl.u32 v6, $0x10  }
0xf7: {  	vm0 =	vlt.s32 v7, v5;
	v6 =	vand.u32 $0xFF, v6  }
0xf8: {  	v6 =	vor.u32 v2, v6;
	_ =	sdelay $0x1  }
.Ltmp10:
0xf9: {  	(pc) =	sbr.rel @!p2 .LBB2_17-.Ltmp10, $3  }
0xfa: {  	_ =	sdelay $0x1  }
0xfb: {  	s26 =	sadd.s32 $0x10, s26;
	[tilespmem:v6+s11+$0x0] =	vst.idx.add.s32.msk vm0, v3  }
0xfc: {  	s28 =	sadd.s32 $0xFFFFFFFF, s28;
	v6 =	vld [tilespmem:s26+$0x0]  }
.LBB2_18:
0xfd: {  	_ =	sdelay $0x1  }
0xfe: {  	s0 =	sadd.s32 @p1 $0x10, s25  }
0xff: {  	s24 =	smov.u32 @p1 s0  }
0x100: {  	v7 =	vor.u32 s24, v0;
	v6 =	vshrl.u32 v6, $0x10  }
0x101: {  	vm0 =	vlt.s32 v7, v5;
	v6 =	vand.u32 $0xFF, v6  }
0x102: {  	v6 =	vor.u32 v2, v6;
	_ =	sdelay $0x4  }
0x103: {  	[tilespmem:v6+s11+$0x0] =	vst.idx.add.s32.msk vm0, v3  }
.LBB2_19:
0x104: {  	s28 =	simm.s32 $0x0  }
0x105: {  	v8 =	vld [tilespmem:s28+$0x9D30]  }
0x106: {  	v9 =	vld [tilespmem:s28+$0x9E30]  }
0x107: {  	v10 =	vld [tilespmem:s28+$0x9F30]  }
0x108: {  	v11 =	vld [tilespmem:s28+$0xA030]  }
0x109: {  	v12 =	vld [tilespmem:s28+$0xA130]  }
0x10a: {  	v13 =	vld [tilespmem:s28+$0xA230]  }
0x10b: {  	v14 =	vld [tilespmem:s28+$0xA330]  }
0x10c: {  	v8 =	vadd.s32 v8, v9;
	v9 =	vld [tilespmem:s28+$0xA430]  }
0x10d: {  	v8 =	vadd.s32 v10, v8;
	v10 =	vld [tilespmem:s28+$0xA530]  }
0x10e: {  	v8 =	vadd.s32 v11, v8;
	v11 =	vld [tilespmem:s28+$0xA630]  }
0x10f: {  	v8 =	vadd.s32 v12, v8;
	v12 =	vld [tilespmem:s28+$0xA730]  }
0x110: {  	v8 =	vadd.s32 v13, v8;
	v13 =	vld [tilespmem:s28+$0xA830]  }
0x111: {  	v8 =	vadd.s32 v14, v8;
	v14 =	vld [tilespmem:s28+$0xA930]  }
0x112: {  	v8 =	vadd.s32 v9, v8;
	v9 =	vld [tilespmem:s28+$0xAA30]  }
0x113: {  	v8 =	vadd.s32 v10, v8;
	v10 =	vld [tilespmem:s28+$0xAB30]  }
0x114: {  	s25 =	simm.s32 $0xFFFFFFF0;
	v8 =	vadd.s32 v11, v8;
	v11 =	vld [tilespmem:s28+$0xAC30]  }
0x115: {  	v8 =	vadd.s32 v12, v8;
	v12 =	vld [tilespmem:s25+$0x9D30]  }
0x116: {  	v8 =	vadd.s32 v13, v8;
	v13 =	vld [tilespmem:s25+$0x9E30]  }
0x117: {  	v8 =	vadd.s32 v14, v8;
	v14 =	vld [tilespmem:s25+$0x9F30]  }
0x118: {  	v8 =	vadd.s32 v9, v8;
	v9 =	vld [tilespmem:s25+$0xA030]  }
0x119: {  	v8 =	vadd.s32 v10, v8;
	v10 =	vld [tilespmem:s25+$0xA130]  }
0x11a: {  	v8 =	vadd.s32 v11, v8;
	v11 =	vld [tilespmem:s25+$0xA230]  }
0x11b: {  	v15 =	vld [tilespmem:s25+$0xA330];
	v12 =	vadd.s32 v12, v13  }
0x11c: {  	v8 =	vperm.xlane v8, v4;
	v13 =	vld [tilespmem:s25+$0xA430];
	v12 =	vadd.s32 v14, v12  }
0x11d: {  	v9 =	vadd.s32 v9, v12  }
0x11e: {  	(xrf0) =	vadd.scan.msk.s32 $0xffff, v8;
	v9 =	vadd.s32 v10, v9  }
0x11f: {  	v8 =	vld [tilespmem:s25+$0xA530];
	v9 =	vadd.s32 v11, v9  }
0x120: {  	v14 =	vld [tilespmem:s25+$0xA930];
	v9 =	vadd.s32 v15, v9  }
0x121: {  	v12 =	vld [tilespmem:s25+$0xA630];
	v9 =	vadd.s32 v13, v9  }
0x122: {  	v10 =	vld [tilespmem:s25+$0xA730]  }
0x123: {  	v11 =	vld [tilespmem:s25+$0xA830]  }
0x124: {  	v15 =	vld [tilespmem:s25+$0xAB30];
	v8 =	vadd.s32 v8, v9;
	v9, _, _ =	vpop (xrf0)  }
0x125: {  	v13 =	vld [tilespmem:s25+$0xAA30];
	v9 =	vperm.xlane v9, v4  }
0x126: {  	v7 =	vimm.s32 $0x0;
	s26 =	simm.s32 $0xFFFFFFE0;
	v8 =	vadd.s32 v12, v8;
	v12 =	vld [tilespmem:s25+$0xAC30]  }
0x127: {  	v8 =	vadd.s32 v10, v8;
	v10 =	vld [tilespmem:s26+$0x9D30];
	v7 =	vadd.s32 v7, v9  }
0x128: {  	v8 =	vadd.s32 v11, v8;
	v9 =	vld [tilespmem:s26+$0x9E30];
	[tilespmem:s28+$0xAD30] =	vst v7  }
0x129: {  	v8 =	vadd.s32 v14, v8;
	v11 =	vld [tilespmem:s26+$0x9F30]  }
0x12a: {  	v8 =	vadd.s32 v13, v8;
	v13 =	vld [tilespmem:s26+$0xA030]  }
0x12b: {  	v8 =	vadd.s32 v15, v8;
	v14 =	vld [tilespmem:s26+$0xA130]  }
0x12c: {  	s0 =	sxor.u32 $0x80000000, s22;
	v8 =	vadd.s32 v12, v8  }
0x12d: {  	s22 =	ssub.s32 $0xC8, s0;
	v8 =	vperm.xlane v8, v4;
	v9 =	vadd.s32 v10, v9  }
0x12e: {  	v6 =	vmov s22;
	v9 =	vadd.s32 v11, v9  }
0x12f: {  	vm0 =	vge.s32 v7, v6;
	(xrf0) =	vadd.scan.msk.s32 $0xffff, v8;
	v8 =	vadd.s32 v13, v9  }
0x130: {  	v8 =	vadd.s32 v14, v8;
	v14 =	vmpcnt.ones.xlane vm0;
	_ =	sdelay $0x1  }
0x131: {  	(v2sf) =	vpush v14, $0x0  }
0x132: {  	v15 =	vld [tilespmem:s26+$0xA230]  }
0x133: {  	v10 =	vld [tilespmem:s26+$0xA330]  }
0x134: {  	v16 =	vld [tilespmem:s26+$0xA430]  }
0x135: {  	v13 =	vld [tilespmem:s26+$0xA530]  }
0x136: {  	v12 =	vld [tilespmem:s26+$0xA630]  }
0x137: {  	v11 =	vld [tilespmem:s26+$0xA730];
	v8 =	vadd.s32 v15, v8  }
0x138: {  	v9 =	vld [tilespmem:s26+$0xA830];
	v8 =	vadd.s32 v10, v8  }
0x139: {  	s24 =	simm.s32 $0x0;
	v10 =	vadd.s32 v16, v8;
	v8 =	vld [tilespmem:s26+$0xA930]  }
0x13a: {  	s29 =	simm.s32 $0xFFFFFF00;
	s30 =	simm.s32 $0xFFFFFEC0;
	s28 =	simm.s32 $0xFFFFFF40;
	v7 =	vbroadcast v7, $0x0;
	v13 =	vadd.s32 v13, v10;
	v10 =	vld [tilespmem:s26+$0xAA30];
	v14, _, _ =	vpop (xrf0)  }
.LBB2_20:
0x13b: {  	p1 =	sne.s32 s30, $0xFFFFFC40;
	v12 =	vadd.s32 v12, v13;
	v13 =	vld [tilespmem:s26+$0xAB30];
	v14 =	vperm.xlane v14, v4  }
0x13c: {  	s0 =	sshra.s32 s28, $0x2;
	s28 =	smov.u32 s29;
	s29 =	smov.u32 s30;
	v11 =	vadd.s32 v11, v12;
	v12 =	vld [tilespmem:s26+$0xAC30]  }
0x13d: {  	v15 =	vld [tilespmem:s0+$0x9D30];
	v9 =	vadd.s32 v9, v11;
	v11 =	vadd.s32 v7, v14  }
0x13e: {  	v14 =	vld [tilespmem:s0+$0x9E30];
	v8 =	vadd.s32 v8, v9;
	[tilespmem:s25+$0xAD30] =	vst v11;
	v7 =	vbroadcast v11, $0x0;
	vm0 =	vge.s32 v11, v6;
	s25 =	smov.u32 s26;
	s26 =	smov.u32 s0  }
0x13f: {  	v9 =	vld [tilespmem:s26+$0x9F30];
	v8 =	vadd.s32 v10, v8;
	v10 =	vmpcnt.ones.xlane vm0  }
0x140: {  	v11 =	vld [tilespmem:s26+$0xA030];
	v8 =	vadd.s32 v13, v8;
	s0 =	spop (v2sf)  }
0x141: {  	v13 =	vld [tilespmem:s26+$0xA130];
	v8 =	vadd.s32 v12, v8;
	(v2sf) =	vpush v10, $0x0;
	s24 =	sadd.s32 s24, s0  }
0x142: {  	v10 =	vld [tilespmem:s26+$0xA230];
	v8 =	vperm.xlane v8, v4  }
0x143: {  	v12 =	vadd.s32 v15, v14;
	v14 =	vld [tilespmem:s26+$0xA330]  }
0x144: {  	v9 =	vadd.s32 v9, v12;
	v15 =	vld [tilespmem:s26+$0xA430];
	(xrf0) =	vadd.scan.msk.s32 $0xffff, v8  }
0x145: {  	v8 =	vadd.s32 v11, v9;
	v16 =	vld [tilespmem:s26+$0xA530]  }
.Ltmp11:
0x146: {  	v8 =	vadd.s32 v13, v8;
	v12 =	vld [tilespmem:s26+$0xA630];
	(pc) =	sbr.rel @p1 .LBB2_20-.Ltmp11, $4  }
0x147: {  	v8 =	vadd.s32 v10, v8;
	v11 =	vld [tilespmem:s26+$0xA730]  }
0x148: {  	v8 =	vadd.s32 v14, v8;
	v9 =	vld [tilespmem:s26+$0xA830]  }
0x149: {  	v10 =	vadd.s32 v15, v8;
	v8 =	vld [tilespmem:s26+$0xA930]  }
0x14a: {  	s30 =	sadd.s32 $0xFFFFFFC0, s30;
	v13 =	vadd.s32 v16, v10;
	v10 =	vld [tilespmem:s26+$0xAA30];
	v14, _, _ =	vpop (xrf0)  }
0x14b: {  	v15 =	vld [tilespmem:s26+$0xAB30];
	v14 =	vperm.xlane v14, v4;
	v12 =	vadd.s32 v12, v13  }
0x14c: {  	s28 =	sshra.s32 s28, $0x2;
	v16 =	vld [tilespmem:s26+$0xAC30];
	v11 =	vadd.s32 v11, v12  }
0x14d: {  	v32 =	vld [tilespmem:s28+$0x9D30];
	v7 =	vadd.s32 v7, v14;
	v9 =	vadd.s32 v9, v11  }
0x14e: {  	v33 =	vld [tilespmem:s28+$0x9E30];
	[tilespmem:s25+$0xAD30] =	vst v7;
	v8 =	vadd.s32 v8, v9  }
0x14f: {  	v34 =	vld [tilespmem:s28+$0x9F30];
	v8 =	vadd.s32 v10, v8  }
0x150: {  	v35 =	vld [tilespmem:s28+$0xA030];
	v8 =	vadd.s32 v15, v8  }
0x151: {  	v36 =	vld [tilespmem:s28+$0xA130];
	v8 =	vadd.s32 v16, v8  }
0x152: {  	v37 =	vld [tilespmem:s28+$0xA230];
	v8 =	vperm.xlane v8, v4  }
0x153: {  	v38 =	vld [tilespmem:s28+$0xA330]  }
0x154: {  	v39 =	vld [tilespmem:s28+$0xA430];
	(xrf0) =	vadd.scan.msk.s32 $0xffff, v8  }
0x155: {  	v40 =	vld [tilespmem:s28+$0xA530]  }
0x156: {  	v17 =	vld [tilespmem:s28+$0xA630]  }
0x157: {  	v18 =	vld [tilespmem:s28+$0xA730]  }
0x158: {  	v19 =	vld [tilespmem:s28+$0xA830]  }
0x159: {  	v20 =	vld [tilespmem:s28+$0xA930]  }
0x15a: {  	v21 =	vld [tilespmem:s28+$0xAA30];
	v22, _, _ =	vpop (xrf0)  }
0x15b: {  	v24 =	vbroadcast v7, $0x0;
	v23 =	vld [tilespmem:s28+$0xAB30];
	v22 =	vperm.xlane v22, v4  }
0x15c: {  	s25 =	sshra.s32 s29, $0x2;
	v25 =	vld [tilespmem:s28+$0xAC30]  }
0x15d: {  	v26 =	vld [tilespmem:s25+$0x9D30];
	v22 =	vadd.s32 v24, v22  }
0x15e: {  	v41 =	vld [tilespmem:s25+$0x9E30];
	[tilespmem:s26+$0xAD30] =	vst v22  }
0x15f: {  	v27 =	vld [tilespmem:s25+$0x9F30]  }
0x160: {  	v12 =	vadd.s32 v32, v33;
	v42 =	vld [tilespmem:s25+$0xA030]  }
0x161: {  	v9 =	vadd.s32 v34, v12;
	v43 =	vld [tilespmem:s25+$0xA130]  }
0x162: {  	v9 =	vadd.s32 v35, v9;
	v44 =	vld [tilespmem:s25+$0xA230]  }
0x163: {  	v45 =	vadd.s32 v26, v41;
	v9 =	vadd.s32 v36, v9;
	v46 =	vld [tilespmem:s25+$0xA330]  }
0x164: {  	v9 =	vadd.s32 v37, v9;
	v47 =	vld [tilespmem:s25+$0xA430];
	v11 =	vadd.s32 v27, v45  }
0x165: {  	v9 =	vadd.s32 v38, v9;
	v48 =	vld [tilespmem:s25+$0xA530];
	v11 =	vadd.s32 v42, v11  }
0x166: {  	v9 =	vadd.s32 v39, v9;
	v49 =	vld [tilespmem:s25+$0xA630];
	v11 =	vadd.s32 v43, v11  }
0x167: {  	v8 =	vadd.s32 v40, v9;
	v51 =	vld [tilespmem:s25+$0xA730];
	v50 =	vadd.s32 v44, v11  }
0x168: {  	v8 =	vadd.s32 v17, v8;
	v52 =	vld [tilespmem:s25+$0xA830];
	v9 =	vadd.s32 v46, v50  }
0x169: {  	v8 =	vadd.s32 v18, v8;
	v53 =	vld [tilespmem:s25+$0xA930];
	v9 =	vadd.s32 v47, v9  }
0x16a: {  	v8 =	vadd.s32 v19, v8;
	v54 =	vld [tilespmem:s25+$0xAA30];
	v9 =	vadd.s32 v48, v9  }
0x16b: {  	v8 =	vadd.s32 v20, v8;
	v55 =	vld [tilespmem:s25+$0xAB30];
	v9 =	vadd.s32 v49, v9  }
0x16c: {  	v8 =	vadd.s32 v21, v8;
	v56 =	vld [tilespmem:s25+$0xAC30];
	v9 =	vadd.s32 v51, v9  }
0x16d: {  	v8 =	vadd.s32 v23, v8;
	v9 =	vadd.s32 v52, v9  }
0x16e: {  	v8 =	vadd.s32 v25, v8;
	v9 =	vadd.s32 v53, v9  }
0x16f: {  	v8 =	vperm.xlane v8, v4;
	v9 =	vadd.s32 v54, v9  }
0x170: {  	v9 =	vadd.s32 v55, v9  }
0x171: {  	(xrf0) =	vadd.scan.msk.s32 $0xffff, v8;
	v57 =	vadd.s32 v56, v9  }
0x172: {  	v8 =	vperm.xlane v57, v4;
	_ =	sdelay $0x1  }
0x173: {  	(xrf0) =	vadd.scan.msk.s32 $0xffff, v8;
	_ =	sdelay $0x2  }
0x174: {  	v58, _, _ =	vpop (xrf0)  }
0x175: {  	v59 =	vbroadcast v22, $0x0;
	v8 =	vperm.xlane v58, v4;
	_ =	sdelay $0x1  }
0x176: {  	v8 =	vadd.s32 v59, v8;
	v60, _, _ =	vpop (xrf0)  }
0x177: {  	vm0 =	vge.s32 v7, v6;
	v7 =	vbroadcast v8, $0x0;
	v9 =	vperm.xlane v60, v4  }
0x178: {  	v61 =	vmpcnt.ones.xlane vm0;
	vm13 =	vge.s32 v22, v6  }
0x179: {  	v62 =	vmpcnt.ones.xlane vm13;
	vm14 =	vge.s32 v8, v6;
	v7 =	vadd.s32 v7, v9  }
0x17a: {  	(v2sf) =	vpush v61, $0x0;
	v63 =	vmpcnt.ones.xlane vm14;
	vm15 =	vge.s32 v7, v6  }
0x17b: {  	(v2sf) =	vpush v62, $0x0;
	v6 =	vmpcnt.ones.xlane vm15  }
0x17c: {  	(v2sf) =	vpush v63, $0x0  }
0x17d: {  	(v2sf) =	vpush v6, $0x0;
	_ =	sdelay $0xa  }
0x17e: {  	s0 =	spop (v2sf)  }
0x17f: {  	s0 =	sadd.s32 s24, s0;
	s31 =	spop (v2sf)  }
0x180: {  	s0 =	sadd.s32 s0, s31;
	s29 =	spop (v2sf)  }
0x181: {  	s0 =	sadd.s32 s0, s29;
	s30 =	spop (v2sf)  }
0x182: {  	[tilespmem:s28+$0xAD30] =	vst v8;
	s0 =	sadd.s32 s0, s30;
	s31 =	spop (v2sf)  }
0x183: {  	[tilespmem:s25+$0xAD30] =	vst v7;
	s0 =	sadd.s32 s0, s31  }
0x184: {  	v6 =	vld [tilespmem:s0+$0xAC40];
	_ =	sdelay $0x4  }
0x185: {  	v6 =	vxor.u32 $0x80000000, v6  }
0x186: {  	(xrf0) =	vmax.scan.msk.u32 $0xffff, v6;
	_ =	sdelay $0x5  }
0x187: {  	v6, _, _ =	vpop (xrf0)  }
0x188: {  	(v2sf) =	vpush v6, $0xF;
	_ =	sdelay $0xa  }
.Ltmp12:
0x189: {  	_ = 	snop;
	(pc) =	sbr.rel @p0 .LBB2_28-.Ltmp12, $2  }
0x18a: {  	_ =	sdelay $0x2  }
0x18b: {  	s25 =	simm.s32 $0x0;
	s24 =	spop (v2sf)  }
0x18c: {  	s25 =	simm.s32 $0x0  }
0x18d: {  	v6 =	vld [tilespmem:s25+$0x0];
	_ =	sdelay $0x3  }
0x18e: {  	p1 =	seq.s32 s23, $0x1  }
.Ltmp13:
0x18f: {  	s0 =	sadd.s32 $0xFFFFFFFF, s0;
	v8 =	vshrl.u32 v6, $0x10;
	(pc) =	sbr.rel @p1 .LBB2_23-.Ltmp13, $4  }
0x190: {  	v7 =	vmov s0;
	v9 =	vor.u32 s25, v0;
	v8 =	vand.u32 $0xFF, v8  }
0x191: {  	vm0 =	vlt.s32 v9, v5;
	vm1 =	vgt.s32 v8, v7;
	vm2 =	veq.s32 v8, v7  }
0x192: {  	s26 =	simm.s32 $0x4E20;
	vm1 =	vmand vm0, vm1;
	vm0 =	vmand vm0, vm2  }
0x193: {  	p0 =	por $0x0, $0x0;
	s0 =	sadd.s32 $0xFFFFFFFF, s23;
	v8 =	vld [tilespmem:s26+$0x0];
	v10 =	vmpcnt.ones.xlane vm1;
	v9 =	vmpcnt.ones.xlane vm0  }
0x194: {  	_ =	sdelay $0x1  }
0x195: {  	(v2sf) =	vpush v10, $0x0  }
0x196: {  	[tilespmem:s21+$0xAD50] =	vst.msk vm1, v6;
	(v2sf) =	vpush v9, $0x0  }
0x197: {  	[tilespmem:s21+$0xAE30] =	vst.msk vm1, v8  }
0x198: {  	[tilespmem:s25+$0x0] =	vst.msk vm0, v6  }
0x199: {  	s23 =	simm.s32 $0x10;
	[tilespmem:s25+$0x4E20] =	vst.msk vm0, v8  }
0x19a: {  	v6 =	vld [tilespmem:s23+$0x0];
	_ =	sdelay $0x4  }
0x19b: {  	p1 =	seq.s32 s0, $0x1;
	v8 =	vshrl.u32 v6, $0x10  }
.Ltmp14:
0x19c: {  	v10 =	vor.u32 s23, v0;
	v8 =	vand.u32 $0xFF, v8;
	(pc) =	sbr.rel @p1 .LBB2_25-.Ltmp14, $4  }
0x19d: {  	s30 =	simm.s32 $0x4E30;
	vm0 =	vlt.s32 v10, v5;
	vm1 =	vgt.s32 v8, v7  }
0x19e: {  	vm2 =	veq.s32 v8, v7;
	v8 =	vld [tilespmem:s30+$0x0];
	vm1 =	vmand vm0, vm1  }
0x19f: {  	s29 =	sadd.s32 $0xFFFFFFFF, s0;
	p0 =	por $0x1, $0x1;
	s26 =	smov.u32 s21;
	vm0 =	vmand vm0, vm2;
	v10 =	vmpcnt.ones.xlane vm1  }
0x1a0: {  	s28 =	simm.s32 $0x0;
	s31 =	simm.s32 $0x10;
	s0 =	spop (v2sf);
	v9 =	vmpcnt.ones.xlane vm0  }
.LBB2_26:
0x1a1: {  	p1 =	seq.s32 s29, $0x1;
	(v2sf) =	vpush v10, $0x0;
	s26 =	sadd.s32 s26, s0;
	s0 =	spop (v2sf)  }
0x1a2: {  	s29 =	sadd.s32 $0xFFFFFFFF, s29;
	[tilespmem:s26+$0xAD50] =	vst.msk vm1, v6;
	(v2sf) =	vpush v9, $0x0;
	s28 =	sadd.s32 s28, s0  }
0x1a3: {  	[tilespmem:s26+$0xAE30] =	vst.msk vm1, v8  }
0x1a4: {  	[tilespmem:s28+$0x0] =	vst.msk vm0, v6  }
0x1a5: {  	s23 =	sadd.s32 $0x10, s23;
	[tilespmem:s28+$0x4E20] =	vst.msk vm0, v8  }
0x1a6: {  	v6 =	vld [tilespmem:s23+$0x0];
	_ =	sdelay $0x4  }
0x1a7: {  	s31 =	sadd.s32 $0x10, s31;
	v8 =	vshrl.u32 v6, $0x10  }
.Ltmp15:
0x1a8: {  	v9 =	vor.u32 s31, v0;
	v8 =	vand.u32 $0xFF, v8;
	(pc) =	sbr.rel @!p1 .LBB2_26-.Ltmp15, $4  }
0x1a9: {  	s30 =	sadd.s32 $0x10, s30;
	vm0 =	vlt.s32 v9, v5;
	vm1 =	vgt.s32 v8, v7;
	vm2 =	veq.s32 v8, v7  }
0x1aa: {  	v8 =	vld [tilespmem:s30+$0x0];
	vm1 =	vmand vm0, vm1;
	vm0 =	vmand vm0, vm2  }
0x1ab: {  	v10 =	vmpcnt.ones.xlane vm1;
	v9 =	vmpcnt.ones.xlane vm0  }
0x1ac: {  	s0 =	spop (v2sf)  }
.LBB2_27:
0x1ad: {  	(v2sf) =	vpush v10, $0x0  }
0x1ae: {  	(v2sf) =	vpush v9, $0x0;
	_ =	sdelay $0xa  }
0x1af: {  	s0 =	sadd.s32 @p0 s26, s0  }
0x1b0: {  	s23 =	spop @p0 (v2sf);
	s21 =	smov.u32 @p0 s0  }
0x1b1: {  	s0 =	sadd.s32 @p0 s28, s23;
	[tilespmem:s21+$0xAD50] =	vst.msk vm1, v6  }
0x1b2: {  	s25 =	smov.u32 @p0 s0;
	[tilespmem:s21+$0xAE30] =	vst.msk vm1, v8;
	s30 =	spop (v2sf)  }
0x1b3: {  	[tilespmem:s25+$0x0] =	vst.msk vm0, v6;
	s31 =	spop (v2sf)  }
0x1b4: {  	[tilespmem:s25+$0x4E20] =	vst.msk vm0, v8;
	s21 =	sadd.s32 s21, s30;
	s25 =	sadd.s32 s25, s31  }
.LBB2_28:
0x1b5: {  	s0 =	sxor.u32 $0x80000000, s24  }
0x1b6: {  	s23 =	simm.s32 $0x40;
	s22 =	ssub.s32 s22, s0;
	s0 =	simm.s32 $0x0  }
.LBB2_29:
0x1b7: {  	p0 =	sne.s32 s23, $0x3FC0;
	[tilespmem:s0+$0x9C40] =	vst v1;
	s0 =	smov.u32 s23;
	s23 =	sadd.s32 $0x40, s23  }
.Ltmp16:
0x1b8: {  	(pc) =	sbr.rel @p0 .LBB2_29-.Ltmp16, $2  }
0x1b9: {  	_ =	sdelay $0x2  }
0x1ba: {  	s0 =	sshra.s32 s0, $0x2  }
0x1bb: {  	s23 =	sadd.s32 $0xF, s25  }
0x1bc: {  	s24 =	sand.u32 $0xF, s23  }
0x1bd: {  	s31 =	sshra.s32 s23, $0x1F;
	p1 =	slt.s32 s23, $0x1;
	p0 =	sne.s32 s24, $0x0  }
0x1be: {  	s24 =	sshrl.u32 s31, $0x1C;
	p0 =	por !p1, !p0  }
0x1bf: {  	s23 =	sadd.s32 s24, s23;
	s24 =	simm.s32 $0x1;
	p0 =	por !p0, !p0  }
0x1c0: {  	s23 =	sshra.s32 s23, $0x4;
	s24 =	simm.s32 @!p0 $0x0  }
0x1c1: {  	s23 =	ssub.s32 s23, s24  }
0x1c2: {  	p0 =	slt.s32 s23, $0x1  }
.Ltmp17:
0x1c3: {  	_ = 	snop;
	(pc) =	sbr.rel @p0 .LBB2_37-.Ltmp17, $2  }
0x1c4: {  	_ =	sdelay $0x2  }
0x1c5: {  	[tilespmem:s0+$0x9C40] =	vst v1;
	v5 =	vmov s25  }
0x1c6: {  	p2 =	seq.s32 s23, $0x1  }
.Ltmp18:
0x1c7: {  	_ = 	snop;
	(pc) =	sbr.rel @p2 .LBB2_32-.Ltmp18, $3  }
0x1c8: {  	_ =	sdelay $0x1  }
0x1c9: {  	s24 =	simm.s32 $0x0  }
0x1ca: {  	s0 =	sadd.s32 $0xFFFFFFFF, s23;
	p1 =	por $0x0, $0x0;
	v6 =	vld [tilespmem:s24+$0x0]  }
0x1cb: {  	_ =	sdelay $0x3  }
0x1cc: {  	v7 =	vor.u32 s24, v0;
	v6 =	vshrl.u32 v6, $0x8  }
0x1cd: {  	vm0 =	vlt.s32 v7, v5;
	v6 =	vand.u32 $0xFF, v6  }
0x1ce: {  	v6 =	vor.u32 v2, v6  }
0x1cf: {  	p2 =	seq.s32 s0, $0x1  }
.Ltmp19:
0x1d0: {  	_ = 	snop;
	(pc) =	sbr.rel @p2 .LBB2_34-.Ltmp19, $3  }
0x1d1: {  	_ =	sdelay $0x1  }
0x1d2: {  	s26 =	simm.s32 $0x10;
	[tilespmem:v6+s11+$0x0] =	vst.idx.add.s32.msk vm0, v3  }
0x1d3: {  	s28 =	sadd.s32 $0xFFFFFFFF, s0;
	p1 =	por $0x1, $0x1;
	s25 =	simm.s32 $0x0;
	v6 =	vld [tilespmem:s26+$0x0]  }
.LBB2_35:
0x1d4: {  	p2 =	seq.s32 s28, $0x1;
	_ =	sdelay $0x2  }
0x1d5: {  	s25 =	sadd.s32 $0x10, s25  }
0x1d6: {  	v7 =	vor.u32 s25, v0;
	v6 =	vshrl.u32 v6, $0x8  }
0x1d7: {  	vm0 =	vlt.s32 v7, v5;
	v6 =	vand.u32 $0xFF, v6  }
0x1d8: {  	v6 =	vor.u32 v2, v6;
	_ =	sdelay $0x1  }
.Ltmp20:
0x1d9: {  	(pc) =	sbr.rel @!p2 .LBB2_35-.Ltmp20, $3  }
0x1da: {  	_ =	sdelay $0x1  }
0x1db: {  	s26 =	sadd.s32 $0x10, s26;
	[tilespmem:v6+s11+$0x0] =	vst.idx.add.s32.msk vm0, v3  }
0x1dc: {  	s28 =	sadd.s32 $0xFFFFFFFF, s28;
	v6 =	vld [tilespmem:s26+$0x0]  }
.LBB2_36:
0x1dd: {  	_ =	sdelay $0x1  }
0x1de: {  	s0 =	sadd.s32 @p1 $0x10, s25  }
0x1df: {  	s24 =	smov.u32 @p1 s0  }
0x1e0: {  	v7 =	vor.u32 s24, v0;
	v6 =	vshrl.u32 v6, $0x8  }
0x1e1: {  	vm0 =	vlt.s32 v7, v5;
	v6 =	vand.u32 $0xFF, v6  }
0x1e2: {  	v6 =	vor.u32 v2, v6;
	_ =	sdelay $0x4  }
0x1e3: {  	[tilespmem:v6+s11+$0x0] =	vst.idx.add.s32.msk vm0, v3  }
.LBB2_37:
0x1e4: {  	s28 =	simm.s32 $0x0  }
0x1e5: {  	v8 =	vld [tilespmem:s28+$0x9D30]  }
0x1e6: {  	v9 =	vld [tilespmem:s28+$0x9E30]  }
0x1e7: {  	v10 =	vld [tilespmem:s28+$0x9F30]  }
0x1e8: {  	v11 =	vld [tilespmem:s28+$0xA030]  }
0x1e9: {  	v12 =	vld [tilespmem:s28+$0xA130]  }
0x1ea: {  	v13 =	vld [tilespmem:s28+$0xA230]  }
0x1eb: {  	v14 =	vld [tilespmem:s28+$0xA330]  }
0x1ec: {  	v8 =	vadd.s32 v8, v9;
	v9 =	vld [tilespmem:s28+$0xA430]  }
0x1ed: {  	v8 =	vadd.s32 v10, v8;
	v10 =	vld [tilespmem:s28+$0xA530]  }
0x1ee: {  	v8 =	vadd.s32 v11, v8;
	v11 =	vld [tilespmem:s28+$0xA630]  }
0x1ef: {  	v8 =	vadd.s32 v12, v8;
	v12 =	vld [tilespmem:s28+$0xA730]  }
0x1f0: {  	v8 =	vadd.s32 v13, v8;
	v13 =	vld [tilespmem:s28+$0xA830]  }
0x1f1: {  	v8 =	vadd.s32 v14, v8;
	v14 =	vld [tilespmem:s28+$0xA930]  }
0x1f2: {  	v8 =	vadd.s32 v9, v8;
	v9 =	vld [tilespmem:s28+$0xAA30]  }
0x1f3: {  	v8 =	vadd.s32 v10, v8;
	v10 =	vld [tilespmem:s28+$0xAB30]  }
0x1f4: {  	s25 =	simm.s32 $0xFFFFFFF0;
	v8 =	vadd.s32 v11, v8;
	v11 =	vld [tilespmem:s28+$0xAC30]  }
0x1f5: {  	v8 =	vadd.s32 v12, v8;
	v12 =	vld [tilespmem:s25+$0x9D30]  }
0x1f6: {  	v8 =	vadd.s32 v13, v8;
	v13 =	vld [tilespmem:s25+$0x9E30]  }
0x1f7: {  	v8 =	vadd.s32 v14, v8;
	v14 =	vld [tilespmem:s25+$0x9F30]  }
0x1f8: {  	v8 =	vadd.s32 v9, v8;
	v9 =	vld [tilespmem:s25+$0xA030]  }
0x1f9: {  	v8 =	vadd.s32 v10, v8;
	v10 =	vld [tilespmem:s25+$0xA130]  }
0x1fa: {  	v8 =	vadd.s32 v11, v8;
	v11 =	vld [tilespmem:s25+$0xA230]  }
0x1fb: {  	v15 =	vld [tilespmem:s25+$0xA330];
	v12 =	vadd.s32 v12, v13  }
0x1fc: {  	v8 =	vperm.xlane v8, v4;
	v13 =	vld [tilespmem:s25+$0xA430];
	v12 =	vadd.s32 v14, v12  }
0x1fd: {  	v9 =	vadd.s32 v9, v12  }
0x1fe: {  	(xrf0) =	vadd.scan.msk.s32 $0xffff, v8;
	v9 =	vadd.s32 v10, v9  }
0x1ff: {  	v8 =	vld [tilespmem:s25+$0xA530];
	v9 =	vadd.s32 v11, v9  }
0x200: {  	v14 =	vld [tilespmem:s25+$0xA930];
	v9 =	vadd.s32 v15, v9  }
0x201: {  	v12 =	vld [tilespmem:s25+$0xA630];
	v9 =	vadd.s32 v13, v9  }
0x202: {  	v10 =	vld [tilespmem:s25+$0xA730]  }
0x203: {  	v11 =	vld [tilespmem:s25+$0xA830]  }
0x204: {  	v15 =	vld [tilespmem:s25+$0xAB30];
	v8 =	vadd.s32 v8, v9;
	v9, _, _ =	vpop (xrf0)  }
0x205: {  	v13 =	vld [tilespmem:s25+$0xAA30];
	v9 =	vperm.xlane v9, v4  }
0x206: {  	v7 =	vimm.s32 $0x0;
	s26 =	simm.s32 $0xFFFFFFE0;
	v8 =	vadd.s32 v12, v8;
	v12 =	vld [tilespmem:s25+$0xAC30]  }
0x207: {  	v8 =	vadd.s32 v10, v8;
	v10 =	vld [tilespmem:s26+$0x9D30];
	v7 =	vadd.s32 v7, v9  }
0x208: {  	v8 =	vadd.s32 v11, v8;
	v9 =	vld [tilespmem:s26+$0x9E30];
	[tilespmem:s28+$0xAD30] =	vst v7  }
0x209: {  	v8 =	vadd.s32 v14, v8;
	v11 =	vld [tilespmem:s26+$0x9F30]  }
0x20a: {  	v8 =	vadd.s32 v13, v8;
	v13 =	vld [tilespmem:s26+$0xA030]  }
0x20b: {  	v8 =	vadd.s32 v15, v8;
	v14 =	vld [tilespmem:s26+$0xA130]  }
0x20c: {  	v8 =	vadd.s32 v12, v8  }
0x20d: {  	v8 =	vperm.xlane v8, v4;
	v9 =	vadd.s32 v10, v9  }
0x20e: {  	v6 =	vmov s22;
	v9 =	vadd.s32 v11, v9  }
0x20f: {  	vm0 =	vge.s32 v7, v6;
	(xrf0) =	vadd.scan.msk.s32 $0xffff, v8;
	v8 =	vadd.s32 v13, v9  }
0x210: {  	v8 =	vadd.s32 v14, v8;
	v14 =	vmpcnt.ones.xlane vm0;
	_ =	sdelay $0x1  }
0x211: {  	(v2sf) =	vpush v14, $0x0  }
0x212: {  	v15 =	vld [tilespmem:s26+$0xA230]  }
0x213: {  	v10 =	vld [tilespmem:s26+$0xA330]  }
0x214: {  	v16 =	vld [tilespmem:s26+$0xA430]  }
0x215: {  	v13 =	vld [tilespmem:s26+$0xA530]  }
0x216: {  	v12 =	vld [tilespmem:s26+$0xA630]  }
0x217: {  	v11 =	vld [tilespmem:s26+$0xA730];
	v8 =	vadd.s32 v15, v8  }
0x218: {  	v9 =	vld [tilespmem:s26+$0xA830];
	v8 =	vadd.s32 v10, v8  }
0x219: {  	s24 =	simm.s32 $0x0;
	v10 =	vadd.s32 v16, v8;
	v8 =	vld [tilespmem:s26+$0xA930]  }
0x21a: {  	s29 =	simm.s32 $0xFFFFFF00;
	s30 =	simm.s32 $0xFFFFFEC0;
	s28 =	simm.s32 $0xFFFFFF40;
	v7 =	vbroadcast v7, $0x0;
	v13 =	vadd.s32 v13, v10;
	v10 =	vld [tilespmem:s26+$0xAA30];
	v14, _, _ =	vpop (xrf0)  }
.LBB2_38:
0x21b: {  	p1 =	sne.s32 s30, $0xFFFFFC40;
	v12 =	vadd.s32 v12, v13;
	v13 =	vld [tilespmem:s26+$0xAB30];
	v14 =	vperm.xlane v14, v4  }
0x21c: {  	s0 =	sshra.s32 s28, $0x2;
	s28 =	smov.u32 s29;
	s29 =	smov.u32 s30;
	v11 =	vadd.s32 v11, v12;
	v12 =	vld [tilespmem:s26+$0xAC30]  }
0x21d: {  	v15 =	vld [tilespmem:s0+$0x9D30];
	v9 =	vadd.s32 v9, v11;
	v11 =	vadd.s32 v7, v14  }
0x21e: {  	v14 =	vld [tilespmem:s0+$0x9E30];
	v8 =	vadd.s32 v8, v9;
	[tilespmem:s25+$0xAD30] =	vst v11;
	v7 =	vbroadcast v11, $0x0;
	vm0 =	vge.s32 v11, v6;
	s25 =	smov.u32 s26;
	s26 =	smov.u32 s0  }
0x21f: {  	v9 =	vld [tilespmem:s26+$0x9F30];
	v8 =	vadd.s32 v10, v8;
	v10 =	vmpcnt.ones.xlane vm0  }
0x220: {  	v11 =	vld [tilespmem:s26+$0xA030];
	v8 =	vadd.s32 v13, v8;
	s0 =	spop (v2sf)  }
0x221: {  	v13 =	vld [tilespmem:s26+$0xA130];
	v8 =	vadd.s32 v12, v8;
	(v2sf) =	vpush v10, $0x0;
	s24 =	sadd.s32 s24, s0  }
0x222: {  	v10 =	vld [tilespmem:s26+$0xA230];
	v8 =	vperm.xlane v8, v4  }
0x223: {  	v12 =	vadd.s32 v15, v14;
	v14 =	vld [tilespmem:s26+$0xA330]  }
0x224: {  	v9 =	vadd.s32 v9, v12;
	v15 =	vld [tilespmem:s26+$0xA430];
	(xrf0) =	vadd.scan.msk.s32 $0xffff, v8  }
0x225: {  	v8 =	vadd.s32 v11, v9;
	v16 =	vld [tilespmem:s26+$0xA530]  }
.Ltmp21:
0x226: {  	v8 =	vadd.s32 v13, v8;
	v12 =	vld [tilespmem:s26+$0xA630];
	(pc) =	sbr.rel @p1 .LBB2_38-.Ltmp21, $4  }
0x227: {  	v8 =	vadd.s32 v10, v8;
	v11 =	vld [tilespmem:s26+$0xA730]  }
0x228: {  	v8 =	vadd.s32 v14, v8;
	v9 =	vld [tilespmem:s26+$0xA830]  }
0x229: {  	v10 =	vadd.s32 v15, v8;
	v8 =	vld [tilespmem:s26+$0xA930]  }
0x22a: {  	s30 =	sadd.s32 $0xFFFFFFC0, s30;
	v13 =	vadd.s32 v16, v10;
	v10 =	vld [tilespmem:s26+$0xAA30];
	v14, _, _ =	vpop (xrf0)  }
0x22b: {  	v15 =	vld [tilespmem:s26+$0xAB30];
	v14 =	vperm.xlane v14, v4;
	v12 =	vadd.s32 v12, v13  }
0x22c: {  	s28 =	sshra.s32 s28, $0x2;
	v16 =	vld [tilespmem:s26+$0xAC30];
	v11 =	vadd.s32 v11, v12  }
0x22d: {  	v32 =	vld [tilespmem:s28+$0x9D30];
	v7 =	vadd.s32 v7, v14;
	v9 =	vadd.s32 v9, v11  }
0x22e: {  	v33 =	vld [tilespmem:s28+$0x9E30];
	[tilespmem:s25+$0xAD30] =	vst v7;
	v8 =	vadd.s32 v8, v9  }
0x22f: {  	v34 =	vld [tilespmem:s28+$0x9F30];
	v8 =	vadd.s32 v10, v8  }
0x230: {  	v35 =	vld [tilespmem:s28+$0xA030];
	v8 =	vadd.s32 v15, v8  }
0x231: {  	v36 =	vld [tilespmem:s28+$0xA130];
	v8 =	vadd.s32 v16, v8  }
0x232: {  	v37 =	vld [tilespmem:s28+$0xA230];
	v8 =	vperm.xlane v8, v4  }
0x233: {  	v38 =	vld [tilespmem:s28+$0xA330]  }
0x234: {  	v39 =	vld [tilespmem:s28+$0xA430];
	(xrf0) =	vadd.scan.msk.s32 $0xffff, v8  }
0x235: {  	v40 =	vld [tilespmem:s28+$0xA530]  }
0x236: {  	v17 =	vld [tilespmem:s28+$0xA630]  }
0x237: {  	v18 =	vld [tilespmem:s28+$0xA730]  }
0x238: {  	v19 =	vld [tilespmem:s28+$0xA830]  }
0x239: {  	v20 =	vld [tilespmem:s28+$0xA930]  }
0x23a: {  	v21 =	vld [tilespmem:s28+$0xAA30];
	v22, _, _ =	vpop (xrf0)  }
0x23b: {  	v24 =	vbroadcast v7, $0x0;
	v23 =	vld [tilespmem:s28+$0xAB30];
	v22 =	vperm.xlane v22, v4  }
0x23c: {  	s25 =	sshra.s32 s29, $0x2;
	v25 =	vld [tilespmem:s28+$0xAC30]  }
0x23d: {  	v26 =	vld [tilespmem:s25+$0x9D30];
	v22 =	vadd.s32 v24, v22  }
0x23e: {  	v41 =	vld [tilespmem:s25+$0x9E30];
	[tilespmem:s26+$0xAD30] =	vst v22  }
0x23f: {  	v27 =	vld [tilespmem:s25+$0x9F30]  }
0x240: {  	v12 =	vadd.s32 v32, v33;
	v42 =	vld [tilespmem:s25+$0xA030]  }
0x241: {  	v9 =	vadd.s32 v34, v12;
	v43 =	vld [tilespmem:s25+$0xA130]  }
0x242: {  	v9 =	vadd.s32 v35, v9;
	v44 =	vld [tilespmem:s25+$0xA230]  }
0x243: {  	v45 =	vadd.s32 v26, v41;
	v9 =	vadd.s32 v36, v9;
	v46 =	vld [tilespmem:s25+$0xA330]  }
0x244: {  	v9 =	vadd.s32 v37, v9;
	v47 =	vld [tilespmem:s25+$0xA430];
	v11 =	vadd.s32 v27, v45  }
0x245: {  	v9 =	vadd.s32 v38, v9;
	v48 =	vld [tilespmem:s25+$0xA530];
	v11 =	vadd.s32 v42, v11  }
0x246: {  	v9 =	vadd.s32 v39, v9;
	v49 =	vld [tilespmem:s25+$0xA630];
	v11 =	vadd.s32 v43, v11  }
0x247: {  	v8 =	vadd.s32 v40, v9;
	v51 =	vld [tilespmem:s25+$0xA730];
	v50 =	vadd.s32 v44, v11  }
0x248: {  	v8 =	vadd.s32 v17, v8;
	v52 =	vld [tilespmem:s25+$0xA830];
	v9 =	vadd.s32 v46, v50  }
0x249: {  	v8 =	vadd.s32 v18, v8;
	v53 =	vld [tilespmem:s25+$0xA930];
	v9 =	vadd.s32 v47, v9  }
0x24a: {  	v8 =	vadd.s32 v19, v8;
	v54 =	vld [tilespmem:s25+$0xAA30];
	v9 =	vadd.s32 v48, v9  }
0x24b: {  	v8 =	vadd.s32 v20, v8;
	v55 =	vld [tilespmem:s25+$0xAB30];
	v9 =	vadd.s32 v49, v9  }
0x24c: {  	v8 =	vadd.s32 v21, v8;
	v56 =	vld [tilespmem:s25+$0xAC30];
	v9 =	vadd.s32 v51, v9  }
0x24d: {  	v8 =	vadd.s32 v23, v8;
	v9 =	vadd.s32 v52, v9  }
0x24e: {  	v8 =	vadd.s32 v25, v8;
	v9 =	vadd.s32 v53, v9  }
0x24f: {  	v8 =	vperm.xlane v8, v4;
	v9 =	vadd.s32 v54, v9  }
0x250: {  	v9 =	vadd.s32 v55, v9  }
0x251: {  	(xrf0) =	vadd.scan.msk.s32 $0xffff, v8;
	v57 =	vadd.s32 v56, v9  }
0x252: {  	v8 =	vperm.xlane v57, v4;
	_ =	sdelay $0x1  }
0x253: {  	(xrf0) =	vadd.scan.msk.s32 $0xffff, v8;
	_ =	sdelay $0x2  }
0x254: {  	v58, _, _ =	vpop (xrf0)  }
0x255: {  	v59 =	vbroadcast v22, $0x0;
	v8 =	vperm.xlane v58, v4;
	_ =	sdelay $0x1  }
0x256: {  	v8 =	vadd.s32 v59, v8;
	v60, _, _ =	vpop (xrf0)  }
0x257: {  	vm0 =	vge.s32 v7, v6;
	v7 =	vbroadcast v8, $0x0;
	v9 =	vperm.xlane v60, v4  }
0x258: {  	v61 =	vmpcnt.ones.xlane vm0;
	vm13 =	vge.s32 v22, v6  }
0x259: {  	v62 =	vmpcnt.ones.xlane vm13;
	vm14 =	vge.s32 v8, v6;
	v7 =	vadd.s32 v7, v9  }
0x25a: {  	(v2sf) =	vpush v61, $0x0;
	v63 =	vmpcnt.ones.xlane vm14;
	vm15 =	vge.s32 v7, v6  }
0x25b: {  	(v2sf) =	vpush v62, $0x0;
	v6 =	vmpcnt.ones.xlane vm15  }
0x25c: {  	(v2sf) =	vpush v63, $0x0  }
0x25d: {  	(v2sf) =	vpush v6, $0x0;
	_ =	sdelay $0xa  }
0x25e: {  	s0 =	spop (v2sf)  }
0x25f: {  	s0 =	sadd.s32 s24, s0;
	s31 =	spop (v2sf)  }
0x260: {  	s0 =	sadd.s32 s0, s31;
	s29 =	spop (v2sf)  }
0x261: {  	s0 =	sadd.s32 s0, s29;
	s30 =	spop (v2sf)  }
0x262: {  	[tilespmem:s28+$0xAD30] =	vst v8;
	s0 =	sadd.s32 s0, s30;
	s31 =	spop (v2sf)  }
0x263: {  	[tilespmem:s25+$0xAD30] =	vst v7;
	s0 =	sadd.s32 s0, s31  }
0x264: {  	v6 =	vld [tilespmem:s0+$0xAC40];
	_ =	sdelay $0x4  }
0x265: {  	v6 =	vxor.u32 $0x80000000, v6  }
0x266: {  	(xrf0) =	vmax.scan.msk.u32 $0xffff, v6;
	_ =	sdelay $0x5  }
0x267: {  	v6, _, _ =	vpop (xrf0)  }
0x268: {  	(v2sf) =	vpush v6, $0xF;
	_ =	sdelay $0xa  }
.Ltmp22:
0x269: {  	_ = 	snop;
	(pc) =	sbr.rel @p0 .LBB2_46-.Ltmp22, $2  }
0x26a: {  	_ =	sdelay $0x2  }
0x26b: {  	s25 =	simm.s32 $0x0;
	s24 =	spop (v2sf)  }
0x26c: {  	s25 =	simm.s32 $0x0  }
0x26d: {  	v6 =	vld [tilespmem:s25+$0x0];
	_ =	sdelay $0x3  }
0x26e: {  	p1 =	seq.s32 s23, $0x1  }
.Ltmp23:
0x26f: {  	s0 =	sadd.s32 $0xFFFFFFFF, s0;
	v8 =	vshrl.u32 v6, $0x8;
	(pc) =	sbr.rel @p1 .LBB2_41-.Ltmp23, $4  }
0x270: {  	v7 =	vmov s0;
	v9 =	vor.u32 s25, v0;
	v8 =	vand.u32 $0xFF, v8  }
0x271: {  	vm0 =	vlt.s32 v9, v5;
	vm1 =	vgt.s32 v8, v7;
	vm2 =	veq.s32 v8, v7  }
0x272: {  	s26 =	simm.s32 $0x4E20;
	vm1 =	vmand vm0, vm1;
	vm0 =	vmand vm0, vm2  }
0x273: {  	p0 =	por $0x0, $0x0;
	s0 =	sadd.s32 $0xFFFFFFFF, s23;
	v8 =	vld [tilespmem:s26+$0x0];
	v10 =	vmpcnt.ones.xlane vm1;
	v9 =	vmpcnt.ones.xlane vm0  }
0x274: {  	_ =	sdelay $0x1  }
0x275: {  	(v2sf) =	vpush v10, $0x0  }
0x276: {  	[tilespmem:s21+$0xAD50] =	vst.msk vm1, v6;
	(v2sf) =	vpush v9, $0x0  }
0x277: {  	[tilespmem:s21+$0xAE30] =	vst.msk vm1, v8  }
0x278: {  	[tilespmem:s25+$0x0] =	vst.msk vm0, v6  }
0x279: {  	s23 =	simm.s32 $0x10;
	[tilespmem:s25+$0x4E20] =	vst.msk vm0, v8  }
0x27a: {  	v6 =	vld [tilespmem:s23+$0x0];
	_ =	sdelay $0x4  }
0x27b: {  	p1 =	seq.s32 s0, $0x1;
	v8 =	vshrl.u32 v6, $0x8  }
.Ltmp24:
0x27c: {  	v10 =	vor.u32 s23, v0;
	v8 =	vand.u32 $0xFF, v8;
	(pc) =	sbr.rel @p1 .LBB2_43-.Ltmp24, $4  }
0x27d: {  	s30 =	simm.s32 $0x4E30;
	vm0 =	vlt.s32 v10, v5;
	vm1 =	vgt.s32 v8, v7  }
0x27e: {  	vm2 =	veq.s32 v8, v7;
	v8 =	vld [tilespmem:s30+$0x0];
	vm1 =	vmand vm0, vm1  }
0x27f: {  	s29 =	sadd.s32 $0xFFFFFFFF, s0;
	p0 =	por $0x1, $0x1;
	s26 =	smov.u32 s21;
	vm0 =	vmand vm0, vm2;
	v10 =	vmpcnt.ones.xlane vm1  }
0x280: {  	s28 =	simm.s32 $0x0;
	s31 =	simm.s32 $0x10;
	s0 =	spop (v2sf);
	v9 =	vmpcnt.ones.xlane vm0  }
.LBB2_44:
0x281: {  	p1 =	seq.s32 s29, $0x1;
	(v2sf) =	vpush v10, $0x0;
	s26 =	sadd.s32 s26, s0;
	s0 =	spop (v2sf)  }
0x282: {  	s29 =	sadd.s32 $0xFFFFFFFF, s29;
	[tilespmem:s26+$0xAD50] =	vst.msk vm1, v6;
	(v2sf) =	vpush v9, $0x0;
	s28 =	sadd.s32 s28, s0  }
0x283: {  	[tilespmem:s26+$0xAE30] =	vst.msk vm1, v8  }
0x284: {  	[tilespmem:s28+$0x0] =	vst.msk vm0, v6  }
0x285: {  	s23 =	sadd.s32 $0x10, s23;
	[tilespmem:s28+$0x4E20] =	vst.msk vm0, v8  }
0x286: {  	v6 =	vld [tilespmem:s23+$0x0];
	_ =	sdelay $0x4  }
0x287: {  	s31 =	sadd.s32 $0x10, s31;
	v8 =	vshrl.u32 v6, $0x8  }
.Ltmp25:
0x288: {  	v9 =	vor.u32 s31, v0;
	v8 =	vand.u32 $0xFF, v8;
	(pc) =	sbr.rel @!p1 .LBB2_44-.Ltmp25, $4  }
0x289: {  	s30 =	sadd.s32 $0x10, s30;
	vm0 =	vlt.s32 v9, v5;
	vm1 =	vgt.s32 v8, v7;
	vm2 =	veq.s32 v8, v7  }
0x28a: {  	v8 =	vld [tilespmem:s30+$0x0];
	vm1 =	vmand vm0, vm1;
	vm0 =	vmand vm0, vm2  }
0x28b: {  	v10 =	vmpcnt.ones.xlane vm1;
	v9 =	vmpcnt.ones.xlane vm0  }
0x28c: {  	s0 =	spop (v2sf)  }
.LBB2_45:
0x28d: {  	(v2sf) =	vpush v10, $0x0  }
0x28e: {  	(v2sf) =	vpush v9, $0x0;
	_ =	sdelay $0xa  }
0x28f: {  	s0 =	sadd.s32 @p0 s26, s0  }
0x290: {  	s23 =	spop @p0 (v2sf);
	s21 =	smov.u32 @p0 s0  }
0x291: {  	s0 =	sadd.s32 @p0 s28, s23;
	[tilespmem:s21+$0xAD50] =	vst.msk vm1, v6  }
0x292: {  	s25 =	smov.u32 @p0 s0;
	[tilespmem:s21+$0xAE30] =	vst.msk vm1, v8;
	s30 =	spop (v2sf)  }
0x293: {  	[tilespmem:s25+$0x0] =	vst.msk vm0, v6;
	s31 =	spop (v2sf)  }
0x294: {  	[tilespmem:s25+$0x4E20] =	vst.msk vm0, v8;
	s21 =	sadd.s32 s21, s30;
	s25 =	sadd.s32 s25, s31  }
.LBB2_46:
0x295: {  	s0 =	sxor.u32 $0x80000000, s24  }
0x296: {  	s23 =	simm.s32 $0x40;
	s22 =	ssub.s32 s22, s0;
	s0 =	simm.s32 $0x0  }
.LBB2_47:
0x297: {  	p0 =	sne.s32 s23, $0x3FC0;
	[tilespmem:s0+$0x9C40] =	vst v1;
	s0 =	smov.u32 s23;
	s23 =	sadd.s32 $0x40, s23  }
.Ltmp26:
0x298: {  	(pc) =	sbr.rel @p0 .LBB2_47-.Ltmp26, $2  }
0x299: {  	_ =	sdelay $0x2  }
0x29a: {  	s0 =	sshra.s32 s0, $0x2  }
0x29b: {  	s23 =	sadd.s32 $0xF, s25  }
0x29c: {  	s24 =	sand.u32 $0xF, s23  }
0x29d: {  	s31 =	sshra.s32 s23, $0x1F;
	p1 =	slt.s32 s23, $0x1;
	p0 =	sne.s32 s24, $0x0  }
0x29e: {  	s24 =	sshrl.u32 s31, $0x1C;
	p0 =	por !p1, !p0  }
0x29f: {  	s23 =	sadd.s32 s24, s23;
	s24 =	simm.s32 $0x1;
	p0 =	por !p0, !p0  }
0x2a0: {  	s23 =	sshra.s32 s23, $0x4;
	s24 =	simm.s32 @!p0 $0x0  }
0x2a1: {  	s23 =	ssub.s32 s23, s24  }
0x2a2: {  	p0 =	slt.s32 s23, $0x1  }
.Ltmp27:
0x2a3: {  	_ = 	snop;
	(pc) =	sbr.rel @p0 .LBB2_55-.Ltmp27, $2  }
0x2a4: {  	_ =	sdelay $0x2  }
0x2a5: {  	[tilespmem:s0+$0x9C40] =	vst v1;
	v5 =	vmov s25  }
0x2a6: {  	p2 =	seq.s32 s23, $0x1  }
.Ltmp28:
0x2a7: {  	_ = 	snop;
	(pc) =	sbr.rel @p2 .LBB2_50-.Ltmp28, $3  }
0x2a8: {  	_ =	sdelay $0x1  }
0x2a9: {  	s24 =	simm.s32 $0x0  }
0x2aa: {  	s0 =	sadd.s32 $0xFFFFFFFF, s23;
	p1 =	por $0x0, $0x0;
	v6 =	vld [tilespmem:s24+$0x0]  }
0x2ab: {  	_ =	sdelay $0x2  }
0x2ac: {  	v7 =	vor.u32 s24, v0  }
0x2ad: {  	vm0 =	vlt.s32 v7, v5;
	v6 =	vand.u32 $0xFF, v6  }
0x2ae: {  	v6 =	vor.u32 v2, v6  }
0x2af: {  	p2 =	seq.s32 s0, $0x1  }
.Ltmp29:
0x2b0: {  	_ = 	snop;
	(pc) =	sbr.rel @p2 .LBB2_52-.Ltmp29, $3  }
0x2b1: {  	_ =	sdelay $0x1  }
0x2b2: {  	s26 =	simm.s32 $0x10;
	[tilespmem:v6+s11+$0x0] =	vst.idx.add.s32.msk vm0, v3  }
0x2b3: {  	s0 =	sadd.s32 $0xFFFFFFFF, s0;
	p1 =	por $0x1, $0x1;
	s25 =	simm.s32 $0x0;
	v6 =	vld [tilespmem:s26+$0x0]  }
.LBB2_53:
0x2b4: {  	p2 =	seq.s32 s0, $0x1;
	_ =	sdelay $0x1  }
0x2b5: {  	s25 =	sadd.s32 $0x10, s25  }
0x2b6: {  	v7 =	vor.u32 s25, v0  }
0x2b7: {  	vm0 =	vlt.s32 v7, v5;
	v6 =	vand.u32 $0xFF, v6  }
0x2b8: {  	v6 =	vor.u32 v2, v6;
	_ =	sdelay $0x1  }
.Ltmp30:
0x2b9: {  	(pc) =	sbr.rel @!p2 .LBB2_53-.Ltmp30, $3  }
0x2ba: {  	_ =	sdelay $0x1  }
0x2bb: {  	s26 =	sadd.s32 $0x10, s26;
	[tilespmem:v6+s11+$0x0] =	vst.idx.add.s32.msk vm0, v3  }
0x2bc: {  	s0 =	sadd.s32 $0xFFFFFFFF, s0;
	v6 =	vld [tilespmem:s26+$0x0]  }
.LBB2_54:
0x2bd: {  	_ = 	snop  }
0x2be: {  	s0 =	sadd.s32 @p1 $0x10, s25  }
0x2bf: {  	s24 =	smov.u32 @p1 s0  }
0x2c0: {  	v7 =	vor.u32 s24, v0  }
0x2c1: {  	vm0 =	vlt.s32 v7, v5;
	v6 =	vand.u32 $0xFF, v6  }
0x2c2: {  	v6 =	vor.u32 v2, v6;
	_ =	sdelay $0x4  }
0x2c3: {  	[tilespmem:v6+s11+$0x0] =	vst.idx.add.s32.msk vm0, v3  }
.LBB2_55:
0x2c4: {  	s28 =	simm.s32 $0x0  }
0x2c5: {  	v8 =	vld [tilespmem:s28+$0x9D30]  }
0x2c6: {  	v9 =	vld [tilespmem:s28+$0x9E30]  }
0x2c7: {  	v10 =	vld [tilespmem:s28+$0x9F30]  }
0x2c8: {  	v11 =	vld [tilespmem:s28+$0xA030]  }
0x2c9: {  	v12 =	vld [tilespmem:s28+$0xA130]  }
0x2ca: {  	v13 =	vld [tilespmem:s28+$0xA230]  }
0x2cb: {  	v14 =	vld [tilespmem:s28+$0xA330]  }
0x2cc: {  	v8 =	vadd.s32 v8, v9;
	v9 =	vld [tilespmem:s28+$0xA430]  }
0x2cd: {  	v8 =	vadd.s32 v10, v8;
	v10 =	vld [tilespmem:s28+$0xA530]  }
0x2ce: {  	v8 =	vadd.s32 v11, v8;
	v11 =	vld [tilespmem:s28+$0xA630]  }
0x2cf: {  	v8 =	vadd.s32 v12, v8;
	v12 =	vld [tilespmem:s28+$0xA730]  }
0x2d0: {  	v8 =	vadd.s32 v13, v8;
	v13 =	vld [tilespmem:s28+$0xA830]  }
0x2d1: {  	v8 =	vadd.s32 v14, v8;
	v14 =	vld [tilespmem:s28+$0xA930]  }
0x2d2: {  	v8 =	vadd.s32 v9, v8;
	v9 =	vld [tilespmem:s28+$0xAA30]  }
0x2d3: {  	v8 =	vadd.s32 v10, v8;
	v10 =	vld [tilespmem:s28+$0xAB30]  }
0x2d4: {  	s25 =	simm.s32 $0xFFFFFFF0;
	v8 =	vadd.s32 v11, v8;
	v11 =	vld [tilespmem:s28+$0xAC30]  }
0x2d5: {  	v8 =	vadd.s32 v12, v8;
	v12 =	vld [tilespmem:s25+$0x9D30]  }
0x2d6: {  	v8 =	vadd.s32 v13, v8;
	v13 =	vld [tilespmem:s25+$0x9E30]  }
0x2d7: {  	v8 =	vadd.s32 v14, v8;
	v14 =	vld [tilespmem:s25+$0x9F30]  }
0x2d8: {  	v8 =	vadd.s32 v9, v8;
	v9 =	vld [tilespmem:s25+$0xA030]  }
0x2d9: {  	v8 =	vadd.s32 v10, v8;
	v10 =	vld [tilespmem:s25+$0xA130]  }
0x2da: {  	v8 =	vadd.s32 v11, v8;
	v11 =	vld [tilespmem:s25+$0xA230]  }
0x2db: {  	v15 =	vld [tilespmem:s25+$0xA330];
	v12 =	vadd.s32 v12, v13  }
0x2dc: {  	v8 =	vperm.xlane v8, v4;
	v13 =	vld [tilespmem:s25+$0xA430];
	v12 =	vadd.s32 v14, v12  }
0x2dd: {  	v9 =	vadd.s32 v9, v12  }
0x2de: {  	(xrf0) =	vadd.scan.msk.s32 $0xffff, v8;
	v9 =	vadd.s32 v10, v9  }
0x2df: {  	v8 =	vld [tilespmem:s25+$0xA530];
	v9 =	vadd.s32 v11, v9  }
0x2e0: {  	v14 =	vld [tilespmem:s25+$0xA930];
	v9 =	vadd.s32 v15, v9  }
0x2e1: {  	v12 =	vld [tilespmem:s25+$0xA630];
	v9 =	vadd.s32 v13, v9  }
0x2e2: {  	v10 =	vld [tilespmem:s25+$0xA730]  }
0x2e3: {  	v11 =	vld [tilespmem:s25+$0xA830]  }
0x2e4: {  	v15 =	vld [tilespmem:s25+$0xAB30];
	v8 =	vadd.s32 v8, v9;
	v9, _, _ =	vpop (xrf0)  }
0x2e5: {  	v13 =	vld [tilespmem:s25+$0xAA30];
	v9 =	vperm.xlane v9, v4  }
0x2e6: {  	v7 =	vimm.s32 $0x0;
	s26 =	simm.s32 $0xFFFFFFE0;
	v8 =	vadd.s32 v12, v8;
	v12 =	vld [tilespmem:s25+$0xAC30]  }
0x2e7: {  	v8 =	vadd.s32 v10, v8;
	v10 =	vld [tilespmem:s26+$0x9D30];
	v7 =	vadd.s32 v7, v9  }
0x2e8: {  	v8 =	vadd.s32 v11, v8;
	v9 =	vld [tilespmem:s26+$0x9E30];
	[tilespmem:s28+$0xAD30] =	vst v7  }
0x2e9: {  	v8 =	vadd.s32 v14, v8;
	v11 =	vld [tilespmem:s26+$0x9F30]  }
0x2ea: {  	v8 =	vadd.s32 v13, v8;
	v13 =	vld [tilespmem:s26+$0xA030]  }
0x2eb: {  	v8 =	vadd.s32 v15, v8;
	v14 =	vld [tilespmem:s26+$0xA130]  }
0x2ec: {  	v8 =	vadd.s32 v12, v8  }
0x2ed: {  	v8 =	vperm.xlane v8, v4;
	v9 =	vadd.s32 v10, v9  }
0x2ee: {  	v6 =	vmov s22;
	v9 =	vadd.s32 v11, v9  }
0x2ef: {  	vm0 =	vge.s32 v7, v6;
	(xrf0) =	vadd.scan.msk.s32 $0xffff, v8;
	v8 =	vadd.s32 v13, v9  }
0x2f0: {  	v8 =	vadd.s32 v14, v8;
	v14 =	vmpcnt.ones.xlane vm0;
	_ =	sdelay $0x1  }
0x2f1: {  	(v2sf) =	vpush v14, $0x0  }
0x2f2: {  	v15 =	vld [tilespmem:s26+$0xA230]  }
0x2f3: {  	v10 =	vld [tilespmem:s26+$0xA330]  }
0x2f4: {  	v16 =	vld [tilespmem:s26+$0xA430]  }
0x2f5: {  	v13 =	vld [tilespmem:s26+$0xA530]  }
0x2f6: {  	v12 =	vld [tilespmem:s26+$0xA630]  }
0x2f7: {  	v11 =	vld [tilespmem:s26+$0xA730];
	v8 =	vadd.s32 v15, v8  }
0x2f8: {  	v9 =	vld [tilespmem:s26+$0xA830];
	v8 =	vadd.s32 v10, v8  }
0x2f9: {  	s24 =	simm.s32 $0x0;
	v10 =	vadd.s32 v16, v8;
	v8 =	vld [tilespmem:s26+$0xA930]  }
0x2fa: {  	s29 =	simm.s32 $0xFFFFFF00;
	s30 =	simm.s32 $0xFFFFFEC0;
	s28 =	simm.s32 $0xFFFFFF40;
	v7 =	vbroadcast v7, $0x0;
	v13 =	vadd.s32 v13, v10;
	v10 =	vld [tilespmem:s26+$0xAA30];
	v14, _, _ =	vpop (xrf0)  }
.LBB2_56:
0x2fb: {  	p1 =	sne.s32 s30, $0xFFFFFC40;
	v12 =	vadd.s32 v12, v13;
	v13 =	vld [tilespmem:s26+$0xAB30];
	v14 =	vperm.xlane v14, v4  }
0x2fc: {  	s0 =	sshra.s32 s28, $0x2;
	s28 =	smov.u32 s29;
	s29 =	smov.u32 s30;
	v11 =	vadd.s32 v11, v12;
	v12 =	vld [tilespmem:s26+$0xAC30]  }
0x2fd: {  	v15 =	vld [tilespmem:s0+$0x9D30];
	v9 =	vadd.s32 v9, v11;
	v11 =	vadd.s32 v7, v14  }
0x2fe: {  	v14 =	vld [tilespmem:s0+$0x9E30];
	v8 =	vadd.s32 v8, v9;
	[tilespmem:s25+$0xAD30] =	vst v11;
	v7 =	vbroadcast v11, $0x0;
	vm0 =	vge.s32 v11, v6;
	s25 =	smov.u32 s26;
	s26 =	smov.u32 s0  }
0x2ff: {  	v9 =	vld [tilespmem:s26+$0x9F30];
	v8 =	vadd.s32 v10, v8;
	v10 =	vmpcnt.ones.xlane vm0  }
0x300: {  	v11 =	vld [tilespmem:s26+$0xA030];
	v8 =	vadd.s32 v13, v8;
	s0 =	spop (v2sf)  }
0x301: {  	v13 =	vld [tilespmem:s26+$0xA130];
	v8 =	vadd.s32 v12, v8;
	(v2sf) =	vpush v10, $0x0;
	s24 =	sadd.s32 s24, s0  }
0x302: {  	v10 =	vld [tilespmem:s26+$0xA230];
	v8 =	vperm.xlane v8, v4  }
0x303: {  	v12 =	vadd.s32 v15, v14;
	v14 =	vld [tilespmem:s26+$0xA330]  }
0x304: {  	v9 =	vadd.s32 v9, v12;
	v15 =	vld [tilespmem:s26+$0xA430];
	(xrf0) =	vadd.scan.msk.s32 $0xffff, v8  }
0x305: {  	v8 =	vadd.s32 v11, v9;
	v16 =	vld [tilespmem:s26+$0xA530]  }
.Ltmp31:
0x306: {  	v8 =	vadd.s32 v13, v8;
	v12 =	vld [tilespmem:s26+$0xA630];
	(pc) =	sbr.rel @p1 .LBB2_56-.Ltmp31, $4  }
0x307: {  	v8 =	vadd.s32 v10, v8;
	v11 =	vld [tilespmem:s26+$0xA730]  }
0x308: {  	v8 =	vadd.s32 v14, v8;
	v9 =	vld [tilespmem:s26+$0xA830]  }
0x309: {  	v10 =	vadd.s32 v15, v8;
	v8 =	vld [tilespmem:s26+$0xA930]  }
0x30a: {  	s30 =	sadd.s32 $0xFFFFFFC0, s30;
	v13 =	vadd.s32 v16, v10;
	v10 =	vld [tilespmem:s26+$0xAA30];
	v14, _, _ =	vpop (xrf0)  }
0x30b: {  	v15 =	vld [tilespmem:s26+$0xAB30];
	v14 =	vperm.xlane v14, v4;
	v12 =	vadd.s32 v12, v13  }
0x30c: {  	s28 =	sshra.s32 s28, $0x2;
	v16 =	vld [tilespmem:s26+$0xAC30];
	v11 =	vadd.s32 v11, v12  }
0x30d: {  	v32 =	vld [tilespmem:s28+$0x9D30];
	v7 =	vadd.s32 v7, v14;
	v9 =	vadd.s32 v9, v11  }
0x30e: {  	v33 =	vld [tilespmem:s28+$0x9E30];
	[tilespmem:s25+$0xAD30] =	vst v7;
	v8 =	vadd.s32 v8, v9  }
0x30f: {  	v34 =	vld [tilespmem:s28+$0x9F30];
	v8 =	vadd.s32 v10, v8  }
0x310: {  	v35 =	vld [tilespmem:s28+$0xA030];
	v8 =	vadd.s32 v15, v8  }
0x311: {  	v36 =	vld [tilespmem:s28+$0xA130];
	v8 =	vadd.s32 v16, v8  }
0x312: {  	v37 =	vld [tilespmem:s28+$0xA230];
	v8 =	vperm.xlane v8, v4  }
0x313: {  	v38 =	vld [tilespmem:s28+$0xA330]  }
0x314: {  	v39 =	vld [tilespmem:s28+$0xA430];
	(xrf0) =	vadd.scan.msk.s32 $0xffff, v8  }
0x315: {  	v40 =	vld [tilespmem:s28+$0xA530]  }
0x316: {  	v17 =	vld [tilespmem:s28+$0xA630]  }
0x317: {  	v18 =	vld [tilespmem:s28+$0xA730]  }
0x318: {  	v19 =	vld [tilespmem:s28+$0xA830]  }
0x319: {  	v20 =	vld [tilespmem:s28+$0xA930]  }
0x31a: {  	v21 =	vld [tilespmem:s28+$0xAA30];
	v22, _, _ =	vpop (xrf0)  }
0x31b: {  	v24 =	vbroadcast v7, $0x0;
	v23 =	vld [tilespmem:s28+$0xAB30];
	v22 =	vperm.xlane v22, v4  }
0x31c: {  	s25 =	sshra.s32 s29, $0x2;
	v25 =	vld [tilespmem:s28+$0xAC30]  }
0x31d: {  	v26 =	vld [tilespmem:s25+$0x9D30];
	v22 =	vadd.s32 v24, v22  }
0x31e: {  	v41 =	vld [tilespmem:s25+$0x9E30];
	[tilespmem:s26+$0xAD30] =	vst v22  }
0x31f: {  	v27 =	vld [tilespmem:s25+$0x9F30]  }
0x320: {  	v12 =	vadd.s32 v32, v33;
	v42 =	vld [tilespmem:s25+$0xA030]  }
0x321: {  	v9 =	vadd.s32 v34, v12;
	v43 =	vld [tilespmem:s25+$0xA130]  }
0x322: {  	v9 =	vadd.s32 v35, v9;
	v44 =	vld [tilespmem:s25+$0xA230]  }
0x323: {  	v45 =	vadd.s32 v26, v41;
	v9 =	vadd.s32 v36, v9;
	v46 =	vld [tilespmem:s25+$0xA330]  }
0x324: {  	v9 =	vadd.s32 v37, v9;
	v47 =	vld [tilespmem:s25+$0xA430];
	v11 =	vadd.s32 v27, v45  }
0x325: {  	v9 =	vadd.s32 v38, v9;
	v48 =	vld [tilespmem:s25+$0xA530];
	v11 =	vadd.s32 v42, v11  }
0x326: {  	v9 =	vadd.s32 v39, v9;
	v49 =	vld [tilespmem:s25+$0xA630];
	v11 =	vadd.s32 v43, v11  }
0x327: {  	v8 =	vadd.s32 v40, v9;
	v51 =	vld [tilespmem:s25+$0xA730];
	v50 =	vadd.s32 v44, v11  }
0x328: {  	v8 =	vadd.s32 v17, v8;
	v52 =	vld [tilespmem:s25+$0xA830];
	v9 =	vadd.s32 v46, v50  }
0x329: {  	v8 =	vadd.s32 v18, v8;
	v53 =	vld [tilespmem:s25+$0xA930];
	v9 =	vadd.s32 v47, v9  }
0x32a: {  	v8 =	vadd.s32 v19, v8;
	v54 =	vld [tilespmem:s25+$0xAA30];
	v9 =	vadd.s32 v48, v9  }
0x32b: {  	v8 =	vadd.s32 v20, v8;
	v55 =	vld [tilespmem:s25+$0xAB30];
	v9 =	vadd.s32 v49, v9  }
0x32c: {  	v8 =	vadd.s32 v21, v8;
	v56 =	vld [tilespmem:s25+$0xAC30];
	v9 =	vadd.s32 v51, v9  }
0x32d: {  	v8 =	vadd.s32 v23, v8;
	v9 =	vadd.s32 v52, v9  }
0x32e: {  	v8 =	vadd.s32 v25, v8;
	v9 =	vadd.s32 v53, v9  }
0x32f: {  	v8 =	vperm.xlane v8, v4;
	v9 =	vadd.s32 v54, v9  }
0x330: {  	v9 =	vadd.s32 v55, v9  }
0x331: {  	(xrf0) =	vadd.scan.msk.s32 $0xffff, v8;
	v57 =	vadd.s32 v56, v9  }
0x332: {  	v8 =	vperm.xlane v57, v4;
	_ =	sdelay $0x1  }
0x333: {  	(xrf0) =	vadd.scan.msk.s32 $0xffff, v8;
	_ =	sdelay $0x2  }
0x334: {  	v58, _, _ =	vpop (xrf0)  }
0x335: {  	v59 =	vbroadcast v22, $0x0;
	v8 =	vperm.xlane v58, v4;
	_ =	sdelay $0x1  }
0x336: {  	v8 =	vadd.s32 v59, v8;
	v60, _, _ =	vpop (xrf0)  }
0x337: {  	vm0 =	vge.s32 v7, v6;
	v7 =	vbroadcast v8, $0x0;
	v9 =	vperm.xlane v60, v4  }
0x338: {  	v61 =	vmpcnt.ones.xlane vm0;
	vm13 =	vge.s32 v22, v6  }
0x339: {  	v62 =	vmpcnt.ones.xlane vm13;
	vm14 =	vge.s32 v8, v6;
	v7 =	vadd.s32 v7, v9  }
0x33a: {  	(v2sf) =	vpush v61, $0x0;
	v63 =	vmpcnt.ones.xlane vm14;
	vm15 =	vge.s32 v7, v6  }
0x33b: {  	(v2sf) =	vpush v62, $0x0;
	v6 =	vmpcnt.ones.xlane vm15  }
0x33c: {  	(v2sf) =	vpush v63, $0x0  }
0x33d: {  	(v2sf) =	vpush v6, $0x0;
	_ =	sdelay $0xa  }
0x33e: {  	s0 =	spop (v2sf)  }
0x33f: {  	s0 =	sadd.s32 s24, s0;
	s31 =	spop (v2sf)  }
0x340: {  	s0 =	sadd.s32 s0, s31;
	s29 =	spop (v2sf)  }
0x341: {  	s0 =	sadd.s32 s0, s29;
	s30 =	spop (v2sf)  }
0x342: {  	[tilespmem:s28+$0xAD30] =	vst v8;
	s0 =	sadd.s32 s0, s30;
	s31 =	spop (v2sf)  }
0x343: {  	[tilespmem:s25+$0xAD30] =	vst v7;
	s0 =	sadd.s32 s0, s31  }
0x344: {  	v6 =	vld [tilespmem:s0+$0xAC40];
	_ =	sdelay $0x4  }
0x345: {  	v6 =	vxor.u32 $0x80000000, v6  }
0x346: {  	(xrf0) =	vmax.scan.msk.u32 $0xffff, v6;
	_ =	sdelay $0x5  }
0x347: {  	v6, _, _ =	vpop (xrf0)  }
0x348: {  	(v2sf) =	vpush v6, $0xF;
	_ =	sdelay $0xa  }
.Ltmp32:
0x349: {  	_ = 	snop;
	(pc) =	sbr.rel @p0 .LBB2_64-.Ltmp32, $2  }
0x34a: {  	_ =	sdelay $0x2  }
0x34b: {  	s24 =	spop (v2sf)  }
0x34c: {  	s25 =	simm.s32 $0x0  }
0x34d: {  	v6 =	vld [tilespmem:s25+$0x0];
	_ =	sdelay $0x2  }
0x34e: {  	p1 =	sne.s32 s23, $0x1  }
.Ltmp33:
0x34f: {  	s0 =	sadd.s32 $0xFFFFFFFF, s0;
	(pc) =	sbr.rel @!p1 .LBB2_59-.Ltmp33, $4  }
0x350: {  	v7 =	vmov s0;
	v9 =	vor.u32 s25, v0;
	v8 =	vand.u32 $0xFF, v6  }
0x351: {  	vm0 =	vlt.s32 v9, v5;
	vm1 =	vgt.s32 v8, v7;
	vm2 =	veq.s32 v8, v7  }
0x352: {  	s26 =	simm.s32 $0x4E20;
	vm1 =	vmand vm0, vm1;
	vm0 =	vmand vm0, vm2  }
0x353: {  	p0 =	por $0x0, $0x0;
	s0 =	sadd.s32 $0xFFFFFFFF, s23;
	v8 =	vld [tilespmem:s26+$0x0];
	v10 =	vmpcnt.ones.xlane vm1;
	v9 =	vmpcnt.ones.xlane vm0  }
0x354: {  	_ = 	snop  }
0x355: {  	(v2sf) =	vpush v10, $0x0  }
0x356: {  	(v2sf) =	vpush v9, $0x0  }
0x357: {  	[tilespmem:s21+$0xAD50] =	vst.msk vm1, v6  }
0x358: {  	[tilespmem:s21+$0xAE30] =	vst.msk vm1, v8  }
0x359: {  	[tilespmem:s25+$0x0] =	vst.msk vm0, v6  }
0x35a: {  	s23 =	simm.s32 $0x10;
	[tilespmem:s25+$0x4E20] =	vst.msk vm0, v8  }
0x35b: {  	v6 =	vld [tilespmem:s23+$0x0];
	_ =	sdelay $0x3  }
0x35c: {  	p1 =	sne.s32 s0, $0x1  }
.Ltmp34:
0x35d: {  	v10 =	vor.u32 s23, v0;
	v8 =	vand.u32 $0xFF, v6;
	(pc) =	sbr.rel @!p1 .LBB2_61-.Ltmp34, $4  }
0x35e: {  	s30 =	simm.s32 $0x4E30;
	vm0 =	vlt.s32 v10, v5;
	vm1 =	vgt.s32 v8, v7  }
0x35f: {  	vm2 =	veq.s32 v8, v7;
	v8 =	vld [tilespmem:s30+$0x0];
	vm1 =	vmand vm0, vm1  }
0x360: {  	s29 =	sadd.s32 $0xFFFFFFFF, s0;
	p0 =	por $0x1, $0x1;
	s26 =	smov.u32 s21;
	vm0 =	vmand vm0, vm2;
	v10 =	vmpcnt.ones.xlane vm1  }
0x361: {  	s28 =	simm.s32 $0x0;
	s31 =	simm.s32 $0x10;
	v9 =	vmpcnt.ones.xlane vm0;
	s0 =	spop (v2sf)  }
.LBB2_62:
0x362: {  	p1 =	sne.s32 s29, $0x1;
	(v2sf) =	vpush v10, $0x0;
	s26 =	sadd.s32 s26, s0;
	s0 =	spop (v2sf)  }
0x363: {  	s29 =	sadd.s32 $0xFFFFFFFF, s29;
	[tilespmem:s26+$0xAD50] =	vst.msk vm1, v6;
	(v2sf) =	vpush v9, $0x0;
	s28 =	sadd.s32 s28, s0  }
0x364: {  	[tilespmem:s26+$0xAE30] =	vst.msk vm1, v8  }
0x365: {  	[tilespmem:s28+$0x0] =	vst.msk vm0, v6  }
0x366: {  	[tilespmem:s28+$0x4E20] =	vst.msk vm0, v8  }
0x367: {  	s23 =	sadd.s32 $0x10, s23  }
0x368: {  	v6 =	vld [tilespmem:s23+$0x0];
	_ =	sdelay $0x3  }
0x369: {  	s31 =	sadd.s32 $0x10, s31  }
.Ltmp35:
0x36a: {  	v9 =	vor.u32 s31, v0;
	v8 =	vand.u32 $0xFF, v6;
	(pc) =	sbr.rel @p1 .LBB2_62-.Ltmp35, $4  }
0x36b: {  	s30 =	sadd.s32 $0x10, s30;
	vm0 =	vlt.s32 v9, v5;
	vm1 =	vgt.s32 v8, v7;
	vm2 =	veq.s32 v8, v7  }
0x36c: {  	v8 =	vld [tilespmem:s30+$0x0];
	vm1 =	vmand vm0, vm1;
	vm0 =	vmand vm0, vm2  }
0x36d: {  	v10 =	vmpcnt.ones.xlane vm1;
	v9 =	vmpcnt.ones.xlane vm0  }
0x36e: {  	s0 =	spop (v2sf)  }
.LBB2_63:
0x36f: {  	(v2sf) =	vpush v10, $0x0  }
0x370: {  	(v2sf) =	vpush v9, $0x0;
	_ =	sdelay $0x9  }
0x371: {  	s0 =	sadd.s32 @p0 s26, s0  }
0x372: {  	s23 =	spop @p0 (v2sf);
	s21 =	smov.u32 @p0 s0  }
0x373: {  	s0 =	sadd.s32 @p0 s28, s23;
	[tilespmem:s21+$0xAD50] =	vst.msk vm1, v6  }
0x374: {  	s25 =	smov.u32 @p0 s0;
	[tilespmem:s21+$0xAE30] =	vst.msk vm1, v8  }
0x375: {  	[tilespmem:s25+$0x0] =	vst.msk vm0, v6;
	s30 =	spop (v2sf)  }
0x376: {  	[tilespmem:s25+$0x4E20] =	vst.msk vm0, v8;
	s21 =	sadd.s32 s21, s30;
	s31 =	spop (v2sf)  }
.LBB2_64:
0x377: {  	s0 =	sxor.u32 $0x80000000, s24  }
0x378: {  	s0 =	ssub.s32 s22, s0  }
0x379: {  	s22 =	sadd.s32 $0xF, s0  }
0x37a: {  	s23 =	sand.u32 $0xF, s22  }
0x37b: {  	s31 =	sshra.s32 s22, $0x1F;
	p1 =	slt.s32 s22, $0x1;
	p0 =	sne.s32 s23, $0x0  }
0x37c: {  	s23 =	sshrl.u32 s31, $0x1C;
	p0 =	por !p1, !p0  }
0x37d: {  	s22 =	sadd.s32 s23, s22;
	s23 =	simm.s32 $0x1;
	p0 =	por !p0, !p0  }
0x37e: {  	s22 =	sshra.s32 s22, $0x4;
	s23 =	simm.s32 @!p0 $0x0  }
0x37f: {  	s24 =	ssub.s32 s22, s23  }
0x380: {  	p0 =	slt.s32 s24, $0x1  }
.Ltmp36:
0x381: {  	_ = 	snop;
	(pc) =	sbr.rel @p0 .LBB2_75-.Ltmp36, $1  }
0x382: {  	_ =	sdelay $0x3  }
0x383: {  	p3 =	seq.s32 s24, $0x1  }
.Ltmp37:
0x384: {  	_ = 	snop;
	(pc) =	sbr.rel @p3 .LBB2_66-.Ltmp37, $3  }
0x385: {  	_ =	sdelay $0x1  }
0x386: {  	v5 =	vmov s0;
	s23 =	simm.s32 $0x0;
	s22 =	simm.s32 $0x4E20;
	s0 =	sadd.s32 $0xFFFFFFFF, s24  }
0x387: {  	p0 =	por $0x0, $0x0;
	p1 =	por $0x0, $0x0;
	p2 =	por $0x0, $0x0  }
0x388: {  	p3 =	seq.s32 s0, $0x1  }
.Ltmp38:
0x389: {  	_ = 	snop;
	(pc) =	sbr.rel @p3 .LBB2_68-.Ltmp38, $4  }
0x38a: {  	_ = 	snop  }
0x38b: {  	v6 =	vor.u32 s23, v0  }
0x38c: {  	vm1 =	vlt.s32 v6, v5  }
0x38d: {  	s0 =	sadd.s32 $0xFFFFFFFF, s0;
	p0 =	por $0x1, $0x1;
	v7 =	vmpcnt.ones.xlane vm1  }
0x38e: {  	_ = 	snop  }
0x38f: {  	(v2sf) =	vpush v7, $0x0;
	_ =	sdelay $0x6  }
0x390: {  	p3 =	seq.s32 s0, $0x1  }
.Ltmp39:
0x391: {  	_ = 	snop;
	(pc) =	sbr.rel @p3 .LBB2_70-.Ltmp39, $4  }
0x392: {  	s25 =	simm.s32 $0x10  }
0x393: {  	v6 =	vor.u32 s25, v0  }
0x394: {  	vm3 =	vlt.s32 v6, v5  }
0x395: {  	vm0 =	vmmov vm1;
	s0 =	sadd.s32 $0xFFFFFFFF, s0;
	p1 =	por $0x1, $0x1;
	v6 =	vld [tilespmem:s23+$0x0];
	v7 =	vmpcnt.ones.xlane vm3  }
0x396: {  	_ = 	snop  }
0x397: {  	(v2sf) =	vpush v7, $0x0;
	_ =	sdelay $0x1  }
0x398: {  	v8 =	vld [tilespmem:s22+$0x0]  }
0x399: {  	p3 =	seq.s32 s0, $0x1  }
.Ltmp40:
0x39a: {  	_ = 	snop;
	(pc) =	sbr.rel @p3 .LBB2_72-.Ltmp40, $4  }
0x39b: {  	s26 =	simm.s32 $0x20  }
0x39c: {  	v9 =	vor.u32 s26, v0;
	[tilespmem:s21+$0xAD50] =	vst.msk vm0, v6  }
0x39d: {  	s29 =	sadd.s32 $0xFFFFFFFF, s0;
	vm1 =	vlt.s32 v9, v5;
	[tilespmem:s21+$0xAE30] =	vst.msk vm0, v8  }
0x39e: {  	vm2 =	vmmov vm3;
	s24 =	simm.s32 $0x4E30;
	p2 =	por $0x1, $0x1;
	s28 =	smov.u32 s21;
	v7 =	vmpcnt.ones.xlane vm1;
	v8 =	vld [tilespmem:s25+$0x0]  }
.LBB2_73:
0x39f: {  	p3 =	seq.s32 s29, $0x1;
	v9 =	vld [tilespmem:s24+$0x0]  }
0x3a0: {  	(v2sf) =	vpush v7, $0x0  }
.Ltmp41:
0x3a1: {  	s0 =	spop (v2sf);
	(pc) =	sbr.rel @!p3 .LBB2_73-.Ltmp41, $4  }
0x3a2: {  	s26 =	sadd.s32 $0x10, s26;
	s28 =	sadd.s32 s28, s0  }
0x3a3: {  	v7 =	vor.u32 s26, v0;
	[tilespmem:s28+$0xAD50] =	vst.msk vm2, v8  }
0x3a4: {  	s25 =	sadd.s32 $0x10, s25;
	[tilespmem:s28+$0xAE30] =	vst.msk vm2, v9;
	vm2 =	vmmov vm1;
	vm1 =	vlt.s32 v7, v5  }
0x3a5: {  	s29 =	sadd.s32 $0xFFFFFFFF, s29;
	s24 =	sadd.s32 $0x10, s24;
	v7 =	vmpcnt.ones.xlane vm1;
	v8 =	vld [tilespmem:s25+$0x0]  }
.LBB2_74:
0x3a6: {  	s0 =	sadd.s32 @p0 $0x10, s26;
	s26 =	simm.s32 $0x0  }
0x3a7: {  	v9 =	vld @p1 [tilespmem:s24+$0x0];
	s26 =	smov.u32 @p0 s0  }
0x3a8: {  	(v2sf) =	vpush @p0 v7, $0x0;
	s0 =	spop @p2 (v2sf);
	v7 =	vor.u32 s26, v0  }
0x3a9: {  	s0 =	sadd.s32 @p2 s28, s0;
	s26 =	smov.u32 s21;
	vm3 =	vlt.s32 v7, v5  }
0x3aa: {  	s26 =	smov.u32 @p2 s0;
	v5 =	vmpcnt.ones.xlane vm3  }
0x3ab: {  	s0 =	sadd.s32 @p1 $0x10, s25;
	s25 =	simm.s32 $0x0;
	[tilespmem:s26+$0xAD50] =	vst.msk @p1 vm2, v8  }
0x3ac: {  	s25 =	smov.u32 @p1 s0;
	[tilespmem:s26+$0xAE30] =	vst.msk @p1 vm2, v9;
	(v2sf) =	vpush v5, $0x0  }
0x3ad: {  	s0 =	sadd.s32 @p1 $0x10, s24;
	s24 =	simm.s32 $0x4E20;
	v5 =	vld @p0 [tilespmem:s25+$0x0]  }
0x3ae: {  	s24 =	smov.u32 @p1 s0  }
0x3af: {  	v7 =	vld @p0 [tilespmem:s24+$0x0]  }
0x3b0: {  	s0 =	spop @p1 (v2sf)  }
0x3b1: {  	vm1 =	vmmov @p0 vm1;
	s0 =	sadd.s32 @p1 s26, s0;
	s26 =	smov.u32 s21  }
0x3b2: {  	vm0 =	vmmov @p0 vm1;
	v5 =	vpsel p0, v5, v6;
	s26 =	smov.u32 @p1 s0  }
0x3b3: {  	s0 =	sadd.s32 @p0 $0x10, s25;
	[tilespmem:s26+$0xAD50] =	vst.msk @p0 vm0, v5  }
0x3b4: {  	s23 =	smov.u32 @p0 s0;
	s0 =	sadd.s32 @p0 $0x10, s24;
	[tilespmem:s26+$0xAE30] =	vst.msk @p0 vm0, v7  }
0x3b5: {  	s22 =	smov.u32 @p0 s0;
	v5 =	vld [tilespmem:s23+$0x0]  }
0x3b6: {  	v6 =	vld [tilespmem:s22+$0x0]  }
0x3b7: {  	s0 =	spop @p0 (v2sf)  }
0x3b8: {  	s0 =	sadd.s32 @p0 s26, s0  }
0x3b9: {  	vm15 =	vmmov vm3;
	s21 =	smov.u32 @p0 s0  }
0x3ba: {  	[tilespmem:s21+$0xAD50] =	vst.msk vm15, v5  }
0x3bb: {  	[tilespmem:s21+$0xAE30] =	vst.msk vm15, v6;
	s31 =	spop (v2sf)  }
.LBB2_75:
0x3bc: {  	v5 =	vld [tilespmem:$0xAE30]  }
0x3bd: {  	v6 =	vld [tilespmem:$0xAEA0]  }
0x3be: {  	v7 =	vld [tilespmem:$0xAE40]  }
0x3bf: {  	v8 =	vld [tilespmem:$0xAEB0]  }
0x3c0: {  	v9 =	vld [tilespmem:$0xAE50]  }
0x3c1: {  	v61 =	vld [tilespmem:$0xAE70];
	[tilespmem:$0xAF10] =	vst v5  }
0x3c2: {  	v5 =	vld [tilespmem:$0xAEC0];
	[tilespmem:$0xAF80] =	vst v6  }
0x3c3: {  	v6 =	vld [tilespmem:$0xAE60];
	[tilespmem:$0xAF20] =	vst v7  }
0x3c4: {  	v7 =	vld [tilespmem:$0xAED0];
	[tilespmem:$0xAF90] =	vst v8  }
0x3c5: {  	v62 =	vld [tilespmem:$0xAEE0];
	[tilespmem:$0xAF30] =	vst v9  }
0x3c6: {  	v63 =	vld [tilespmem:$0xAF00];
	[tilespmem:$0xAF50] =	vst v61  }
0x3c7: {  	[tilespmem:$0xAFA0] =	vst v5;
	v5 =	vld [tilespmem:$0xAE80]  }
0x3c8: {  	[tilespmem:$0xAF40] =	vst v6;
	v6 =	vld [tilespmem:$0xAEF0]  }
0x3c9: {  	[tilespmem:$0xAFB0] =	vst v7;
	v7 =	vld [tilespmem:$0xAE90]  }
0x3ca: {  	[tilespmem:$0xAFC0] =	vst v62  }
0x3cb: {  	[tilespmem:$0xAFE0] =	vst v63  }
0x3cc: {  	[tilespmem:$0xAF60] =	vst v5  }
0x3cd: {  	[tilespmem:$0xAFD0] =	vst v6  }
0x3ce: {  	s21 =	simm.s32 $0xAFF0;
	[tilespmem:$0xAF70] =	vst v7  }
0x3cf: {  	[tilespmem:s21], [sflag:$0x1] =	stream.indirect.gather [hbm4b:s8+s13], $0x10, s14, s13, $0xb8;
	[tilespmem:$0xBDF0] =	vst v63  }
0x3d0: {  	_ = 	snop  }
0x3d1: {  	[tilespmem:s16], [sflag:$0x1] =	stream.indirect.gather [hbm4b:s8+s13], $0x10, s15, s13, $0xb8;
	[tilespmem:$0xBDF0] =	vst v63  }
0x3d2: {  	_ =	swait.ge [sflag:s12], $0x700  }
0x3d3: {  	[sflag:s12] =	ssyncset.done $0x0  }
0x3d4: {  	[sflag:s12] =	ssyncadd.s32 $0xFFFFF900  }
0x3d5: {  	s0 =	smul.u32 $0x19, s20;
	_ =	swait.ge [sflag:s12], $0x700  }
0x3d6: {  	s22 =	simm.s32 $0x0;
	[sflag:s12] =	ssyncset.done $0x0  }
0x3d7: {  	s31 =	smul.u32 $0x640, s20;
	s0 =	sadd.s32 s2, s0;
	[sflag:s12] =	ssyncadd.s32 $0xFFFFF900  }
0x3d8: {  	[hbm4b:s0+s22] =	stream.linear.scatter [tilespmem:s17], [sflag:$0x2], $0xC8, $0x38;
	[tilespmem:$0xBDF0] =	vst v63  }
0x3d9: {  	s0 =	sshrl.u32 s31, $0x3;
	_ =	swait.ge [sflag:s10], $0xC8  }
0x3da: {  	s20 =	simm.s32 $0x1;
	s0 =	sadd.s32 s5, s0;
	[sflag:s10] =	ssyncset.done $0x0  }
0x3db: {  	s22 =	simm.s32 $0xB000;
	s23 =	sadd.s32 $0x0, s0;
	[sflag:s10] =	ssyncadd.s32 $0xFFFFFF38  }
.LBB2_76:
0x3dc: {  	[hbm4b:s23+s3] =	stream.linear.scatter [tilespmem:s21], [sflag:$0x2], $0x4, $0x38;
	[tilespmem:$0xBDF0] =	vst v63  }
0x3dd: {  	s23 =	smov.u32 s20;
	s21 =	smov.u32 s22;
	p0 =	sne.s32 s20, $0x6F  }
.Ltmp42:
0x3de: {  	s20 =	sadd.s32 $0x1, s20;
	(pc) =	sbr.rel @p0 .LBB2_76-.Ltmp42, $2  }
0x3df: {  	_ =	sdelay $0x2  }
0x3e0: {  	s22 =	sadd.s32 $0x10, s22;
	s23 =	sadd.s32 s23, s0  }
0x3e1: {  	[hbm4b:s23+s3] =	stream.linear.scatter [tilespmem:s21], [sflag:$0x2], $0x4, $0x38;
	[tilespmem:$0xBDF0] =	vst v63  }
0x3e2: {  	s0 =	sadd.s32 $0x70, s0;
	_ =	swait.ge [sflag:s10], $0x1C0  }
0x3e3: {  	s20 =	simm.s32 $0xB6F0;
	s21 =	simm.s32 $0x1;
	[sflag:s10] =	ssyncset.done $0x0  }
0x3e4: {  	s22 =	simm.s32 $0xB700;
	s23 =	sadd.s32 $0x0, s0;
	[sflag:s10] =	ssyncadd.s32 $0xFFFFFE40  }
.LBB2_78:
0x3e5: {  	[hbm4b:s23+s3] =	stream.linear.scatter [tilespmem:s20], [sflag:$0x2], $0x4, $0x38;
	[tilespmem:$0xBDF0] =	vst v63  }
0x3e6: {  	s23 =	smov.u32 s21;
	s20 =	smov.u32 s22;
	p0 =	sne.s32 s21, $0x57  }
.Ltmp43:
0x3e7: {  	s21 =	sadd.s32 $0x1, s21;
	(pc) =	sbr.rel @p0 .LBB2_78-.Ltmp43, $2  }
0x3e8: {  	_ =	sdelay $0x2  }
0x3e9: {  	s22 =	sadd.s32 $0x10, s22;
	s23 =	sadd.s32 s23, s0  }
0x3ea: {  	[hbm4b:s23+s3] =	stream.linear.scatter [tilespmem:s20], [sflag:$0x2], $0x4, $0x38;
	[tilespmem:$0xBDF0] =	vst v63  }
0x3eb: {  	s19 =	sadd.s32 $0x1, s19  }
0x3ec: {  	p0 =	sne.s32 s19, $0x14  }
.Ltmp44:
0x3ed: {  	_ = 	snop;
	(pc) =	sbr.rel @p0 .LBB2_2-.Ltmp44, $4  }
.Ltmp45:
0x3ee: {  	_ = 	snop;
	(pc) =	sbr.rel @!p0 .LBB2_80-.Ltmp45, $4  }
0x3ef: {  	_ =	swait.ge [sflag:s10], $0x160  }
0x3f0: {  	[sflag:s10] =	ssyncset.done $0x0  }
0x3f1: {  	[sflag:s10] =	ssyncadd.s32 $0xFFFFFEA0  }
0x3f2: {  	_ = 	snop  }
.LBB2_14:
.Ltmp46:
0x3f3: {  	(pc) =	sbr.rel .LBB2_18-.Ltmp46, $2  }
0x3f4: {  	_ =	sdelay $0x2  }
0x3f5: {  	s25 =	simm.s32 $0x0  }
.LBB2_23:
.Ltmp47:
0x3f6: {  	(pc) =	sbr.rel .LBB2_27-.Ltmp47, $2  }
0x3f7: {  	_ =	sdelay $0x2  }
0x3f8: {  	s26 =	smov.u32 s21;
	s28 =	simm.s32 $0x0  }
.LBB2_32:
.Ltmp48:
0x3f9: {  	(pc) =	sbr.rel .LBB2_36-.Ltmp48, $2  }
0x3fa: {  	_ =	sdelay $0x2  }
0x3fb: {  	s25 =	simm.s32 $0x0  }
.LBB2_41:
.Ltmp49:
0x3fc: {  	(pc) =	sbr.rel .LBB2_45-.Ltmp49, $2  }
0x3fd: {  	_ =	sdelay $0x2  }
0x3fe: {  	s26 =	smov.u32 s21;
	s28 =	simm.s32 $0x0  }
.LBB2_50:
.Ltmp50:
0x3ff: {  	(pc) =	sbr.rel .LBB2_54-.Ltmp50, $2  }
0x400: {  	_ =	sdelay $0x2  }
0x401: {  	s25 =	simm.s32 $0x0  }
.LBB2_59:
.Ltmp51:
0x402: {  	(pc) =	sbr.rel .LBB2_63-.Ltmp51, $2  }
0x403: {  	_ =	sdelay $0x2  }
0x404: {  	s26 =	smov.u32 s21;
	s28 =	simm.s32 $0x0  }
.LBB2_66:
.Ltmp52:
0x405: {  	(pc) =	sbr.rel .LBB2_74-.Ltmp52, $3  }
0x406: {  	_ =	sdelay $0x1  }
0x407: {  	s24 =	simm.s32 $0x4E20  }
0x408: {  	s26 =	simm.s32 $0x0;
	s28 =	smov.u32 s21;
	s25 =	simm.s32 $0x0  }
.LBB2_16:
.Ltmp53:
0x409: {  	(pc) =	sbr.rel .LBB2_18-.Ltmp53, $2  }
0x40a: {  	_ =	sdelay $0x2  }
0x40b: {  	s25 =	simm.s32 $0x0  }
.LBB2_25:
.Ltmp54:
0x40c: {  	(pc) =	sbr.rel .LBB2_27-.Ltmp54, $2  }
0x40d: {  	_ =	sdelay $0x2  }
0x40e: {  	s26 =	smov.u32 s21;
	s28 =	simm.s32 $0x0  }
.LBB2_34:
.Ltmp55:
0x40f: {  	(pc) =	sbr.rel .LBB2_36-.Ltmp55, $2  }
0x410: {  	_ =	sdelay $0x2  }
0x411: {  	s25 =	simm.s32 $0x0  }
.LBB2_43:
.Ltmp56:
0x412: {  	(pc) =	sbr.rel .LBB2_45-.Ltmp56, $2  }
0x413: {  	_ =	sdelay $0x2  }
0x414: {  	s26 =	smov.u32 s21;
	s28 =	simm.s32 $0x0  }
.LBB2_52:
.Ltmp57:
0x415: {  	(pc) =	sbr.rel .LBB2_54-.Ltmp57, $2  }
0x416: {  	_ =	sdelay $0x2  }
0x417: {  	s25 =	simm.s32 $0x0  }
.LBB2_61:
.Ltmp58:
0x418: {  	(pc) =	sbr.rel .LBB2_63-.Ltmp58, $2  }
0x419: {  	_ =	sdelay $0x2  }
0x41a: {  	s26 =	smov.u32 s21;
	s28 =	simm.s32 $0x0  }
.LBB2_68:
.Ltmp59:
0x41b: {  	(pc) =	sbr.rel .LBB2_74-.Ltmp59, $3  }
0x41c: {  	_ =	sdelay $0x1  }
0x41d: {  	s24 =	simm.s32 $0x4E20  }
0x41e: {  	s26 =	simm.s32 $0x0;
	s28 =	smov.u32 s21;
	s25 =	simm.s32 $0x0  }
.LBB2_70:
.Ltmp60:
0x41f: {  	_ = 	snop;
	(pc) =	sbr.rel .LBB2_74-.Ltmp60, $3  }
0x420: {  	_ =	sdelay $0x1  }
0x421: {  	s24 =	simm.s32 $0x4E20  }
0x422: {  	s26 =	simm.s32 $0x10;
	s28 =	smov.u32 s21;
	vm2 =	vmmov vm0;
	s25 =	simm.s32 $0x0;
	vm1 =	vmmov vm3;
	v8 =	vmov v6  }
.LBB2_72:
.Ltmp61:
0x423: {  	(pc) =	sbr.rel .LBB2_74-.Ltmp61, $2  }
0x424: {  	_ =	sdelay $0x2  }
0x425: {  	s28 =	smov.u32 s21  }
.LBB2_81:
0x426: {  	_ =	sfence.sel $0x180000  }
0x427: {  	[bflag:$0x0] =	sbarrier.arrive $0xFFFF  }
0x428: {  	_ =	strace $0x90000047  }
0x429: {  	[bflag:$0x2] =	sbarrier.arrive $0xFFFF  }
0x42a: {  	p0 =	sne.s32 s1, $0x0;
	s0 =	rddreg [dreg:$0x2]  }
0x42b: {  	s0 =	sadd.s32 @!p0 $0x100000, s0  }
0x42c: {  	[sflag:s0] =	ssyncadd.tile.s32 @!p0 $0x1;
	_ =	shalt  }
.Lfunc_end2:
_tile_overlayer_lowered:
.L_overlay_start_2:
0x42d: {  	(tag) =	ssettag $0x2  }
0x42e: {  	s0 =	rddreg [dreg:$0x0];
	s2 =	stileid.u32  }
0x42f: {  	s1 =	rddreg [dreg:$0x1];
	p0 =	sne.s32 s2, $0x0  }
0x430: {  	s3 =	rddreg [dreg:$0x2];
	[bflag:$0x3] =	sbarrier.arrive $0xFFFF;
	s2 =	simm.s32 @!p0 $0x1C02  }
0x431: {  	[timem:s3], [sflag:s2] =	dma.local @!p0 [hbm:s0], s1  }
0x432: {  	s0 =	simm.s32 @!p0 $0x2  }
0x433: {  	_ =	swait.ge @!p0 [sflag:s0], s1  }
0x434: {  	s1 =	ssub.s32 @!p0 $0x0, s1;
	[sflag:s0] =	ssyncset.done @!p0 $0x0  }
0x435: {  	[sflag:s0] =	ssyncadd.s32 @!p0 s1  }
0x436: {  	[bflag:$0x3] =	sbarrier.arrive $0xFFFF  }
0x437: {  	_ =	shalt  }

</sc_bundles>
